<compile_context>
chip_gen: v7x
topology: tpu7x:2x2x1
jax: 0.10.2.dev20260603
libtpu: 0.0.44.dev20260713+nightly
codegen_flags: <defaults>
</compile_context>

<pallas_src>
import functools

import jax
import jax.numpy as jnp
from jax import lax
from jax.experimental import pallas as pl
from jax.experimental.pallas import tpu as pltpu
from jax.experimental.pallas import tpu_sc as plsc

N = 10000
K = 16
DV = 128
DE = 128
DH = 128
SCALE = 30.0
BLK = 1000
EBLK = BLK * K
GRID = N // BLK
CH = 128
S = 1


def _gelu(x):
    return 0.5 * x * (1.0 + lax.erf(x * 0.7071067811865476))


def _ln(x, g, b, eps=1e-5):
    m = jnp.mean(x, axis=-1, keepdims=True)
    v = jnp.mean((x - m) ** 2, axis=-1, keepdims=True)
    return (x - m) * lax.rsqrt(v + eps) * g + b


def _pre_body(x_ref, w_ref, o_ref):
    o_ref[...] = jnp.dot(x_ref[...], w_ref[...],
                         preferred_element_type=jnp.float32)


def _pre_matmul(x, w):
    n = x.shape[0]
    return pl.pallas_call(
        _pre_body,
        out_shape=jax.ShapeDtypeStruct((n, w.shape[1]), jnp.float32),
    )(x, w)


KF = 6


def _sc_gather(table, idx1d):
    E = idx1d.shape[0]
    nch = E // CH
    D = table.shape[1]
    info = plsc.get_sparse_core_info()
    NW = info.num_cores * info.num_subcores
    per = nch // NW
    rem = nch - per * NW
    n_outer = (per + 1 + KF - 1) // KF
    mesh = plsc.VectorSubcoreMesh(core_axis_name="c", subcore_axis_name="s")

    @functools.partial(
        pl.kernel,
        mesh=mesh,
        out_type=jax.ShapeDtypeStruct((E, D), jnp.float32),
        scratch_types=(
            [pltpu.VMEM(((per + 1) * CH,), jnp.int32)]
            + [pltpu.VMEM((CH, D), jnp.float32)] * KF
            + [pltpu.SemaphoreType.DMA] * (2 * KF)
        ),
    )
    def k(table_hbm, idx_hbm, out_hbm, idx_v, *bufs):
        rows = bufs[:KF]
        sem_g = bufs[KF:2 * KF]
        sem_w = bufs[2 * KF:]
        wid = lax.axis_index("s") * info.num_cores + lax.axis_index("c")
        n_i = per + jnp.where(wid < rem, 1, 0)
        base_c = wid * per + jnp.minimum(wid, rem)

        base_e = base_c * CH

        pltpu.sync_copy(idx_hbm.at[pl.ds(base_e, per * CH)],
                        idx_v.at[pl.ds(0, per * CH)])

        @pl.when(wid < rem)
        def _():
            pltpu.sync_copy(idx_hbm.at[pl.ds(base_e + per * CH, CH)],
                            idx_v.at[pl.ds(per * CH, CH)])

        n_full = n_i // KF

        def outer(o, carry):
            hs = []
            for b in range(KF):
                i = o * KF + b

                @pl.when(o > 0)
                def _(b=b):
                    pltpu.make_async_copy(
                        rows[b], out_hbm.at[pl.ds(0, CH)], sem_w[b]).wait()

                hs.append(pltpu.async_copy(
                    table_hbm.at[idx_v.at[pl.ds(i * CH, CH)]], rows[b], sem_g[b]))
            for b in range(KF):
                i = o * KF + b
                hs[b].wait()
                pltpu.async_copy(
                    rows[b], out_hbm.at[pl.ds((base_c + i) * CH, CH)],
                    sem_w[b])
            return carry

        lax.fori_loop(0, n_full, outer, 0)

        t0 = n_full * KF
        for b in range(KF):
            i = t0 + b

            @pl.when(n_full > 0)
            def _(b=b):
                pltpu.make_async_copy(
                    rows[b], out_hbm.at[pl.ds(0, CH)], sem_w[b]).wait()

            @pl.when(i < n_i)
            def _(b=b, i=i):
                pltpu.async_copy(
                    table_hbm.at[idx_v.at[pl.ds(i * CH, CH)]], rows[b],
                    sem_g[b]).wait()
                pltpu.async_copy(
                    rows[b], out_hbm.at[pl.ds((base_c + i) * CH, CH)],
                    sem_w[b]).wait()

    return k(table, idx1d)


def _node_body(hE_ref, g1_ref, hv_ref,
               w1s_ref, b1_ref, w1e_ref, w2_ref, b2_ref, w3_ref, b3_ref,
               win_ref, bin_ref, wout_ref, bout_ref,
               n1g_ref, n1b_ref, n2g_ref, n2b_ref, w11g_ref,
               hv2_ref, g2_ref):
    hv = hv_ref[...]
    a = jnp.dot(hv, w1s_ref[...],
                preferred_element_type=jnp.float32) + b1_ref[...]
    pre = jnp.dot(hE_ref[...], w1e_ref[...],
                  preferred_element_type=jnp.float32) + g1_ref[...]
    pre = pre.reshape(BLK, K, DH) + a[:, None, :]
    m = _gelu(pre.reshape(EBLK, DH))
    m = _gelu(jnp.dot(m, w2_ref[...],
                      preferred_element_type=jnp.float32) + b2_ref[...])
    m = jnp.dot(m, w3_ref[...],
                preferred_element_type=jnp.float32) + b3_ref[...]
    dh = jnp.sum(m.reshape(BLK, K, DV), axis=1) / SCALE
    h = _ln(hv + dh, n1g_ref[...], n1b_ref[...])
    f = jnp.dot(_gelu(jnp.dot(h, win_ref[...],
                              preferred_element_type=jnp.float32)
                      + bin_ref[...]),
                wout_ref[...], preferred_element_type=jnp.float32)
    f = f + bout_ref[...]
    h2 = _ln(h + f, n2g_ref[...], n2b_ref[...])
    hv2_ref[...] = h2
    g2_ref[...] = jnp.dot(h2, w11g_ref[...],
                          preferred_element_type=jnp.float32)


def _node_update(hE2d, gath1, hv, blk0, nblk,
                 W1s, b1, W1e, W2, b2, W3, b3,
                 Win, bin_, Wout, bout, n1g, n1b, n2g, n2b, W11g):
    full = lambda a: pl.BlockSpec(a.shape, lambda i: (0,) * a.ndim)
    return pl.pallas_call(
        _node_body,
        grid=(nblk,),
        in_specs=[
            pl.BlockSpec((EBLK, DE), lambda i: (i + blk0, 0)),
            pl.BlockSpec((EBLK, DH), lambda i: (i, 0)),
            pl.BlockSpec((BLK, DV), lambda i: (i + blk0, 0)),
            full(W1s), full(b1), full(W1e), full(W2), full(b2),
            full(W3), full(b3), full(Win), full(bin_), full(Wout),
            full(bout), full(n1g), full(n1b), full(n2g), full(n2b),
            full(W11g),
        ],
        out_specs=[
            pl.BlockSpec((BLK, DV), lambda i: (i, 0)),
            pl.BlockSpec((BLK, DH), lambda i: (i, 0)),
        ],
        compiler_params=pltpu.CompilerParams(
            vmem_limit_bytes=100 * 1024 * 1024),
        out_shape=[
            jax.ShapeDtypeStruct((nblk * BLK, DV), jnp.float32),
            jax.ShapeDtypeStruct((nblk * BLK, DH), jnp.float32),
        ],
    )(hE2d, gath1, hv, W1s, b1, W1e, W2, b2, W3, b3,
      Win, bin_, Wout, bout, n1g, n1b, n2g, n2b, W11g)


def _edge_body(hE_ref, g2_ref, hv2_ref,
               w11s_ref, b11_ref, w11e_ref, w12_ref, b12_ref,
               w13_ref, b13_ref, n3g_ref, n3b_ref, out_ref):
    hE = hE_ref[...]
    a = jnp.dot(hv2_ref[...], w11s_ref[...],
                preferred_element_type=jnp.float32) + b11_ref[...]
    pre = jnp.dot(hE, w11e_ref[...],
                  preferred_element_type=jnp.float32) + g2_ref[...]
    pre = pre.reshape(BLK, K, DH) + a[:, None, :]
    m = _gelu(pre.reshape(EBLK, DH))
    m = _gelu(jnp.dot(m, w12_ref[...],
                      preferred_element_type=jnp.float32) + b12_ref[...])
    m = jnp.dot(m, w13_ref[...],
                preferred_element_type=jnp.float32) + b13_ref[...]
    out_ref[...] = _ln(hE + m, n3g_ref[...], n3b_ref[...])


def _edge_update(hE2d, gath2, hv2, blk0, nblk, prev,
                 W11s, b11, W11e, W12, b12, W13, b13, n3g, n3b):
    full = lambda a: pl.BlockSpec(a.shape, lambda i: (0,) * a.ndim)
    args = [hE2d, gath2, hv2, W11s, b11, W11e, W12, b12, W13, b13,
            n3g, n3b]
    in_specs = [
        pl.BlockSpec((EBLK, DE), lambda i: (i + blk0, 0)),
        pl.BlockSpec((EBLK, DH), lambda i: (i, 0)),
        pl.BlockSpec((BLK, DV), lambda i: (i + blk0, 0)),
        full(W11s), full(b11), full(W11e), full(W12), full(b12),
        full(W13), full(b13), full(n3g), full(n3b),
    ]
    kw = {}
    body = _edge_body
    if prev is not None:
        body = lambda p_ref, *refs: _edge_body(*refs)
        args = [prev] + args
        in_specs = [pl.BlockSpec((8, DE), lambda i: (0, 0))] + in_specs
        kw["input_output_aliases"] = {0: 0}
    return pl.pallas_call(
        body,
        grid=(nblk,),
        in_specs=in_specs,
        out_specs=pl.BlockSpec((EBLK, DE), lambda i: (i + blk0, 0)),
        out_shape=jax.ShapeDtypeStruct((N * K, DE), jnp.float32),
        compiler_params=pltpu.CompilerParams(
            vmem_limit_bytes=100 * 1024 * 1024),
        **kw,
    )(*args)


def kernel(h_V, h_E, E_idx, mask_V, mask_attend,
           W1_w, W1_b, W2_w, W2_b, W3_w, W3_b,
           W11_w, W11_b, W12_w, W12_b, W13_w, W13_b,
           Win_w, Win_b, Wout_w, Wout_b,
           n1_g, n1_b, n2_g, n2_b, n3_g, n3_b):
    hv = h_V.reshape(N, DV)
    hE2d = h_E.reshape(N * K, DE)
    idx = E_idx.reshape(N * K).astype(jnp.int32)
    W1s, W1e, W1g = W1_w[:DV], W1_w[DV:DV + DE], W1_w[DV + DE:]
    W11s, W11e, W11g = W11_w[:DV], W11_w[DV:DV + DE], W11_w[DV + DE:]
    r = lambda b: b.reshape(1, -1)

    g1 = _pre_matmul(hv, W1g)

    nb = GRID // S
    epb = EBLK
    hv2_parts, g2_parts = [], []
    for s_i in range(S):
        gath1_s = _sc_gather(g1, idx[s_i * nb * epb:(s_i + 1) * nb * epb])
        hv2_s, g2_s = _node_update(
            hE2d, gath1_s, hv, s_i * nb, nb,
            W1s, r(W1_b), W1e, W2_w, r(W2_b), W3_w, r(W3_b),
            Win_w, r(Win_b), Wout_w, r(Wout_b),
            r(n1_g), r(n1_b), r(n2_g), r(n2_b), W11g)
        hv2_parts.append(hv2_s)
        g2_parts.append(g2_s)
    hv2 = jnp.concatenate(hv2_parts, axis=0)
    g2 = jnp.concatenate(g2_parts, axis=0)

    hE2 = None
    for s_i in range(S):
        gath2_s = _sc_gather(g2, idx[s_i * nb * epb:(s_i + 1) * nb * epb])
        hE2 = _edge_update(
            hE2d, gath2_s, hv2, s_i * nb, nb, hE2,
            W11s, r(W11_b), W11e, W12_w, r(W12_b), W13_w, r(W13_b),
            r(n3_g), r(n3_b))

    return hv2.reshape(1, N, DV), hE2.reshape(1, N, K, DE)

# --- scband reference (transcript-rebuilt; emitter-appended) ---
"""Pipeline reference for scband-enc-layer-88536455840236 (READ-ONLY COPY).

The authoritative reference and input builder live on the scoring server;
editing this copy changes nothing except your own understanding.
"""

import jax, jax.numpy as jnp
import numpy as np

B, N, K = 1, 10000, 16
DV = 128; DE = 128; DH = 128
SCALE = 30.0


def _ln(x, g, b, eps=1e-5):
    m = jnp.mean(x, axis=-1, keepdims=True)
    v = jnp.mean((x - m) ** 2, axis=-1, keepdims=True)
    return (x - m) / jnp.sqrt(v + eps) * g + b


def _gather_nodes(nodes, idx):
    # nodes: [B, N, C], idx: [B, N, K] -> [B, N, K, C]
    return jax.vmap(lambda n, i: n[i])(nodes, idx)


def _forward(E_idx, h_V, h_E, mask_V, mask_attend,
             W1_w, W1_b, W2_w, W2_b, W3_w, W3_b,
             W11_w, W11_b, W12_w, W12_b, W13_w, W13_b,
             Win_w, Win_b, Wout_w, Wout_b,
             n1_g, n1_b, n2_g, n2_b, n3_g, n3_b):
    gelu = lambda x: jax.nn.gelu(x, approximate=False)
    # cat_neighbors_nodes(h_V, h_E, E_idx)
    h_nb = jnp.concatenate([h_E, _gather_nodes(h_V, E_idx)], axis=-1)
    h_exp = jnp.broadcast_to(h_V[:, :, None, :], (B, N, K, DV))
    h_EV = jnp.concatenate([h_exp, h_nb], axis=-1)
    m = gelu(h_EV @ W1_w + W1_b)
    m = gelu(m @ W2_w + W2_b)
    m = m @ W3_w + W3_b
    m = mask_attend[..., None] * m
    dh = jnp.sum(m, axis=-2) / SCALE
    h_V2 = _ln(h_V + dh, n1_g, n1_b)  # dropout is identity in eval
    dh = gelu(h_V2 @ Win_w + Win_b) @ Wout_w + Wout_b
    h_V2 = _ln(h_V2 + dh, n2_g, n2_b)
    h_V2 = mask_V[..., None] * h_V2
    # edge update
    h_nb2 = jnp.concatenate([h_E, _gather_nodes(h_V2, E_idx)], axis=-1)
    h_exp2 = jnp.broadcast_to(h_V2[:, :, None, :], (B, N, K, DV))
    h_EV2 = jnp.concatenate([h_exp2, h_nb2], axis=-1)
    m2 = gelu(h_EV2 @ W11_w + W11_b)
    m2 = gelu(m2 @ W12_w + W12_b)
    m2 = m2 @ W13_w + W13_b
    h_E2 = _ln(h_E + m2, n3_g, n3_b)
    return (h_V2, h_E2)


def setup_inputs(seed: int = 0) -> dict:
    key = jax.random.key(seed)
    ks = jax.random.split(key, 16)
    lin = lambda k, di, do: jax.random.normal(k, (di, do), jnp.float32) * 0.05
    d1 = DE + 2 * DV
    inp = {}
    inp["h_V"] = jax.random.normal(ks[0], (B, N, DV), jnp.float32)
    inp["h_E"] = jax.random.normal(ks[1], (B, N, K, DE), jnp.float32)
    inp["E_idx"] = jax.random.randint(ks[2], (B, N, K), 0, N)
    inp["mask_V"] = jnp.ones((B, N), jnp.float32)
    inp["mask_attend"] = jnp.ones((B, N, K), jnp.float32)
    inp["W1_w"] = lin(ks[3], d1, DH); inp["W1_b"] = jnp.zeros((DH,), jnp.float32)
    inp["W2_w"] = lin(ks[4], DH, DH); inp["W2_b"] = jnp.zeros((DH,), jnp.float32)
    inp["W3_w"] = lin(ks[5], DH, DV); inp["W3_b"] = jnp.zeros((DV,), jnp.float32)
    inp["W11_w"] = lin(ks[6], d1, DH); inp["W11_b"] = jnp.zeros((DH,), jnp.float32)
    inp["W12_w"] = lin(ks[7], DH, DH); inp["W12_b"] = jnp.zeros((DH,), jnp.float32)
    inp["W13_w"] = lin(ks[8], DH, DE); inp["W13_b"] = jnp.zeros((DE,), jnp.float32)
    inp["Win_w"] = lin(ks[9], DH, 4 * DH); inp["Win_b"] = jnp.zeros((4 * DH,), jnp.float32)
    inp["Wout_w"] = lin(ks[10], 4 * DH, DH); inp["Wout_b"] = jnp.zeros((DH,), jnp.float32)
    inp["n1_g"] = jnp.ones((DH,), jnp.float32); inp["n1_b"] = jnp.zeros((DH,), jnp.float32)
    inp["n2_g"] = jnp.ones((DH,), jnp.float32); inp["n2_b"] = jnp.zeros((DH,), jnp.float32)
    inp["n3_g"] = jnp.ones((DE,), jnp.float32); inp["n3_b"] = jnp.zeros((DE,), jnp.float32)
    return inp


def reference(h_V, h_E, E_idx, mask_V, mask_attend,
              W1_w, W1_b, W2_w, W2_b, W3_w, W3_b,
              W11_w, W11_b, W12_w, W12_b, W13_w, W13_b,
              Win_w, Win_b, Wout_w, Wout_b,
              n1_g, n1_b, n2_g, n2_b, n3_g, n3_b):
    return _forward(E_idx, h_V, h_E, mask_V, mask_attend,
                    W1_w, W1_b, W2_w, W2_b, W3_w, W3_b,
                    W11_w, W11_b, W12_w, W12_b, W13_w, W13_b,
                    Win_w, Win_b, Wout_w, Wout_b,
                    n1_g, n1_b, n2_g, n2_b, n3_g, n3_b)

if __name__ == "__main__":
    import jax
    _d = setup_inputs()
    print(jax.jit(kernel)(*tuple(_d.values())))

</pallas_src>

<mosaic_0001>
#map = affine_map<(d0, d1) -> (0, 0)>
#map1 = affine_map<(d0, d1) -> (0)>
module attributes {stable_mosaic.version = 14 : i64} {
  func.func @k(%arg0: i32, %arg1: i32, %arg2: memref<10000x128xf32, #tpu.memory_space<hbm>>, %arg3: memref<160000xi32, #tpu.memory_space<hbm>>, %arg4: memref<160000x128xf32, #tpu.memory_space<hbm>>, %arg5: memref<5120xi32, #tpu.memory_space<vmem>>, %arg6: memref<128x128xf32, #tpu.memory_space<vmem>>, %arg7: memref<128x128xf32, #tpu.memory_space<vmem>>, %arg8: memref<128x128xf32, #tpu.memory_space<vmem>>, %arg9: memref<128x128xf32, #tpu.memory_space<vmem>>, %arg10: memref<128x128xf32, #tpu.memory_space<vmem>>, %arg11: memref<128x128xf32, #tpu.memory_space<vmem>>, %arg12: memref<!tpu.dma_semaphore, #tpu.memory_space<semaphore_mem>>, %arg13: memref<!tpu.dma_semaphore, #tpu.memory_space<semaphore_mem>>, %arg14: memref<!tpu.dma_semaphore, #tpu.memory_space<semaphore_mem>>, %arg15: memref<!tpu.dma_semaphore, #tpu.memory_space<semaphore_mem>>, %arg16: memref<!tpu.dma_semaphore, #tpu.memory_space<semaphore_mem>>, %arg17: memref<!tpu.dma_semaphore, #tpu.memory_space<semaphore_mem>>, %arg18: memref<!tpu.dma_semaphore, #tpu.memory_space<semaphore_mem>>, %arg19: memref<!tpu.dma_semaphore, #tpu.memory_space<semaphore_mem>>, %arg20: memref<!tpu.dma_semaphore, #tpu.memory_space<semaphore_mem>>, %arg21: memref<!tpu.dma_semaphore, #tpu.memory_space<semaphore_mem>>, %arg22: memref<!tpu.dma_semaphore, #tpu.memory_space<semaphore_mem>>, %arg23: memref<!tpu.dma_semaphore, #tpu.memory_space<semaphore_mem>>) attributes {dimension_semantics = [#tpu.dimension_semantics<core_parallel>, #tpu.dimension_semantics<subcore_parallel>], iteration_bounds = array<i64: 2, 16>, scalar_prefetch = 0 : i64, scratch_operands = 19 : i64, tpu.core_type = #tpu.core_type<sc_vector_subcore>, window_params = [{transform_indices = #map}, {transform_indices = #map1}, {transform_indices = #map}]} {
    %mul3A = arith.constant 2 : i32
    %mul3A_0 = arith.muli %arg1, %mul3A : i32
    %add3A = arith.addi %mul3A_0, %arg0 : i32
    %lt3A = arith.constant 2 : i32
    %lt3A_1 = arith.cmpi slt, %add3A, %lt3A : i32
    %jit3A = arith.constant 1 : i32
    %jit3A_2 = arith.constant 0 : i32
    %select_n3A = arith.select %lt3A_1, %jit3A, %jit3A_2 : i32
    %add3A_3 = arith.constant 39 : i32
    %add3A_4 = arith.addi %add3A_3, %select_n3A : i32
    %mul3A_5 = arith.constant 39 : i32
    %mul3A_6 = arith.muli %add3A, %mul3A_5 : i32
    %min3A = arith.constant 2 : i32
    %min3A_7 = arith.minsi %add3A, %min3A : i32
    %add3A_8 = arith.addi %mul3A_6, %min3A_7 : i32
    %mul3A_9 = arith.constant 128 : i32
    %mul3A_10 = arith.muli %add3A_8, %mul3A_9 : i32
    "tpu.region"() ({
      %run_scoped3A = tpu.sem_alloc : memref<!tpu.dma_semaphore, #tpu.memory_space<semaphore_mem>>
      %dma_start3A = arith.constant 0 : i32
      %dma_start3A_108 = tpu.memref_slice %arg5[%dma_start3A] : memref<5120xi32, #tpu.memory_space<vmem>> -> memref<4992xi32, #tpu.memory_space<vmem>>
      %dma_start3A_109 = tpu.memref_slice %arg3[%mul3A_10] : memref<160000xi32, #tpu.memory_space<hbm>> -> memref<4992xi32, #tpu.memory_space<hbm>>
      %dma_start3A_110 = arith.constant 0 : i32
      %dma_start3A_111 = tpu.memref_slice %arg5[%dma_start3A_110] : memref<5120xi32, #tpu.memory_space<vmem>> -> memref<4992xi32, #tpu.memory_space<vmem>>
      %dma_start3A_112 = tpu.memref_slice %arg3[%mul3A_10] : memref<160000xi32, #tpu.memory_space<hbm>> -> memref<4992xi32, #tpu.memory_space<hbm>>
      tpu.enqueue_dma source(%dma_start3A_112 : memref<4992xi32, #tpu.memory_space<hbm>>) target(%dma_start3A_111 : memref<4992xi32, #tpu.memory_space<vmem>>) target_semaphore(%run_scoped3A : memref<!tpu.dma_semaphore, #tpu.memory_space<semaphore_mem>>)
      %dma_wait3A = arith.constant 0 : i32
      %dma_wait3A_113 = tpu.memref_slice %arg5[%dma_wait3A] : memref<5120xi32, #tpu.memory_space<vmem>> -> memref<4992xi32, #tpu.memory_space<vmem>>
      %dma_wait3A_114 = tpu.memref_slice %arg3[%mul3A_10] : memref<160000xi32, #tpu.memory_space<hbm>> -> memref<4992xi32, #tpu.memory_space<hbm>>
      %dma_wait3A_115 = arith.constant 0 : i32
      %dma_wait3A_116 = tpu.memref_slice %arg5[%dma_wait3A_115] : memref<5120xi32, #tpu.memory_space<vmem>> -> memref<4992xi32, #tpu.memory_space<vmem>>
      %dma_wait3A_117 = tpu.memref_slice %arg3[%mul3A_10] : memref<160000xi32, #tpu.memory_space<hbm>> -> memref<4992xi32, #tpu.memory_space<hbm>>
      tpu.wait_dma2 semaphore(%run_scoped3A : memref<!tpu.dma_semaphore, #tpu.memory_space<semaphore_mem>>) src(%dma_wait3A_117 : memref<4992xi32, #tpu.memory_space<hbm>>) dst(%dma_wait3A_116 : memref<4992xi32, #tpu.memory_space<vmem>>)
      tpu.yield
    }) : () -> ()
    %lt3A_11 = arith.constant 2 : i32
    %lt3A_12 = arith.cmpi slt, %add3A, %lt3A_11 : i32
    %convert_element_type3A = arith.extui %lt3A_12 : i1 to i32
    %cond3A = arith.constant 0 : i32
    %cond3A_13 = arith.cmpi ne, %convert_element_type3A, %cond3A : i32
    scf.if %cond3A_13 {
      %add3A_108 = arith.constant 4992 : i32
      %add3A_109 = arith.addi %mul3A_10, %add3A_108 : i32
      "tpu.region"() ({
        %run_scoped3A = tpu.sem_alloc : memref<!tpu.dma_semaphore, #tpu.memory_space<semaphore_mem>>
        %dma_start3A = arith.constant 4992 : i32
        %dma_start3A_110 = tpu.memref_slice %arg5[%dma_start3A] : memref<5120xi32, #tpu.memory_space<vmem>> -> memref<128xi32, #tpu.memory_space<vmem>>
        %dma_start3A_111 = tpu.memref_slice %arg3[%add3A_109] : memref<160000xi32, #tpu.memory_space<hbm>> -> memref<128xi32, #tpu.memory_space<hbm>>
        %dma_start3A_112 = arith.constant 4992 : i32
        %dma_start3A_113 = tpu.memref_slice %arg5[%dma_start3A_112] : memref<5120xi32, #tpu.memory_space<vmem>> -> memref<128xi32, #tpu.memory_space<vmem>>
        %dma_start3A_114 = tpu.memref_slice %arg3[%add3A_109] : memref<160000xi32, #tpu.memory_space<hbm>> -> memref<128xi32, #tpu.memory_space<hbm>>
        tpu.enqueue_dma source(%dma_start3A_114 : memref<128xi32, #tpu.memory_space<hbm>>) target(%dma_start3A_113 : memref<128xi32, #tpu.memory_space<vmem>>) target_semaphore(%run_scoped3A : memref<!tpu.dma_semaphore, #tpu.memory_space<semaphore_mem>>)
        %dma_wait3A = arith.constant 4992 : i32
        %dma_wait3A_115 = tpu.memref_slice %arg5[%dma_wait3A] : memref<5120xi32, #tpu.memory_space<vmem>> -> memref<128xi32, #tpu.memory_space<vmem>>
        %dma_wait3A_116 = tpu.memref_slice %arg3[%add3A_109] : memref<160000xi32, #tpu.memory_space<hbm>> -> memref<128xi32, #tpu.memory_space<hbm>>
        %dma_wait3A_117 = arith.constant 4992 : i32
        %dma_wait3A_118 = tpu.memref_slice %arg5[%dma_wait3A_117] : memref<5120xi32, #tpu.memory_space<vmem>> -> memref<128xi32, #tpu.memory_space<vmem>>
        %dma_wait3A_119 = tpu.memref_slice %arg3[%add3A_109] : memref<160000xi32, #tpu.memory_space<hbm>> -> memref<128xi32, #tpu.memory_space<hbm>>
        tpu.wait_dma2 semaphore(%run_scoped3A : memref<!tpu.dma_semaphore, #tpu.memory_space<semaphore_mem>>) src(%dma_wait3A_119 : memref<128xi32, #tpu.memory_space<hbm>>) dst(%dma_wait3A_118 : memref<128xi32, #tpu.memory_space<vmem>>)
        tpu.yield
      }) : () -> ()
    } else {
    }
    %jit3A_14 = arith.constant 6 : i32
    %div3A = arith.divsi %add3A_4, %jit3A_14 : i32
    %sign3A = arith.constant 0 : i32
    %sign3A_15 = arith.cmpi sgt, %add3A_4, %sign3A : i32
    %sign3A_16 = arith.extui %sign3A_15 : i1 to i32
    %sign3A_17 = arith.constant 0 : i32
    %sign3A_18 = arith.cmpi slt, %add3A_4, %sign3A_17 : i32
    %sign3A_19 = arith.extui %sign3A_18 : i1 to i32
    %sign3A_20 = arith.subi %sign3A_16, %sign3A_19 : i32
    %sign3A_21 = arith.constant 0 : i32
    %sign3A_22 = arith.cmpi sgt, %jit3A_14, %sign3A_21 : i32
    %sign3A_23 = arith.extui %sign3A_22 : i1 to i32
    %sign3A_24 = arith.constant 0 : i32
    %sign3A_25 = arith.cmpi slt, %jit3A_14, %sign3A_24 : i32
    %sign3A_26 = arith.extui %sign3A_25 : i1 to i32
    %sign3A_27 = arith.subi %sign3A_23, %sign3A_26 : i32
    %ne3A = arith.cmpi ne, %sign3A_20, %sign3A_27 : i32
    %rem3A = arith.remsi %add3A_4, %jit3A_14 : i32
    %ne3A_28 = arith.constant 0 : i32
    %ne3A_29 = arith.cmpi ne, %rem3A, %ne3A_28 : i32
    %and3A = arith.andi %ne3A, %ne3A_29 : i1
    %sub3A = arith.constant 1 : i32
    %sub3A_30 = arith.subi %div3A, %sub3A : i32
    %select_n3A_31 = arith.select %and3A, %sub3A_30, %div3A : i32
    %while3A = arith.constant 0 : i32
    %while3A_32 = arith.constant 0 : i32
    %while3A_33 = arith.subi %select_n3A_31, %while3A_32 : i32
    %while3A_34 = arith.addi %while3A_32, %while3A_33 : i32
    %while3A_35 = arith.constant 1 : i32
    %while3A_36 = arith.divsi %while3A_33, %while3A_35 : i32
    %while3A_37 = arith.muli %while3A_36, %while3A_35 : i32
    %while3A_38 = arith.addi %while3A_32, %while3A_37 : i32
    %while3A_39 = arith.constant 1 : i32
    scf.for %while3A_108 = %while3A_32 to %while3A_38 step %while3A_39  : i32 {
      %mul3A_109 = arith.constant 6 : i32
      %mul3A_110 = arith.muli %while3A_108, %mul3A_109 : i32
      %add3A_111 = arith.constant 0 : i32
      %add3A_112 = arith.addi %mul3A_110, %add3A_111 : i32
      %gt3A_113 = arith.constant 0 : i32
      %gt3A_114 = arith.cmpi sgt, %while3A_108, %gt3A_113 : i32
      %convert_element_type3A_115 = arith.extui %gt3A_114 : i1 to i32
      %cond3A_116 = arith.constant 0 : i32
      %cond3A_117 = arith.cmpi ne, %convert_element_type3A_115, %cond3A_116 : i32
      scf.if %cond3A_117 {
        %dma_wait3A_287 = arith.constant 0 : i32
        %dma_wait3A_288 = arith.constant 0 : i32
        %dma_wait3A_289 = tpu.memref_slice %arg4[%dma_wait3A_287, %dma_wait3A_288] : memref<160000x128xf32, #tpu.memory_space<hbm>> -> memref<128x128xf32, #tpu.memory_space<hbm>>
        %dma_wait3A_290 = arith.constant 0 : i32
        %dma_wait3A_291 = arith.constant 0 : i32
        %dma_wait3A_292 = tpu.memref_slice %arg4[%dma_wait3A_290, %dma_wait3A_291] : memref<160000x128xf32, #tpu.memory_space<hbm>> -> memref<128x128xf32, #tpu.memory_space<hbm>>
        tpu.wait_dma2 semaphore(%arg18 : memref<!tpu.dma_semaphore, #tpu.memory_space<semaphore_mem>>) src(%arg6 : memref<128x128xf32, #tpu.memory_space<vmem>>) dst(%dma_wait3A_292 : memref<128x128xf32, #tpu.memory_space<hbm>>)
      } else {
      }
      %mul3A_118 = arith.constant 128 : i32
      %mul3A_119 = arith.muli %add3A_112, %mul3A_118 : i32
      %dma_start3A = tpu.memref_slice %arg5[%mul3A_119] : memref<5120xi32, #tpu.memory_space<vmem>> -> memref<128xi32, #tpu.memory_space<vmem>>
      %dma_start3A_120 = arith.constant 0 : i32
      %dma_start3A_121 = arith.constant 0 : i32
      %dma_start3A_122 = tpu.memref_slice %arg2[%dma_start3A_120, %dma_start3A_121] : memref<10000x128xf32, #tpu.memory_space<hbm>> -> memref<10000x128xf32, #tpu.memory_space<hbm>>
      tpu.enqueue_indirect_dma source(%dma_start3A_122 : memref<10000x128xf32, #tpu.memory_space<hbm>>) target(%arg6 : memref<128x128xf32, #tpu.memory_space<vmem>>) offsets(%dma_start3A : memref<128xi32, #tpu.memory_space<vmem>>) semaphore(%arg12 : memref<!tpu.dma_semaphore, #tpu.memory_space<semaphore_mem>>)
      %mul3A_123 = arith.constant 6 : i32
      %mul3A_124 = arith.muli %while3A_108, %mul3A_123 : i32
      %add3A_125 = arith.constant 1 : i32
      %add3A_126 = arith.addi %mul3A_124, %add3A_125 : i32
      %gt3A_127 = arith.constant 0 : i32
      %gt3A_128 = arith.cmpi sgt, %while3A_108, %gt3A_127 : i32
      %convert_element_type3A_129 = arith.extui %gt3A_128 : i1 to i32
      %cond3A_130 = arith.constant 0 : i32
      %cond3A_131 = arith.cmpi ne, %convert_element_type3A_129, %cond3A_130 : i32
      scf.if %cond3A_131 {
        %dma_wait3A_287 = arith.constant 0 : i32
        %dma_wait3A_288 = arith.constant 0 : i32
        %dma_wait3A_289 = tpu.memref_slice %arg4[%dma_wait3A_287, %dma_wait3A_288] : memref<160000x128xf32, #tpu.memory_space<hbm>> -> memref<128x128xf32, #tpu.memory_space<hbm>>
        %dma_wait3A_290 = arith.constant 0 : i32
        %dma_wait3A_291 = arith.constant 0 : i32
        %dma_wait3A_292 = tpu.memref_slice %arg4[%dma_wait3A_290, %dma_wait3A_291] : memref<160000x128xf32, #tpu.memory_space<hbm>> -> memref<128x128xf32, #tpu.memory_space<hbm>>
        tpu.wait_dma2 semaphore(%arg19 : memref<!tpu.dma_semaphore, #tpu.memory_space<semaphore_mem>>) src(%arg7 : memref<128x128xf32, #tpu.memory_space<vmem>>) dst(%dma_wait3A_292 : memref<128x128xf32, #tpu.memory_space<hbm>>)
      } else {
      }
      %mul3A_132 = arith.constant 128 : i32
      %mul3A_133 = arith.muli %add3A_126, %mul3A_132 : i32
      %dma_start3A_134 = tpu.memref_slice %arg5[%mul3A_133] : memref<5120xi32, #tpu.memory_space<vmem>> -> memref<128xi32, #tpu.memory_space<vmem>>
      %dma_start3A_135 = arith.constant 0 : i32
      %dma_start3A_136 = arith.constant 0 : i32
      %dma_start3A_137 = tpu.memref_slice %arg2[%dma_start3A_135, %dma_start3A_136] : memref<10000x128xf32, #tpu.memory_space<hbm>> -> memref<10000x128xf32, #tpu.memory_space<hbm>>
      tpu.enqueue_indirect_dma source(%dma_start3A_137 : memref<10000x128xf32, #tpu.memory_space<hbm>>) target(%arg7 : memref<128x128xf32, #tpu.memory_space<vmem>>) offsets(%dma_start3A_134 : memref<128xi32, #tpu.memory_space<vmem>>) semaphore(%arg13 : memref<!tpu.dma_semaphore, #tpu.memory_space<semaphore_mem>>)
      %mul3A_138 = arith.constant 6 : i32
      %mul3A_139 = arith.muli %while3A_108, %mul3A_138 : i32
      %add3A_140 = arith.constant 2 : i32
      %add3A_141 = arith.addi %mul3A_139, %add3A_140 : i32
      %gt3A_142 = arith.constant 0 : i32
      %gt3A_143 = arith.cmpi sgt, %while3A_108, %gt3A_142 : i32
      %convert_element_type3A_144 = arith.extui %gt3A_143 : i1 to i32
      %cond3A_145 = arith.constant 0 : i32
      %cond3A_146 = arith.cmpi ne, %convert_element_type3A_144, %cond3A_145 : i32
      scf.if %cond3A_146 {
        %dma_wait3A_287 = arith.constant 0 : i32
        %dma_wait3A_288 = arith.constant 0 : i32
        %dma_wait3A_289 = tpu.memref_slice %arg4[%dma_wait3A_287, %dma_wait3A_288] : memref<160000x128xf32, #tpu.memory_space<hbm>> -> memref<128x128xf32, #tpu.memory_space<hbm>>
        %dma_wait3A_290 = arith.constant 0 : i32
        %dma_wait3A_291 = arith.constant 0 : i32
        %dma_wait3A_292 = tpu.memref_slice %arg4[%dma_wait3A_290, %dma_wait3A_291] : memref<160000x128xf32, #tpu.memory_space<hbm>> -> memref<128x128xf32, #tpu.memory_space<hbm>>
        tpu.wait_dma2 semaphore(%arg20 : memref<!tpu.dma_semaphore, #tpu.memory_space<semaphore_mem>>) src(%arg8 : memref<128x128xf32, #tpu.memory_space<vmem>>) dst(%dma_wait3A_292 : memref<128x128xf32, #tpu.memory_space<hbm>>)
      } else {
      }
      %mul3A_147 = arith.constant 128 : i32
      %mul3A_148 = arith.muli %add3A_141, %mul3A_147 : i32
      %dma_start3A_149 = tpu.memref_slice %arg5[%mul3A_148] : memref<5120xi32, #tpu.memory_space<vmem>> -> memref<128xi32, #tpu.memory_space<vmem>>
      %dma_start3A_150 = arith.constant 0 : i32
      %dma_start3A_151 = arith.constant 0 : i32
      %dma_start3A_152 = tpu.memref_slice %arg2[%dma_start3A_150, %dma_start3A_151] : memref<10000x128xf32, #tpu.memory_space<hbm>> -> memref<10000x128xf32, #tpu.memory_space<hbm>>
      tpu.enqueue_indirect_dma source(%dma_start3A_152 : memref<10000x128xf32, #tpu.memory_space<hbm>>) target(%arg8 : memref<128x128xf32, #tpu.memory_space<vmem>>) offsets(%dma_start3A_149 : memref<128xi32, #tpu.memory_space<vmem>>) semaphore(%arg14 : memref<!tpu.dma_semaphore, #tpu.memory_space<semaphore_mem>>)
      %mul3A_153 = arith.constant 6 : i32
      %mul3A_154 = arith.muli %while3A_108, %mul3A_153 : i32
      %add3A_155 = arith.constant 3 : i32
      %add3A_156 = arith.addi %mul3A_154, %add3A_155 : i32
      %gt3A_157 = arith.constant 0 : i32
      %gt3A_158 = arith.cmpi sgt, %while3A_108, %gt3A_157 : i32
      %convert_element_type3A_159 = arith.extui %gt3A_158 : i1 to i32
      %cond3A_160 = arith.constant 0 : i32
      %cond3A_161 = arith.cmpi ne, %convert_element_type3A_159, %cond3A_160 : i32
      scf.if %cond3A_161 {
        %dma_wait3A_287 = arith.constant 0 : i32
        %dma_wait3A_288 = arith.constant 0 : i32
        %dma_wait3A_289 = tpu.memref_slice %arg4[%dma_wait3A_287, %dma_wait3A_288] : memref<160000x128xf32, #tpu.memory_space<hbm>> -> memref<128x128xf32, #tpu.memory_space<hbm>>
        %dma_wait3A_290 = arith.constant 0 : i32
        %dma_wait3A_291 = arith.constant 0 : i32
        %dma_wait3A_292 = tpu.memref_slice %arg4[%dma_wait3A_290, %dma_wait3A_291] : memref<160000x128xf32, #tpu.memory_space<hbm>> -> memref<128x128xf32, #tpu.memory_space<hbm>>
        tpu.wait_dma2 semaphore(%arg21 : memref<!tpu.dma_semaphore, #tpu.memory_space<semaphore_mem>>) src(%arg9 : memref<128x128xf32, #tpu.memory_space<vmem>>) dst(%dma_wait3A_292 : memref<128x128xf32, #tpu.memory_space<hbm>>)
      } else {
      }
      %mul3A_162 = arith.constant 128 : i32
      %mul3A_163 = arith.muli %add3A_156, %mul3A_162 : i32
      %dma_start3A_164 = tpu.memref_slice %arg5[%mul3A_163] : memref<5120xi32, #tpu.memory_space<vmem>> -> memref<128xi32, #tpu.memory_space<vmem>>
      %dma_start3A_165 = arith.constant 0 : i32
      %dma_start3A_166 = arith.constant 0 : i32
      %dma_start3A_167 = tpu.memref_slice %arg2[%dma_start3A_165, %dma_start3A_166] : memref<10000x128xf32, #tpu.memory_space<hbm>> -> memref<10000x128xf32, #tpu.memory_space<hbm>>
      tpu.enqueue_indirect_dma source(%dma_start3A_167 : memref<10000x128xf32, #tpu.memory_space<hbm>>) target(%arg9 : memref<128x128xf32, #tpu.memory_space<vmem>>) offsets(%dma_start3A_164 : memref<128xi32, #tpu.memory_space<vmem>>) semaphore(%arg15 : memref<!tpu.dma_semaphore, #tpu.memory_space<semaphore_mem>>)
      %mul3A_168 = arith.constant 6 : i32
      %mul3A_169 = arith.muli %while3A_108, %mul3A_168 : i32
      %add3A_170 = arith.constant 4 : i32
      %add3A_171 = arith.addi %mul3A_169, %add3A_170 : i32
      %gt3A_172 = arith.constant 0 : i32
      %gt3A_173 = arith.cmpi sgt, %while3A_108, %gt3A_172 : i32
      %convert_element_type3A_174 = arith.extui %gt3A_173 : i1 to i32
      %cond3A_175 = arith.constant 0 : i32
      %cond3A_176 = arith.cmpi ne, %convert_element_type3A_174, %cond3A_175 : i32
      scf.if %cond3A_176 {
        %dma_wait3A_287 = arith.constant 0 : i32
        %dma_wait3A_288 = arith.constant 0 : i32
        %dma_wait3A_289 = tpu.memref_slice %arg4[%dma_wait3A_287, %dma_wait3A_288] : memref<160000x128xf32, #tpu.memory_space<hbm>> -> memref<128x128xf32, #tpu.memory_space<hbm>>
        %dma_wait3A_290 = arith.constant 0 : i32
        %dma_wait3A_291 = arith.constant 0 : i32
        %dma_wait3A_292 = tpu.memref_slice %arg4[%dma_wait3A_290, %dma_wait3A_291] : memref<160000x128xf32, #tpu.memory_space<hbm>> -> memref<128x128xf32, #tpu.memory_space<hbm>>
        tpu.wait_dma2 semaphore(%arg22 : memref<!tpu.dma_semaphore, #tpu.memory_space<semaphore_mem>>) src(%arg10 : memref<128x128xf32, #tpu.memory_space<vmem>>) dst(%dma_wait3A_292 : memref<128x128xf32, #tpu.memory_space<hbm>>)
      } else {
      }
      %mul3A_177 = arith.constant 128 : i32
      %mul3A_178 = arith.muli %add3A_171, %mul3A_177 : i32
      %dma_start3A_179 = tpu.memref_slice %arg5[%mul3A_178] : memref<5120xi32, #tpu.memory_space<vmem>> -> memref<128xi32, #tpu.memory_space<vmem>>
      %dma_start3A_180 = arith.constant 0 : i32
      %dma_start3A_181 = arith.constant 0 : i32
      %dma_start3A_182 = tpu.memref_slice %arg2[%dma_start3A_180, %dma_start3A_181] : memref<10000x128xf32, #tpu.memory_space<hbm>> -> memref<10000x128xf32, #tpu.memory_space<hbm>>
      tpu.enqueue_indirect_dma source(%dma_start3A_182 : memref<10000x128xf32, #tpu.memory_space<hbm>>) target(%arg10 : memref<128x128xf32, #tpu.memory_space<vmem>>) offsets(%dma_start3A_179 : memref<128xi32, #tpu.memory_space<vmem>>) semaphore(%arg16 : memref<!tpu.dma_semaphore, #tpu.memory_space<semaphore_mem>>)
      %mul3A_183 = arith.constant 6 : i32
      %mul3A_184 = arith.muli %while3A_108, %mul3A_183 : i32
      %add3A_185 = arith.constant 5 : i32
      %add3A_186 = arith.addi %mul3A_184, %add3A_185 : i32
      %gt3A_187 = arith.constant 0 : i32
      %gt3A_188 = arith.cmpi sgt, %while3A_108, %gt3A_187 : i32
      %convert_element_type3A_189 = arith.extui %gt3A_188 : i1 to i32
      %cond3A_190 = arith.constant 0 : i32
      %cond3A_191 = arith.cmpi ne, %convert_element_type3A_189, %cond3A_190 : i32
      scf.if %cond3A_191 {
        %dma_wait3A_287 = arith.constant 0 : i32
        %dma_wait3A_288 = arith.constant 0 : i32
        %dma_wait3A_289 = tpu.memref_slice %arg4[%dma_wait3A_287, %dma_wait3A_288] : memref<160000x128xf32, #tpu.memory_space<hbm>> -> memref<128x128xf32, #tpu.memory_space<hbm>>
        %dma_wait3A_290 = arith.constant 0 : i32
        %dma_wait3A_291 = arith.constant 0 : i32
        %dma_wait3A_292 = tpu.memref_slice %arg4[%dma_wait3A_290, %dma_wait3A_291] : memref<160000x128xf32, #tpu.memory_space<hbm>> -> memref<128x128xf32, #tpu.memory_space<hbm>>
        tpu.wait_dma2 semaphore(%arg23 : memref<!tpu.dma_semaphore, #tpu.memory_space<semaphore_mem>>) src(%arg11 : memref<128x128xf32, #tpu.memory_space<vmem>>) dst(%dma_wait3A_292 : memref<128x128xf32, #tpu.memory_space<hbm>>)
      } else {
      }
      %mul3A_192 = arith.constant 128 : i32
      %mul3A_193 = arith.muli %add3A_186, %mul3A_192 : i32
      %dma_start3A_194 = tpu.memref_slice %arg5[%mul3A_193] : memref<5120xi32, #tpu.memory_space<vmem>> -> memref<128xi32, #tpu.memory_space<vmem>>
      %dma_start3A_195 = arith.constant 0 : i32
      %dma_start3A_196 = arith.constant 0 : i32
      %dma_start3A_197 = tpu.memref_slice %arg2[%dma_start3A_195, %dma_start3A_196] : memref<10000x128xf32, #tpu.memory_space<hbm>> -> memref<10000x128xf32, #tpu.memory_space<hbm>>
      tpu.enqueue_indirect_dma source(%dma_start3A_197 : memref<10000x128xf32, #tpu.memory_space<hbm>>) target(%arg11 : memref<128x128xf32, #tpu.memory_space<vmem>>) offsets(%dma_start3A_194 : memref<128xi32, #tpu.memory_space<vmem>>) semaphore(%arg17 : memref<!tpu.dma_semaphore, #tpu.memory_space<semaphore_mem>>)
      %mul3A_198 = arith.constant 6 : i32
      %mul3A_199 = arith.muli %while3A_108, %mul3A_198 : i32
      %add3A_200 = arith.constant 0 : i32
      %add3A_201 = arith.addi %mul3A_199, %add3A_200 : i32
      %dma_wait3A = tpu.memref_slice %arg5[%mul3A_119] : memref<5120xi32, #tpu.memory_space<vmem>> -> memref<128xi32, #tpu.memory_space<vmem>>
      %dma_wait3A_202 = arith.constant 0 : i32
      %dma_wait3A_203 = arith.constant 0 : i32
      %dma_wait3A_204 = tpu.memref_slice %arg2[%dma_wait3A_202, %dma_wait3A_203] : memref<10000x128xf32, #tpu.memory_space<hbm>> -> memref<10000x128xf32, #tpu.memory_space<hbm>>
      tpu.wait_indirect_dma semaphore(%arg12 : memref<!tpu.dma_semaphore, #tpu.memory_space<semaphore_mem>>) src(%dma_wait3A_204 : memref<10000x128xf32, #tpu.memory_space<hbm>>) dst(%arg6 : memref<128x128xf32, #tpu.memory_space<vmem>>)
      %add3A_205 = arith.addi %add3A_8, %add3A_201 : i32
      %mul3A_206 = arith.constant 128 : i32
      %mul3A_207 = arith.muli %add3A_205, %mul3A_206 : i32
      %dma_start3A_208 = arith.constant 0 : i32
      %dma_start3A_209 = tpu.memref_slice %arg4[%mul3A_207, %dma_start3A_208] : memref<160000x128xf32, #tpu.memory_space<hbm>> -> memref<128x128xf32, #tpu.memory_space<hbm>>
      %dma_start3A_210 = arith.constant 0 : i32
      %dma_start3A_211 = tpu.memref_slice %arg4[%mul3A_207, %dma_start3A_210] : memref<160000x128xf32, #tpu.memory_space<hbm>> -> memref<128x128xf32, #tpu.memory_space<hbm>>
      tpu.enqueue_dma source(%arg6 : memref<128x128xf32, #tpu.memory_space<vmem>>) target(%dma_start3A_211 : memref<128x128xf32, #tpu.memory_space<hbm>>) target_semaphore(%arg18 : memref<!tpu.dma_semaphore, #tpu.memory_space<semaphore_mem>>)
      %mul3A_212 = arith.constant 6 : i32
      %mul3A_213 = arith.muli %while3A_108, %mul3A_212 : i32
      %add3A_214 = arith.constant 1 : i32
      %add3A_215 = arith.addi %mul3A_213, %add3A_214 : i32
      %dma_wait3A_216 = tpu.memref_slice %arg5[%mul3A_133] : memref<5120xi32, #tpu.memory_space<vmem>> -> memref<128xi32, #tpu.memory_space<vmem>>
      %dma_wait3A_217 = arith.constant 0 : i32
      %dma_wait3A_218 = arith.constant 0 : i32
      %dma_wait3A_219 = tpu.memref_slice %arg2[%dma_wait3A_217, %dma_wait3A_218] : memref<10000x128xf32, #tpu.memory_space<hbm>> -> memref<10000x128xf32, #tpu.memory_space<hbm>>
      tpu.wait_indirect_dma semaphore(%arg13 : memref<!tpu.dma_semaphore, #tpu.memory_space<semaphore_mem>>) src(%dma_wait3A_219 : memref<10000x128xf32, #tpu.memory_space<hbm>>) dst(%arg7 : memref<128x128xf32, #tpu.memory_space<vmem>>)
      %add3A_220 = arith.addi %add3A_8, %add3A_215 : i32
      %mul3A_221 = arith.constant 128 : i32
      %mul3A_222 = arith.muli %add3A_220, %mul3A_221 : i32
      %dma_start3A_223 = arith.constant 0 : i32
      %dma_start3A_224 = tpu.memref_slice %arg4[%mul3A_222, %dma_start3A_223] : memref<160000x128xf32, #tpu.memory_space<hbm>> -> memref<128x128xf32, #tpu.memory_space<hbm>>
      %dma_start3A_225 = arith.constant 0 : i32
      %dma_start3A_226 = tpu.memref_slice %arg4[%mul3A_222, %dma_start3A_225] : memref<160000x128xf32, #tpu.memory_space<hbm>> -> memref<128x128xf32, #tpu.memory_space<hbm>>
      tpu.enqueue_dma source(%arg7 : memref<128x128xf32, #tpu.memory_space<vmem>>) target(%dma_start3A_226 : memref<128x128xf32, #tpu.memory_space<hbm>>) target_semaphore(%arg19 : memref<!tpu.dma_semaphore, #tpu.memory_space<semaphore_mem>>)
      %mul3A_227 = arith.constant 6 : i32
      %mul3A_228 = arith.muli %while3A_108, %mul3A_227 : i32
      %add3A_229 = arith.constant 2 : i32
      %add3A_230 = arith.addi %mul3A_228, %add3A_229 : i32
      %dma_wait3A_231 = tpu.memref_slice %arg5[%mul3A_148] : memref<5120xi32, #tpu.memory_space<vmem>> -> memref<128xi32, #tpu.memory_space<vmem>>
      %dma_wait3A_232 = arith.constant 0 : i32
      %dma_wait3A_233 = arith.constant 0 : i32
      %dma_wait3A_234 = tpu.memref_slice %arg2[%dma_wait3A_232, %dma_wait3A_233] : memref<10000x128xf32, #tpu.memory_space<hbm>> -> memref<10000x128xf32, #tpu.memory_space<hbm>>
      tpu.wait_indirect_dma semaphore(%arg14 : memref<!tpu.dma_semaphore, #tpu.memory_space<semaphore_mem>>) src(%dma_wait3A_234 : memref<10000x128xf32, #tpu.memory_space<hbm>>) dst(%arg8 : memref<128x128xf32, #tpu.memory_space<vmem>>)
      %add3A_235 = arith.addi %add3A_8, %add3A_230 : i32
      %mul3A_236 = arith.constant 128 : i32
      %mul3A_237 = arith.muli %add3A_235, %mul3A_236 : i32
      %dma_start3A_238 = arith.constant 0 : i32
      %dma_start3A_239 = tpu.memref_slice %arg4[%mul3A_237, %dma_start3A_238] : memref<160000x128xf32, #tpu.memory_space<hbm>> -> memref<128x128xf32, #tpu.memory_space<hbm>>
      %dma_start3A_240 = arith.constant 0 : i32
      %dma_start3A_241 = tpu.memref_slice %arg4[%mul3A_237, %dma_start3A_240] : memref<160000x128xf32, #tpu.memory_space<hbm>> -> memref<128x128xf32, #tpu.memory_space<hbm>>
      tpu.enqueue_dma source(%arg8 : memref<128x128xf32, #tpu.memory_space<vmem>>) target(%dma_start3A_241 : memref<128x128xf32, #tpu.memory_space<hbm>>) target_semaphore(%arg20 : memref<!tpu.dma_semaphore, #tpu.memory_space<semaphore_mem>>)
      %mul3A_242 = arith.constant 6 : i32
      %mul3A_243 = arith.muli %while3A_108, %mul3A_242 : i32
      %add3A_244 = arith.constant 3 : i32
      %add3A_245 = arith.addi %mul3A_243, %add3A_244 : i32
      %dma_wait3A_246 = tpu.memref_slice %arg5[%mul3A_163] : memref<5120xi32, #tpu.memory_space<vmem>> -> memref<128xi32, #tpu.memory_space<vmem>>
      %dma_wait3A_247 = arith.constant 0 : i32
      %dma_wait3A_248 = arith.constant 0 : i32
      %dma_wait3A_249 = tpu.memref_slice %arg2[%dma_wait3A_247, %dma_wait3A_248] : memref<10000x128xf32, #tpu.memory_space<hbm>> -> memref<10000x128xf32, #tpu.memory_space<hbm>>
      tpu.wait_indirect_dma semaphore(%arg15 : memref<!tpu.dma_semaphore, #tpu.memory_space<semaphore_mem>>) src(%dma_wait3A_249 : memref<10000x128xf32, #tpu.memory_space<hbm>>) dst(%arg9 : memref<128x128xf32, #tpu.memory_space<vmem>>)
      %add3A_250 = arith.addi %add3A_8, %add3A_245 : i32
      %mul3A_251 = arith.constant 128 : i32
      %mul3A_252 = arith.muli %add3A_250, %mul3A_251 : i32
      %dma_start3A_253 = arith.constant 0 : i32
      %dma_start3A_254 = tpu.memref_slice %arg4[%mul3A_252, %dma_start3A_253] : memref<160000x128xf32, #tpu.memory_space<hbm>> -> memref<128x128xf32, #tpu.memory_space<hbm>>
      %dma_start3A_255 = arith.constant 0 : i32
      %dma_start3A_256 = tpu.memref_slice %arg4[%mul3A_252, %dma_start3A_255] : memref<160000x128xf32, #tpu.memory_space<hbm>> -> memref<128x128xf32, #tpu.memory_space<hbm>>
      tpu.enqueue_dma source(%arg9 : memref<128x128xf32, #tpu.memory_space<vmem>>) target(%dma_start3A_256 : memref<128x128xf32, #tpu.memory_space<hbm>>) target_semaphore(%arg21 : memref<!tpu.dma_semaphore, #tpu.memory_space<semaphore_mem>>)
      %mul3A_257 = arith.constant 6 : i32
      %mul3A_258 = arith.muli %while3A_108, %mul3A_257 : i32
      %add3A_259 = arith.constant 4 : i32
      %add3A_260 = arith.addi %mul3A_258, %add3A_259 : i32
      %dma_wait3A_261 = tpu.memref_slice %arg5[%mul3A_178] : memref<5120xi32, #tpu.memory_space<vmem>> -> memref<128xi32, #tpu.memory_space<vmem>>
      %dma_wait3A_262 = arith.constant 0 : i32
      %dma_wait3A_263 = arith.constant 0 : i32
      %dma_wait3A_264 = tpu.memref_slice %arg2[%dma_wait3A_262, %dma_wait3A_263] : memref<10000x128xf32, #tpu.memory_space<hbm>> -> memref<10000x128xf32, #tpu.memory_space<hbm>>
      tpu.wait_indirect_dma semaphore(%arg16 : memref<!tpu.dma_semaphore, #tpu.memory_space<semaphore_mem>>) src(%dma_wait3A_264 : memref<10000x128xf32, #tpu.memory_space<hbm>>) dst(%arg10 : memref<128x128xf32, #tpu.memory_space<vmem>>)
      %add3A_265 = arith.addi %add3A_8, %add3A_260 : i32
      %mul3A_266 = arith.constant 128 : i32
      %mul3A_267 = arith.muli %add3A_265, %mul3A_266 : i32
      %dma_start3A_268 = arith.constant 0 : i32
      %dma_start3A_269 = tpu.memref_slice %arg4[%mul3A_267, %dma_start3A_268] : memref<160000x128xf32, #tpu.memory_space<hbm>> -> memref<128x128xf32, #tpu.memory_space<hbm>>
      %dma_start3A_270 = arith.constant 0 : i32
      %dma_start3A_271 = tpu.memref_slice %arg4[%mul3A_267, %dma_start3A_270] : memref<160000x128xf32, #tpu.memory_space<hbm>> -> memref<128x128xf32, #tpu.memory_space<hbm>>
      tpu.enqueue_dma source(%arg10 : memref<128x128xf32, #tpu.memory_space<vmem>>) target(%dma_start3A_271 : memref<128x128xf32, #tpu.memory_space<hbm>>) target_semaphore(%arg22 : memref<!tpu.dma_semaphore, #tpu.memory_space<semaphore_mem>>)
      %mul3A_272 = arith.constant 6 : i32
      %mul3A_273 = arith.muli %while3A_108, %mul3A_272 : i32
      %add3A_274 = arith.constant 5 : i32
      %add3A_275 = arith.addi %mul3A_273, %add3A_274 : i32
      %dma_wait3A_276 = tpu.memref_slice %arg5[%mul3A_193] : memref<5120xi32, #tpu.memory_space<vmem>> -> memref<128xi32, #tpu.memory_space<vmem>>
      %dma_wait3A_277 = arith.constant 0 : i32
      %dma_wait3A_278 = arith.constant 0 : i32
      %dma_wait3A_279 = tpu.memref_slice %arg2[%dma_wait3A_277, %dma_wait3A_278] : memref<10000x128xf32, #tpu.memory_space<hbm>> -> memref<10000x128xf32, #tpu.memory_space<hbm>>
      tpu.wait_indirect_dma semaphore(%arg17 : memref<!tpu.dma_semaphore, #tpu.memory_space<semaphore_mem>>) src(%dma_wait3A_279 : memref<10000x128xf32, #tpu.memory_space<hbm>>) dst(%arg11 : memref<128x128xf32, #tpu.memory_space<vmem>>)
      %add3A_280 = arith.addi %add3A_8, %add3A_275 : i32
      %mul3A_281 = arith.constant 128 : i32
      %mul3A_282 = arith.muli %add3A_280, %mul3A_281 : i32
      %dma_start3A_283 = arith.constant 0 : i32
      %dma_start3A_284 = tpu.memref_slice %arg4[%mul3A_282, %dma_start3A_283] : memref<160000x128xf32, #tpu.memory_space<hbm>> -> memref<128x128xf32, #tpu.memory_space<hbm>>
      %dma_start3A_285 = arith.constant 0 : i32
      %dma_start3A_286 = tpu.memref_slice %arg4[%mul3A_282, %dma_start3A_285] : memref<160000x128xf32, #tpu.memory_space<hbm>> -> memref<128x128xf32, #tpu.memory_space<hbm>>
      tpu.enqueue_dma source(%arg11 : memref<128x128xf32, #tpu.memory_space<vmem>>) target(%dma_start3A_286 : memref<128x128xf32, #tpu.memory_space<hbm>>) target_semaphore(%arg23 : memref<!tpu.dma_semaphore, #tpu.memory_space<semaphore_mem>>)
    }
    %while3A_40 = arith.constant 1 : i32
    scf.for %while3A_108 = %while3A_38 to %while3A_34 step %while3A_40  : i32 {
      %mul3A_109 = arith.constant 6 : i32
      %mul3A_110 = arith.muli %while3A_108, %mul3A_109 : i32
      %add3A_111 = arith.constant 0 : i32
      %add3A_112 = arith.addi %mul3A_110, %add3A_111 : i32
      %gt3A_113 = arith.constant 0 : i32
      %gt3A_114 = arith.cmpi sgt, %while3A_108, %gt3A_113 : i32
      %convert_element_type3A_115 = arith.extui %gt3A_114 : i1 to i32
      %cond3A_116 = arith.constant 0 : i32
      %cond3A_117 = arith.cmpi ne, %convert_element_type3A_115, %cond3A_116 : i32
      scf.if %cond3A_117 {
        %dma_wait3A_287 = arith.constant 0 : i32
        %dma_wait3A_288 = arith.constant 0 : i32
        %dma_wait3A_289 = tpu.memref_slice %arg4[%dma_wait3A_287, %dma_wait3A_288] : memref<160000x128xf32, #tpu.memory_space<hbm>> -> memref<128x128xf32, #tpu.memory_space<hbm>>
        %dma_wait3A_290 = arith.constant 0 : i32
        %dma_wait3A_291 = arith.constant 0 : i32
        %dma_wait3A_292 = tpu.memref_slice %arg4[%dma_wait3A_290, %dma_wait3A_291] : memref<160000x128xf32, #tpu.memory_space<hbm>> -> memref<128x128xf32, #tpu.memory_space<hbm>>
        tpu.wait_dma2 semaphore(%arg18 : memref<!tpu.dma_semaphore, #tpu.memory_space<semaphore_mem>>) src(%arg6 : memref<128x128xf32, #tpu.memory_space<vmem>>) dst(%dma_wait3A_292 : memref<128x128xf32, #tpu.memory_space<hbm>>)
      } else {
      }
      %mul3A_118 = arith.constant 128 : i32
      %mul3A_119 = arith.muli %add3A_112, %mul3A_118 : i32
      %dma_start3A = tpu.memref_slice %arg5[%mul3A_119] : memref<5120xi32, #tpu.memory_space<vmem>> -> memref<128xi32, #tpu.memory_space<vmem>>
      %dma_start3A_120 = arith.constant 0 : i32
      %dma_start3A_121 = arith.constant 0 : i32
      %dma_start3A_122 = tpu.memref_slice %arg2[%dma_start3A_120, %dma_start3A_121] : memref<10000x128xf32, #tpu.memory_space<hbm>> -> memref<10000x128xf32, #tpu.memory_space<hbm>>
      tpu.enqueue_indirect_dma source(%dma_start3A_122 : memref<10000x128xf32, #tpu.memory_space<hbm>>) target(%arg6 : memref<128x128xf32, #tpu.memory_space<vmem>>) offsets(%dma_start3A : memref<128xi32, #tpu.memory_space<vmem>>) semaphore(%arg12 : memref<!tpu.dma_semaphore, #tpu.memory_space<semaphore_mem>>)
      %mul3A_123 = arith.constant 6 : i32
      %mul3A_124 = arith.muli %while3A_108, %mul3A_123 : i32
      %add3A_125 = arith.constant 1 : i32
      %add3A_126 = arith.addi %mul3A_124, %add3A_125 : i32
      %gt3A_127 = arith.constant 0 : i32
      %gt3A_128 = arith.cmpi sgt, %while3A_108, %gt3A_127 : i32
      %convert_element_type3A_129 = arith.extui %gt3A_128 : i1 to i32
      %cond3A_130 = arith.constant 0 : i32
      %cond3A_131 = arith.cmpi ne, %convert_element_type3A_129, %cond3A_130 : i32
      scf.if %cond3A_131 {
        %dma_wait3A_287 = arith.constant 0 : i32
        %dma_wait3A_288 = arith.constant 0 : i32
        %dma_wait3A_289 = tpu.memref_slice %arg4[%dma_wait3A_287, %dma_wait3A_288] : memref<160000x128xf32, #tpu.memory_space<hbm>> -> memref<128x128xf32, #tpu.memory_space<hbm>>
        %dma_wait3A_290 = arith.constant 0 : i32
        %dma_wait3A_291 = arith.constant 0 : i32
        %dma_wait3A_292 = tpu.memref_slice %arg4[%dma_wait3A_290, %dma_wait3A_291] : memref<160000x128xf32, #tpu.memory_space<hbm>> -> memref<128x128xf32, #tpu.memory_space<hbm>>
        tpu.wait_dma2 semaphore(%arg19 : memref<!tpu.dma_semaphore, #tpu.memory_space<semaphore_mem>>) src(%arg7 : memref<128x128xf32, #tpu.memory_space<vmem>>) dst(%dma_wait3A_292 : memref<128x128xf32, #tpu.memory_space<hbm>>)
      } else {
      }
      %mul3A_132 = arith.constant 128 : i32
      %mul3A_133 = arith.muli %add3A_126, %mul3A_132 : i32
      %dma_start3A_134 = tpu.memref_slice %arg5[%mul3A_133] : memref<5120xi32, #tpu.memory_space<vmem>> -> memref<128xi32, #tpu.memory_space<vmem>>
      %dma_start3A_135 = arith.constant 0 : i32
      %dma_start3A_136 = arith.constant 0 : i32
      %dma_start3A_137 = tpu.memref_slice %arg2[%dma_start3A_135, %dma_start3A_136] : memref<10000x128xf32, #tpu.memory_space<hbm>> -> memref<10000x128xf32, #tpu.memory_space<hbm>>
      tpu.enqueue_indirect_dma source(%dma_start3A_137 : memref<10000x128xf32, #tpu.memory_space<hbm>>) target(%arg7 : memref<128x128xf32, #tpu.memory_space<vmem>>) offsets(%dma_start3A_134 : memref<128xi32, #tpu.memory_space<vmem>>) semaphore(%arg13 : memref<!tpu.dma_semaphore, #tpu.memory_space<semaphore_mem>>)
      %mul3A_138 = arith.constant 6 : i32
      %mul3A_139 = arith.muli %while3A_108, %mul3A_138 : i32
      %add3A_140 = arith.constant 2 : i32
      %add3A_141 = arith.addi %mul3A_139, %add3A_140 : i32
      %gt3A_142 = arith.constant 0 : i32
      %gt3A_143 = arith.cmpi sgt, %while3A_108, %gt3A_142 : i32
      %convert_element_type3A_144 = arith.extui %gt3A_143 : i1 to i32
      %cond3A_145 = arith.constant 0 : i32
      %cond3A_146 = arith.cmpi ne, %convert_element_type3A_144, %cond3A_145 : i32
      scf.if %cond3A_146 {
        %dma_wait3A_287 = arith.constant 0 : i32
        %dma_wait3A_288 = arith.constant 0 : i32
        %dma_wait3A_289 = tpu.memref_slice %arg4[%dma_wait3A_287, %dma_wait3A_288] : memref<160000x128xf32, #tpu.memory_space<hbm>> -> memref<128x128xf32, #tpu.memory_space<hbm>>
        %dma_wait3A_290 = arith.constant 0 : i32
        %dma_wait3A_291 = arith.constant 0 : i32
        %dma_wait3A_292 = tpu.memref_slice %arg4[%dma_wait3A_290, %dma_wait3A_291] : memref<160000x128xf32, #tpu.memory_space<hbm>> -> memref<128x128xf32, #tpu.memory_space<hbm>>
        tpu.wait_dma2 semaphore(%arg20 : memref<!tpu.dma_semaphore, #tpu.memory_space<semaphore_mem>>) src(%arg8 : memref<128x128xf32, #tpu.memory_space<vmem>>) dst(%dma_wait3A_292 : memref<128x128xf32, #tpu.memory_space<hbm>>)
      } else {
      }
      %mul3A_147 = arith.constant 128 : i32
      %mul3A_148 = arith.muli %add3A_141, %mul3A_147 : i32
      %dma_start3A_149 = tpu.memref_slice %arg5[%mul3A_148] : memref<5120xi32, #tpu.memory_space<vmem>> -> memref<128xi32, #tpu.memory_space<vmem>>
      %dma_start3A_150 = arith.constant 0 : i32
      %dma_start3A_151 = arith.constant 0 : i32
      %dma_start3A_152 = tpu.memref_slice %arg2[%dma_start3A_150, %dma_start3A_151] : memref<10000x128xf32, #tpu.memory_space<hbm>> -> memref<10000x128xf32, #tpu.memory_space<hbm>>
      tpu.enqueue_indirect_dma source(%dma_start3A_152 : memref<10000x128xf32, #tpu.memory_space<hbm>>) target(%arg8 : memref<128x128xf32, #tpu.memory_space<vmem>>) offsets(%dma_start3A_149 : memref<128xi32, #tpu.memory_space<vmem>>) semaphore(%arg14 : memref<!tpu.dma_semaphore, #tpu.memory_space<semaphore_mem>>)
      %mul3A_153 = arith.constant 6 : i32
      %mul3A_154 = arith.muli %while3A_108, %mul3A_153 : i32
      %add3A_155 = arith.constant 3 : i32
      %add3A_156 = arith.addi %mul3A_154, %add3A_155 : i32
      %gt3A_157 = arith.constant 0 : i32
      %gt3A_158 = arith.cmpi sgt, %while3A_108, %gt3A_157 : i32
      %convert_element_type3A_159 = arith.extui %gt3A_158 : i1 to i32
      %cond3A_160 = arith.constant 0 : i32
      %cond3A_161 = arith.cmpi ne, %convert_element_type3A_159, %cond3A_160 : i32
      scf.if %cond3A_161 {
        %dma_wait3A_287 = arith.constant 0 : i32
        %dma_wait3A_288 = arith.constant 0 : i32
        %dma_wait3A_289 = tpu.memref_slice %arg4[%dma_wait3A_287, %dma_wait3A_288] : memref<160000x128xf32, #tpu.memory_space<hbm>> -> memref<128x128xf32, #tpu.memory_space<hbm>>
        %dma_wait3A_290 = arith.constant 0 : i32
        %dma_wait3A_291 = arith.constant 0 : i32
        %dma_wait3A_292 = tpu.memref_slice %arg4[%dma_wait3A_290, %dma_wait3A_291] : memref<160000x128xf32, #tpu.memory_space<hbm>> -> memref<128x128xf32, #tpu.memory_space<hbm>>
        tpu.wait_dma2 semaphore(%arg21 : memref<!tpu.dma_semaphore, #tpu.memory_space<semaphore_mem>>) src(%arg9 : memref<128x128xf32, #tpu.memory_space<vmem>>) dst(%dma_wait3A_292 : memref<128x128xf32, #tpu.memory_space<hbm>>)
      } else {
      }
      %mul3A_162 = arith.constant 128 : i32
      %mul3A_163 = arith.muli %add3A_156, %mul3A_162 : i32
      %dma_start3A_164 = tpu.memref_slice %arg5[%mul3A_163] : memref<5120xi32, #tpu.memory_space<vmem>> -> memref<128xi32, #tpu.memory_space<vmem>>
      %dma_start3A_165 = arith.constant 0 : i32
      %dma_start3A_166 = arith.constant 0 : i32
      %dma_start3A_167 = tpu.memref_slice %arg2[%dma_start3A_165, %dma_start3A_166] : memref<10000x128xf32, #tpu.memory_space<hbm>> -> memref<10000x128xf32, #tpu.memory_space<hbm>>
      tpu.enqueue_indirect_dma source(%dma_start3A_167 : memref<10000x128xf32, #tpu.memory_space<hbm>>) target(%arg9 : memref<128x128xf32, #tpu.memory_space<vmem>>) offsets(%dma_start3A_164 : memref<128xi32, #tpu.memory_space<vmem>>) semaphore(%arg15 : memref<!tpu.dma_semaphore, #tpu.memory_space<semaphore_mem>>)
      %mul3A_168 = arith.constant 6 : i32
      %mul3A_169 = arith.muli %while3A_108, %mul3A_168 : i32
      %add3A_170 = arith.constant 4 : i32
      %add3A_171 = arith.addi %mul3A_169, %add3A_170 : i32
      %gt3A_172 = arith.constant 0 : i32
      %gt3A_173 = arith.cmpi sgt, %while3A_108, %gt3A_172 : i32
      %convert_element_type3A_174 = arith.extui %gt3A_173 : i1 to i32
      %cond3A_175 = arith.constant 0 : i32
      %cond3A_176 = arith.cmpi ne, %convert_element_type3A_174, %cond3A_175 : i32
      scf.if %cond3A_176 {
        %dma_wait3A_287 = arith.constant 0 : i32
        %dma_wait3A_288 = arith.constant 0 : i32
        %dma_wait3A_289 = tpu.memref_slice %arg4[%dma_wait3A_287, %dma_wait3A_288] : memref<160000x128xf32, #tpu.memory_space<hbm>> -> memref<128x128xf32, #tpu.memory_space<hbm>>
        %dma_wait3A_290 = arith.constant 0 : i32
        %dma_wait3A_291 = arith.constant 0 : i32
        %dma_wait3A_292 = tpu.memref_slice %arg4[%dma_wait3A_290, %dma_wait3A_291] : memref<160000x128xf32, #tpu.memory_space<hbm>> -> memref<128x128xf32, #tpu.memory_space<hbm>>
        tpu.wait_dma2 semaphore(%arg22 : memref<!tpu.dma_semaphore, #tpu.memory_space<semaphore_mem>>) src(%arg10 : memref<128x128xf32, #tpu.memory_space<vmem>>) dst(%dma_wait3A_292 : memref<128x128xf32, #tpu.memory_space<hbm>>)
      } else {
      }
      %mul3A_177 = arith.constant 128 : i32
      %mul3A_178 = arith.muli %add3A_171, %mul3A_177 : i32
      %dma_start3A_179 = tpu.memref_slice %arg5[%mul3A_178] : memref<5120xi32, #tpu.memory_space<vmem>> -> memref<128xi32, #tpu.memory_space<vmem>>
      %dma_start3A_180 = arith.constant 0 : i32
      %dma_start3A_181 = arith.constant 0 : i32
      %dma_start3A_182 = tpu.memref_slice %arg2[%dma_start3A_180, %dma_start3A_181] : memref<10000x128xf32, #tpu.memory_space<hbm>> -> memref<10000x128xf32, #tpu.memory_space<hbm>>
      tpu.enqueue_indirect_dma source(%dma_start3A_182 : memref<10000x128xf32, #tpu.memory_space<hbm>>) target(%arg10 : memref<128x128xf32, #tpu.memory_space<vmem>>) offsets(%dma_start3A_179 : memref<128xi32, #tpu.memory_space<vmem>>) semaphore(%arg16 : memref<!tpu.dma_semaphore, #tpu.memory_space<semaphore_mem>>)
      %mul3A_183 = arith.constant 6 : i32
      %mul3A_184 = arith.muli %while3A_108, %mul3A_183 : i32
      %add3A_185 = arith.constant 5 : i32
      %add3A_186 = arith.addi %mul3A_184, %add3A_185 : i32
      %gt3A_187 = arith.constant 0 : i32
      %gt3A_188 = arith.cmpi sgt, %while3A_108, %gt3A_187 : i32
      %convert_element_type3A_189 = arith.extui %gt3A_188 : i1 to i32
      %cond3A_190 = arith.constant 0 : i32
      %cond3A_191 = arith.cmpi ne, %convert_element_type3A_189, %cond3A_190 : i32
      scf.if %cond3A_191 {
        %dma_wait3A_287 = arith.constant 0 : i32
        %dma_wait3A_288 = arith.constant 0 : i32
        %dma_wait3A_289 = tpu.memref_slice %arg4[%dma_wait3A_287, %dma_wait3A_288] : memref<160000x128xf32, #tpu.memory_space<hbm>> -> memref<128x128xf32, #tpu.memory_space<hbm>>
        %dma_wait3A_290 = arith.constant 0 : i32
        %dma_wait3A_291 = arith.constant 0 : i32
        %dma_wait3A_292 = tpu.memref_slice %arg4[%dma_wait3A_290, %dma_wait3A_291] : memref<160000x128xf32, #tpu.memory_space<hbm>> -> memref<128x128xf32, #tpu.memory_space<hbm>>
        tpu.wait_dma2 semaphore(%arg23 : memref<!tpu.dma_semaphore, #tpu.memory_space<semaphore_mem>>) src(%arg11 : memref<128x128xf32, #tpu.memory_space<vmem>>) dst(%dma_wait3A_292 : memref<128x128xf32, #tpu.memory_space<hbm>>)
      } else {
      }
      %mul3A_192 = arith.constant 128 : i32
      %mul3A_193 = arith.muli %add3A_186, %mul3A_192 : i32
      %dma_start3A_194 = tpu.memref_slice %arg5[%mul3A_193] : memref<5120xi32, #tpu.memory_space<vmem>> -> memref<128xi32, #tpu.memory_space<vmem>>
      %dma_start3A_195 = arith.constant 0 : i32
      %dma_start3A_196 = arith.constant 0 : i32
      %dma_start3A_197 = tpu.memref_slice %arg2[%dma_start3A_195, %dma_start3A_196] : memref<10000x128xf32, #tpu.memory_space<hbm>> -> memref<10000x128xf32, #tpu.memory_space<hbm>>
      tpu.enqueue_indirect_dma source(%dma_start3A_197 : memref<10000x128xf32, #tpu.memory_space<hbm>>) target(%arg11 : memref<128x128xf32, #tpu.memory_space<vmem>>) offsets(%dma_start3A_194 : memref<128xi32, #tpu.memory_space<vmem>>) semaphore(%arg17 : memref<!tpu.dma_semaphore, #tpu.memory_space<semaphore_mem>>)
      %mul3A_198 = arith.constant 6 : i32
      %mul3A_199 = arith.muli %while3A_108, %mul3A_198 : i32
      %add3A_200 = arith.constant 0 : i32
      %add3A_201 = arith.addi %mul3A_199, %add3A_200 : i32
      %dma_wait3A = tpu.memref_slice %arg5[%mul3A_119] : memref<5120xi32, #tpu.memory_space<vmem>> -> memref<128xi32, #tpu.memory_space<vmem>>
      %dma_wait3A_202 = arith.constant 0 : i32
      %dma_wait3A_203 = arith.constant 0 : i32
      %dma_wait3A_204 = tpu.memref_slice %arg2[%dma_wait3A_202, %dma_wait3A_203] : memref<10000x128xf32, #tpu.memory_space<hbm>> -> memref<10000x128xf32, #tpu.memory_space<hbm>>
      tpu.wait_indirect_dma semaphore(%arg12 : memref<!tpu.dma_semaphore, #tpu.memory_space<semaphore_mem>>) src(%dma_wait3A_204 : memref<10000x128xf32, #tpu.memory_space<hbm>>) dst(%arg6 : memref<128x128xf32, #tpu.memory_space<vmem>>)
      %add3A_205 = arith.addi %add3A_8, %add3A_201 : i32
      %mul3A_206 = arith.constant 128 : i32
      %mul3A_207 = arith.muli %add3A_205, %mul3A_206 : i32
      %dma_start3A_208 = arith.constant 0 : i32
      %dma_start3A_209 = tpu.memref_slice %arg4[%mul3A_207, %dma_start3A_208] : memref<160000x128xf32, #tpu.memory_space<hbm>> -> memref<128x128xf32, #tpu.memory_space<hbm>>
      %dma_start3A_210 = arith.constant 0 : i32
      %dma_start3A_211 = tpu.memref_slice %arg4[%mul3A_207, %dma_start3A_210] : memref<160000x128xf32, #tpu.memory_space<hbm>> -> memref<128x128xf32, #tpu.memory_space<hbm>>
      tpu.enqueue_dma source(%arg6 : memref<128x128xf32, #tpu.memory_space<vmem>>) target(%dma_start3A_211 : memref<128x128xf32, #tpu.memory_space<hbm>>) target_semaphore(%arg18 : memref<!tpu.dma_semaphore, #tpu.memory_space<semaphore_mem>>)
      %mul3A_212 = arith.constant 6 : i32
      %mul3A_213 = arith.muli %while3A_108, %mul3A_212 : i32
      %add3A_214 = arith.constant 1 : i32
      %add3A_215 = arith.addi %mul3A_213, %add3A_214 : i32
      %dma_wait3A_216 = tpu.memref_slice %arg5[%mul3A_133] : memref<5120xi32, #tpu.memory_space<vmem>> -> memref<128xi32, #tpu.memory_space<vmem>>
      %dma_wait3A_217 = arith.constant 0 : i32
      %dma_wait3A_218 = arith.constant 0 : i32
      %dma_wait3A_219 = tpu.memref_slice %arg2[%dma_wait3A_217, %dma_wait3A_218] : memref<10000x128xf32, #tpu.memory_space<hbm>> -> memref<10000x128xf32, #tpu.memory_space<hbm>>
      tpu.wait_indirect_dma semaphore(%arg13 : memref<!tpu.dma_semaphore, #tpu.memory_space<semaphore_mem>>) src(%dma_wait3A_219 : memref<10000x128xf32, #tpu.memory_space<hbm>>) dst(%arg7 : memref<128x128xf32, #tpu.memory_space<vmem>>)
      %add3A_220 = arith.addi %add3A_8, %add3A_215 : i32
      %mul3A_221 = arith.constant 128 : i32
      %mul3A_222 = arith.muli %add3A_220, %mul3A_221 : i32
      %dma_start3A_223 = arith.constant 0 : i32
      %dma_start3A_224 = tpu.memref_slice %arg4[%mul3A_222, %dma_start3A_223] : memref<160000x128xf32, #tpu.memory_space<hbm>> -> memref<128x128xf32, #tpu.memory_space<hbm>>
      %dma_start3A_225 = arith.constant 0 : i32
      %dma_start3A_226 = tpu.memref_slice %arg4[%mul3A_222, %dma_start3A_225] : memref<160000x128xf32, #tpu.memory_space<hbm>> -> memref<128x128xf32, #tpu.memory_space<hbm>>
      tpu.enqueue_dma source(%arg7 : memref<128x128xf32, #tpu.memory_space<vmem>>) target(%dma_start3A_226 : memref<128x128xf32, #tpu.memory_space<hbm>>) target_semaphore(%arg19 : memref<!tpu.dma_semaphore, #tpu.memory_space<semaphore_mem>>)
      %mul3A_227 = arith.constant 6 : i32
      %mul3A_228 = arith.muli %while3A_108, %mul3A_227 : i32
      %add3A_229 = arith.constant 2 : i32
      %add3A_230 = arith.addi %mul3A_228, %add3A_229 : i32
      %dma_wait3A_231 = tpu.memref_slice %arg5[%mul3A_148] : memref<5120xi32, #tpu.memory_space<vmem>> -> memref<128xi32, #tpu.memory_space<vmem>>
      %dma_wait3A_232 = arith.constant 0 : i32
      %dma_wait3A_233 = arith.constant 0 : i32
      %dma_wait3A_234 = tpu.memref_slice %arg2[%dma_wait3A_232, %dma_wait3A_233] : memref<10000x128xf32, #tpu.memory_space<hbm>> -> memref<10000x128xf32, #tpu.memory_space<hbm>>
      tpu.wait_indirect_dma semaphore(%arg14 : memref<!tpu.dma_semaphore, #tpu.memory_space<semaphore_mem>>) src(%dma_wait3A_234 : memref<10000x128xf32, #tpu.memory_space<hbm>>) dst(%arg8 : memref<128x128xf32, #tpu.memory_space<vmem>>)
      %add3A_235 = arith.addi %add3A_8, %add3A_230 : i32
      %mul3A_236 = arith.constant 128 : i32
      %mul3A_237 = arith.muli %add3A_235, %mul3A_236 : i32
      %dma_start3A_238 = arith.constant 0 : i32
      %dma_start3A_239 = tpu.memref_slice %arg4[%mul3A_237, %dma_start3A_238] : memref<160000x128xf32, #tpu.memory_space<hbm>> -> memref<128x128xf32, #tpu.memory_space<hbm>>
      %dma_start3A_240 = arith.constant 0 : i32
      %dma_start3A_241 = tpu.memref_slice %arg4[%mul3A_237, %dma_start3A_240] : memref<160000x128xf32, #tpu.memory_space<hbm>> -> memref<128x128xf32, #tpu.memory_space<hbm>>
      tpu.enqueue_dma source(%arg8 : memref<128x128xf32, #tpu.memory_space<vmem>>) target(%dma_start3A_241 : memref<128x128xf32, #tpu.memory_space<hbm>>) target_semaphore(%arg20 : memref<!tpu.dma_semaphore, #tpu.memory_space<semaphore_mem>>)
      %mul3A_242 = arith.constant 6 : i32
      %mul3A_243 = arith.muli %while3A_108, %mul3A_242 : i32
      %add3A_244 = arith.constant 3 : i32
      %add3A_245 = arith.addi %mul3A_243, %add3A_244 : i32
      %dma_wait3A_246 = tpu.memref_slice %arg5[%mul3A_163] : memref<5120xi32, #tpu.memory_space<vmem>> -> memref<128xi32, #tpu.memory_space<vmem>>
      %dma_wait3A_247 = arith.constant 0 : i32
      %dma_wait3A_248 = arith.constant 0 : i32
      %dma_wait3A_249 = tpu.memref_slice %arg2[%dma_wait3A_247, %dma_wait3A_248] : memref<10000x128xf32, #tpu.memory_space<hbm>> -> memref<10000x128xf32, #tpu.memory_space<hbm>>
      tpu.wait_indirect_dma semaphore(%arg15 : memref<!tpu.dma_semaphore, #tpu.memory_space<semaphore_mem>>) src(%dma_wait3A_249 : memref<10000x128xf32, #tpu.memory_space<hbm>>) dst(%arg9 : memref<128x128xf32, #tpu.memory_space<vmem>>)
      %add3A_250 = arith.addi %add3A_8, %add3A_245 : i32
      %mul3A_251 = arith.constant 128 : i32
      %mul3A_252 = arith.muli %add3A_250, %mul3A_251 : i32
      %dma_start3A_253 = arith.constant 0 : i32
      %dma_start3A_254 = tpu.memref_slice %arg4[%mul3A_252, %dma_start3A_253] : memref<160000x128xf32, #tpu.memory_space<hbm>> -> memref<128x128xf32, #tpu.memory_space<hbm>>
      %dma_start3A_255 = arith.constant 0 : i32
      %dma_start3A_256 = tpu.memref_slice %arg4[%mul3A_252, %dma_start3A_255] : memref<160000x128xf32, #tpu.memory_space<hbm>> -> memref<128x128xf32, #tpu.memory_space<hbm>>
      tpu.enqueue_dma source(%arg9 : memref<128x128xf32, #tpu.memory_space<vmem>>) target(%dma_start3A_256 : memref<128x128xf32, #tpu.memory_space<hbm>>) target_semaphore(%arg21 : memref<!tpu.dma_semaphore, #tpu.memory_space<semaphore_mem>>)
      %mul3A_257 = arith.constant 6 : i32
      %mul3A_258 = arith.muli %while3A_108, %mul3A_257 : i32
      %add3A_259 = arith.constant 4 : i32
      %add3A_260 = arith.addi %mul3A_258, %add3A_259 : i32
      %dma_wait3A_261 = tpu.memref_slice %arg5[%mul3A_178] : memref<5120xi32, #tpu.memory_space<vmem>> -> memref<128xi32, #tpu.memory_space<vmem>>
      %dma_wait3A_262 = arith.constant 0 : i32
      %dma_wait3A_263 = arith.constant 0 : i32
      %dma_wait3A_264 = tpu.memref_slice %arg2[%dma_wait3A_262, %dma_wait3A_263] : memref<10000x128xf32, #tpu.memory_space<hbm>> -> memref<10000x128xf32, #tpu.memory_space<hbm>>
      tpu.wait_indirect_dma semaphore(%arg16 : memref<!tpu.dma_semaphore, #tpu.memory_space<semaphore_mem>>) src(%dma_wait3A_264 : memref<10000x128xf32, #tpu.memory_space<hbm>>) dst(%arg10 : memref<128x128xf32, #tpu.memory_space<vmem>>)
      %add3A_265 = arith.addi %add3A_8, %add3A_260 : i32
      %mul3A_266 = arith.constant 128 : i32
      %mul3A_267 = arith.muli %add3A_265, %mul3A_266 : i32
      %dma_start3A_268 = arith.constant 0 : i32
      %dma_start3A_269 = tpu.memref_slice %arg4[%mul3A_267, %dma_start3A_268] : memref<160000x128xf32, #tpu.memory_space<hbm>> -> memref<128x128xf32, #tpu.memory_space<hbm>>
      %dma_start3A_270 = arith.constant 0 : i32
      %dma_start3A_271 = tpu.memref_slice %arg4[%mul3A_267, %dma_start3A_270] : memref<160000x128xf32, #tpu.memory_space<hbm>> -> memref<128x128xf32, #tpu.memory_space<hbm>>
      tpu.enqueue_dma source(%arg10 : memref<128x128xf32, #tpu.memory_space<vmem>>) target(%dma_start3A_271 : memref<128x128xf32, #tpu.memory_space<hbm>>) target_semaphore(%arg22 : memref<!tpu.dma_semaphore, #tpu.memory_space<semaphore_mem>>)
      %mul3A_272 = arith.constant 6 : i32
      %mul3A_273 = arith.muli %while3A_108, %mul3A_272 : i32
      %add3A_274 = arith.constant 5 : i32
      %add3A_275 = arith.addi %mul3A_273, %add3A_274 : i32
      %dma_wait3A_276 = tpu.memref_slice %arg5[%mul3A_193] : memref<5120xi32, #tpu.memory_space<vmem>> -> memref<128xi32, #tpu.memory_space<vmem>>
      %dma_wait3A_277 = arith.constant 0 : i32
      %dma_wait3A_278 = arith.constant 0 : i32
      %dma_wait3A_279 = tpu.memref_slice %arg2[%dma_wait3A_277, %dma_wait3A_278] : memref<10000x128xf32, #tpu.memory_space<hbm>> -> memref<10000x128xf32, #tpu.memory_space<hbm>>
      tpu.wait_indirect_dma semaphore(%arg17 : memref<!tpu.dma_semaphore, #tpu.memory_space<semaphore_mem>>) src(%dma_wait3A_279 : memref<10000x128xf32, #tpu.memory_space<hbm>>) dst(%arg11 : memref<128x128xf32, #tpu.memory_space<vmem>>)
      %add3A_280 = arith.addi %add3A_8, %add3A_275 : i32
      %mul3A_281 = arith.constant 128 : i32
      %mul3A_282 = arith.muli %add3A_280, %mul3A_281 : i32
      %dma_start3A_283 = arith.constant 0 : i32
      %dma_start3A_284 = tpu.memref_slice %arg4[%mul3A_282, %dma_start3A_283] : memref<160000x128xf32, #tpu.memory_space<hbm>> -> memref<128x128xf32, #tpu.memory_space<hbm>>
      %dma_start3A_285 = arith.constant 0 : i32
      %dma_start3A_286 = tpu.memref_slice %arg4[%mul3A_282, %dma_start3A_285] : memref<160000x128xf32, #tpu.memory_space<hbm>> -> memref<128x128xf32, #tpu.memory_space<hbm>>
      tpu.enqueue_dma source(%arg11 : memref<128x128xf32, #tpu.memory_space<vmem>>) target(%dma_start3A_286 : memref<128x128xf32, #tpu.memory_space<hbm>>) target_semaphore(%arg23 : memref<!tpu.dma_semaphore, #tpu.memory_space<semaphore_mem>>)
    }
    %mul3A_41 = arith.constant 6 : i32
    %mul3A_42 = arith.muli %select_n3A_31, %mul3A_41 : i32
    %add3A_43 = arith.constant 0 : i32
    %add3A_44 = arith.addi %mul3A_42, %add3A_43 : i32
    %gt3A = arith.constant 0 : i32
    %gt3A_45 = arith.cmpi sgt, %select_n3A_31, %gt3A : i32
    %convert_element_type3A_46 = arith.extui %gt3A_45 : i1 to i32
    %cond3A_47 = arith.constant 0 : i32
    %cond3A_48 = arith.cmpi ne, %convert_element_type3A_46, %cond3A_47 : i32
    scf.if %cond3A_48 {
      %dma_wait3A = arith.constant 0 : i32
      %dma_wait3A_108 = arith.constant 0 : i32
      %dma_wait3A_109 = tpu.memref_slice %arg4[%dma_wait3A, %dma_wait3A_108] : memref<160000x128xf32, #tpu.memory_space<hbm>> -> memref<128x128xf32, #tpu.memory_space<hbm>>
      %dma_wait3A_110 = arith.constant 0 : i32
      %dma_wait3A_111 = arith.constant 0 : i32
      %dma_wait3A_112 = tpu.memref_slice %arg4[%dma_wait3A_110, %dma_wait3A_111] : memref<160000x128xf32, #tpu.memory_space<hbm>> -> memref<128x128xf32, #tpu.memory_space<hbm>>
      tpu.wait_dma2 semaphore(%arg18 : memref<!tpu.dma_semaphore, #tpu.memory_space<semaphore_mem>>) src(%arg6 : memref<128x128xf32, #tpu.memory_space<vmem>>) dst(%dma_wait3A_112 : memref<128x128xf32, #tpu.memory_space<hbm>>)
    } else {
    }
    %lt3A_49 = arith.cmpi slt, %add3A_44, %add3A_4 : i32
    %convert_element_type3A_50 = arith.extui %lt3A_49 : i1 to i32
    %cond3A_51 = arith.constant 0 : i32
    %cond3A_52 = arith.cmpi ne, %convert_element_type3A_50, %cond3A_51 : i32
    scf.if %cond3A_52 {
      %mul3A_108 = arith.constant 128 : i32
      %mul3A_109 = arith.muli %add3A_44, %mul3A_108 : i32
      %dma_start3A = tpu.memref_slice %arg5[%mul3A_109] : memref<5120xi32, #tpu.memory_space<vmem>> -> memref<128xi32, #tpu.memory_space<vmem>>
      %dma_start3A_110 = arith.constant 0 : i32
      %dma_start3A_111 = arith.constant 0 : i32
      %dma_start3A_112 = tpu.memref_slice %arg2[%dma_start3A_110, %dma_start3A_111] : memref<10000x128xf32, #tpu.memory_space<hbm>> -> memref<10000x128xf32, #tpu.memory_space<hbm>>
      tpu.enqueue_indirect_dma source(%dma_start3A_112 : memref<10000x128xf32, #tpu.memory_space<hbm>>) target(%arg6 : memref<128x128xf32, #tpu.memory_space<vmem>>) offsets(%dma_start3A : memref<128xi32, #tpu.memory_space<vmem>>) semaphore(%arg12 : memref<!tpu.dma_semaphore, #tpu.memory_space<semaphore_mem>>)
      %dma_wait3A = tpu.memref_slice %arg5[%mul3A_109] : memref<5120xi32, #tpu.memory_space<vmem>> -> memref<128xi32, #tpu.memory_space<vmem>>
      %dma_wait3A_113 = arith.constant 0 : i32
      %dma_wait3A_114 = arith.constant 0 : i32
      %dma_wait3A_115 = tpu.memref_slice %arg2[%dma_wait3A_113, %dma_wait3A_114] : memref<10000x128xf32, #tpu.memory_space<hbm>> -> memref<10000x128xf32, #tpu.memory_space<hbm>>
      tpu.wait_indirect_dma semaphore(%arg12 : memref<!tpu.dma_semaphore, #tpu.memory_space<semaphore_mem>>) src(%dma_wait3A_115 : memref<10000x128xf32, #tpu.memory_space<hbm>>) dst(%arg6 : memref<128x128xf32, #tpu.memory_space<vmem>>)
      %add3A_116 = arith.addi %add3A_8, %add3A_44 : i32
      %mul3A_117 = arith.constant 128 : i32
      %mul3A_118 = arith.muli %add3A_116, %mul3A_117 : i32
      %dma_start3A_119 = arith.constant 0 : i32
      %dma_start3A_120 = tpu.memref_slice %arg4[%mul3A_118, %dma_start3A_119] : memref<160000x128xf32, #tpu.memory_space<hbm>> -> memref<128x128xf32, #tpu.memory_space<hbm>>
      %dma_start3A_121 = arith.constant 0 : i32
      %dma_start3A_122 = tpu.memref_slice %arg4[%mul3A_118, %dma_start3A_121] : memref<160000x128xf32, #tpu.memory_space<hbm>> -> memref<128x128xf32, #tpu.memory_space<hbm>>
      tpu.enqueue_dma source(%arg6 : memref<128x128xf32, #tpu.memory_space<vmem>>) target(%dma_start3A_122 : memref<128x128xf32, #tpu.memory_space<hbm>>) target_semaphore(%arg18 : memref<!tpu.dma_semaphore, #tpu.memory_space<semaphore_mem>>)
      %dma_wait3A_123 = arith.constant 0 : i32
      %dma_wait3A_124 = tpu.memref_slice %arg4[%mul3A_118, %dma_wait3A_123] : memref<160000x128xf32, #tpu.memory_space<hbm>> -> memref<128x128xf32, #tpu.memory_space<hbm>>
      %dma_wait3A_125 = arith.constant 0 : i32
      %dma_wait3A_126 = tpu.memref_slice %arg4[%mul3A_118, %dma_wait3A_125] : memref<160000x128xf32, #tpu.memory_space<hbm>> -> memref<128x128xf32, #tpu.memory_space<hbm>>
      tpu.wait_dma2 semaphore(%arg18 : memref<!tpu.dma_semaphore, #tpu.memory_space<semaphore_mem>>) src(%arg6 : memref<128x128xf32, #tpu.memory_space<vmem>>) dst(%dma_wait3A_126 : memref<128x128xf32, #tpu.memory_space<hbm>>)
    } else {
    }
    %add3A_53 = arith.constant 1 : i32
    %add3A_54 = arith.addi %mul3A_42, %add3A_53 : i32
    %gt3A_55 = arith.constant 0 : i32
    %gt3A_56 = arith.cmpi sgt, %select_n3A_31, %gt3A_55 : i32
    %convert_element_type3A_57 = arith.extui %gt3A_56 : i1 to i32
    %cond3A_58 = arith.constant 0 : i32
    %cond3A_59 = arith.cmpi ne, %convert_element_type3A_57, %cond3A_58 : i32
    scf.if %cond3A_59 {
      %dma_wait3A = arith.constant 0 : i32
      %dma_wait3A_108 = arith.constant 0 : i32
      %dma_wait3A_109 = tpu.memref_slice %arg4[%dma_wait3A, %dma_wait3A_108] : memref<160000x128xf32, #tpu.memory_space<hbm>> -> memref<128x128xf32, #tpu.memory_space<hbm>>
      %dma_wait3A_110 = arith.constant 0 : i32
      %dma_wait3A_111 = arith.constant 0 : i32
      %dma_wait3A_112 = tpu.memref_slice %arg4[%dma_wait3A_110, %dma_wait3A_111] : memref<160000x128xf32, #tpu.memory_space<hbm>> -> memref<128x128xf32, #tpu.memory_space<hbm>>
      tpu.wait_dma2 semaphore(%arg19 : memref<!tpu.dma_semaphore, #tpu.memory_space<semaphore_mem>>) src(%arg7 : memref<128x128xf32, #tpu.memory_space<vmem>>) dst(%dma_wait3A_112 : memref<128x128xf32, #tpu.memory_space<hbm>>)
    } else {
    }
    %lt3A_60 = arith.cmpi slt, %add3A_54, %add3A_4 : i32
    %convert_element_type3A_61 = arith.extui %lt3A_60 : i1 to i32
    %cond3A_62 = arith.constant 0 : i32
    %cond3A_63 = arith.cmpi ne, %convert_element_type3A_61, %cond3A_62 : i32
    scf.if %cond3A_63 {
      %mul3A_108 = arith.constant 128 : i32
      %mul3A_109 = arith.muli %add3A_54, %mul3A_108 : i32
      %dma_start3A = tpu.memref_slice %arg5[%mul3A_109] : memref<5120xi32, #tpu.memory_space<vmem>> -> memref<128xi32, #tpu.memory_space<vmem>>
      %dma_start3A_110 = arith.constant 0 : i32
      %dma_start3A_111 = arith.constant 0 : i32
      %dma_start3A_112 = tpu.memref_slice %arg2[%dma_start3A_110, %dma_start3A_111] : memref<10000x128xf32, #tpu.memory_space<hbm>> -> memref<10000x128xf32, #tpu.memory_space<hbm>>
      tpu.enqueue_indirect_dma source(%dma_start3A_112 : memref<10000x128xf32, #tpu.memory_space<hbm>>) target(%arg7 : memref<128x128xf32, #tpu.memory_space<vmem>>) offsets(%dma_start3A : memref<128xi32, #tpu.memory_space<vmem>>) semaphore(%arg13 : memref<!tpu.dma_semaphore, #tpu.memory_space<semaphore_mem>>)
      %dma_wait3A = tpu.memref_slice %arg5[%mul3A_109] : memref<5120xi32, #tpu.memory_space<vmem>> -> memref<128xi32, #tpu.memory_space<vmem>>
      %dma_wait3A_113 = arith.constant 0 : i32
      %dma_wait3A_114 = arith.constant 0 : i32
      %dma_wait3A_115 = tpu.memref_slice %arg2[%dma_wait3A_113, %dma_wait3A_114] : memref<10000x128xf32, #tpu.memory_space<hbm>> -> memref<10000x128xf32, #tpu.memory_space<hbm>>
      tpu.wait_indirect_dma semaphore(%arg13 : memref<!tpu.dma_semaphore, #tpu.memory_space<semaphore_mem>>) src(%dma_wait3A_115 : memref<10000x128xf32, #tpu.memory_space<hbm>>) dst(%arg7 : memref<128x128xf32, #tpu.memory_space<vmem>>)
      %add3A_116 = arith.addi %add3A_8, %add3A_54 : i32
      %mul3A_117 = arith.constant 128 : i32
      %mul3A_118 = arith.muli %add3A_116, %mul3A_117 : i32
      %dma_start3A_119 = arith.constant 0 : i32
      %dma_start3A_120 = tpu.memref_slice %arg4[%mul3A_118, %dma_start3A_119] : memref<160000x128xf32, #tpu.memory_space<hbm>> -> memref<128x128xf32, #tpu.memory_space<hbm>>
      %dma_start3A_121 = arith.constant 0 : i32
      %dma_start3A_122 = tpu.memref_slice %arg4[%mul3A_118, %dma_start3A_121] : memref<160000x128xf32, #tpu.memory_space<hbm>> -> memref<128x128xf32, #tpu.memory_space<hbm>>
      tpu.enqueue_dma source(%arg7 : memref<128x128xf32, #tpu.memory_space<vmem>>) target(%dma_start3A_122 : memref<128x128xf32, #tpu.memory_space<hbm>>) target_semaphore(%arg19 : memref<!tpu.dma_semaphore, #tpu.memory_space<semaphore_mem>>)
      %dma_wait3A_123 = arith.constant 0 : i32
      %dma_wait3A_124 = tpu.memref_slice %arg4[%mul3A_118, %dma_wait3A_123] : memref<160000x128xf32, #tpu.memory_space<hbm>> -> memref<128x128xf32, #tpu.memory_space<hbm>>
      %dma_wait3A_125 = arith.constant 0 : i32
      %dma_wait3A_126 = tpu.memref_slice %arg4[%mul3A_118, %dma_wait3A_125] : memref<160000x128xf32, #tpu.memory_space<hbm>> -> memref<128x128xf32, #tpu.memory_space<hbm>>
      tpu.wait_dma2 semaphore(%arg19 : memref<!tpu.dma_semaphore, #tpu.memory_space<semaphore_mem>>) src(%arg7 : memref<128x128xf32, #tpu.memory_space<vmem>>) dst(%dma_wait3A_126 : memref<128x128xf32, #tpu.memory_space<hbm>>)
    } else {
    }
    %add3A_64 = arith.constant 2 : i32
    %add3A_65 = arith.addi %mul3A_42, %add3A_64 : i32
    %gt3A_66 = arith.constant 0 : i32
    %gt3A_67 = arith.cmpi sgt, %select_n3A_31, %gt3A_66 : i32
    %convert_element_type3A_68 = arith.extui %gt3A_67 : i1 to i32
    %cond3A_69 = arith.constant 0 : i32
    %cond3A_70 = arith.cmpi ne, %convert_element_type3A_68, %cond3A_69 : i32
    scf.if %cond3A_70 {
      %dma_wait3A = arith.constant 0 : i32
      %dma_wait3A_108 = arith.constant 0 : i32
      %dma_wait3A_109 = tpu.memref_slice %arg4[%dma_wait3A, %dma_wait3A_108] : memref<160000x128xf32, #tpu.memory_space<hbm>> -> memref<128x128xf32, #tpu.memory_space<hbm>>
      %dma_wait3A_110 = arith.constant 0 : i32
      %dma_wait3A_111 = arith.constant 0 : i32
      %dma_wait3A_112 = tpu.memref_slice %arg4[%dma_wait3A_110, %dma_wait3A_111] : memref<160000x128xf32, #tpu.memory_space<hbm>> -> memref<128x128xf32, #tpu.memory_space<hbm>>
      tpu.wait_dma2 semaphore(%arg20 : memref<!tpu.dma_semaphore, #tpu.memory_space<semaphore_mem>>) src(%arg8 : memref<128x128xf32, #tpu.memory_space<vmem>>) dst(%dma_wait3A_112 : memref<128x128xf32, #tpu.memory_space<hbm>>)
    } else {
    }
    %lt3A_71 = arith.cmpi slt, %add3A_65, %add3A_4 : i32
    %convert_element_type3A_72 = arith.extui %lt3A_71 : i1 to i32
    %cond3A_73 = arith.constant 0 : i32
    %cond3A_74 = arith.cmpi ne, %convert_element_type3A_72, %cond3A_73 : i32
    scf.if %cond3A_74 {
      %mul3A_108 = arith.constant 128 : i32
      %mul3A_109 = arith.muli %add3A_65, %mul3A_108 : i32
      %dma_start3A = tpu.memref_slice %arg5[%mul3A_109] : memref<5120xi32, #tpu.memory_space<vmem>> -> memref<128xi32, #tpu.memory_space<vmem>>
      %dma_start3A_110 = arith.constant 0 : i32
      %dma_start3A_111 = arith.constant 0 : i32
      %dma_start3A_112 = tpu.memref_slice %arg2[%dma_start3A_110, %dma_start3A_111] : memref<10000x128xf32, #tpu.memory_space<hbm>> -> memref<10000x128xf32, #tpu.memory_space<hbm>>
      tpu.enqueue_indirect_dma source(%dma_start3A_112 : memref<10000x128xf32, #tpu.memory_space<hbm>>) target(%arg8 : memref<128x128xf32, #tpu.memory_space<vmem>>) offsets(%dma_start3A : memref<128xi32, #tpu.memory_space<vmem>>) semaphore(%arg14 : memref<!tpu.dma_semaphore, #tpu.memory_space<semaphore_mem>>)
      %dma_wait3A = tpu.memref_slice %arg5[%mul3A_109] : memref<5120xi32, #tpu.memory_space<vmem>> -> memref<128xi32, #tpu.memory_space<vmem>>
      %dma_wait3A_113 = arith.constant 0 : i32
      %dma_wait3A_114 = arith.constant 0 : i32
      %dma_wait3A_115 = tpu.memref_slice %arg2[%dma_wait3A_113, %dma_wait3A_114] : memref<10000x128xf32, #tpu.memory_space<hbm>> -> memref<10000x128xf32, #tpu.memory_space<hbm>>
      tpu.wait_indirect_dma semaphore(%arg14 : memref<!tpu.dma_semaphore, #tpu.memory_space<semaphore_mem>>) src(%dma_wait3A_115 : memref<10000x128xf32, #tpu.memory_space<hbm>>) dst(%arg8 : memref<128x128xf32, #tpu.memory_space<vmem>>)
      %add3A_116 = arith.addi %add3A_8, %add3A_65 : i32
      %mul3A_117 = arith.constant 128 : i32
      %mul3A_118 = arith.muli %add3A_116, %mul3A_117 : i32
      %dma_start3A_119 = arith.constant 0 : i32
      %dma_start3A_120 = tpu.memref_slice %arg4[%mul3A_118, %dma_start3A_119] : memref<160000x128xf32, #tpu.memory_space<hbm>> -> memref<128x128xf32, #tpu.memory_space<hbm>>
      %dma_start3A_121 = arith.constant 0 : i32
      %dma_start3A_122 = tpu.memref_slice %arg4[%mul3A_118, %dma_start3A_121] : memref<160000x128xf32, #tpu.memory_space<hbm>> -> memref<128x128xf32, #tpu.memory_space<hbm>>
      tpu.enqueue_dma source(%arg8 : memref<128x128xf32, #tpu.memory_space<vmem>>) target(%dma_start3A_122 : memref<128x128xf32, #tpu.memory_space<hbm>>) target_semaphore(%arg20 : memref<!tpu.dma_semaphore, #tpu.memory_space<semaphore_mem>>)
      %dma_wait3A_123 = arith.constant 0 : i32
      %dma_wait3A_124 = tpu.memref_slice %arg4[%mul3A_118, %dma_wait3A_123] : memref<160000x128xf32, #tpu.memory_space<hbm>> -> memref<128x128xf32, #tpu.memory_space<hbm>>
      %dma_wait3A_125 = arith.constant 0 : i32
      %dma_wait3A_126 = tpu.memref_slice %arg4[%mul3A_118, %dma_wait3A_125] : memref<160000x128xf32, #tpu.memory_space<hbm>> -> memref<128x128xf32, #tpu.memory_space<hbm>>
      tpu.wait_dma2 semaphore(%arg20 : memref<!tpu.dma_semaphore, #tpu.memory_space<semaphore_mem>>) src(%arg8 : memref<128x128xf32, #tpu.memory_space<vmem>>) dst(%dma_wait3A_126 : memref<128x128xf32, #tpu.memory_space<hbm>>)
    } else {
    }
    %add3A_75 = arith.constant 3 : i32
    %add3A_76 = arith.addi %mul3A_42, %add3A_75 : i32
    %gt3A_77 = arith.constant 0 : i32
    %gt3A_78 = arith.cmpi sgt, %select_n3A_31, %gt3A_77 : i32
    %convert_element_type3A_79 = arith.extui %gt3A_78 : i1 to i32
    %cond3A_80 = arith.constant 0 : i32
    %cond3A_81 = arith.cmpi ne, %convert_element_type3A_79, %cond3A_80 : i32
    scf.if %cond3A_81 {
      %dma_wait3A = arith.constant 0 : i32
      %dma_wait3A_108 = arith.constant 0 : i32
      %dma_wait3A_109 = tpu.memref_slice %arg4[%dma_wait3A, %dma_wait3A_108] : memref<160000x128xf32, #tpu.memory_space<hbm>> -> memref<128x128xf32, #tpu.memory_space<hbm>>
      %dma_wait3A_110 = arith.constant 0 : i32
      %dma_wait3A_111 = arith.constant 0 : i32
      %dma_wait3A_112 = tpu.memref_slice %arg4[%dma_wait3A_110, %dma_wait3A_111] : memref<160000x128xf32, #tpu.memory_space<hbm>> -> memref<128x128xf32, #tpu.memory_space<hbm>>
      tpu.wait_dma2 semaphore(%arg21 : memref<!tpu.dma_semaphore, #tpu.memory_space<semaphore_mem>>) src(%arg9 : memref<128x128xf32, #tpu.memory_space<vmem>>) dst(%dma_wait3A_112 : memref<128x128xf32, #tpu.memory_space<hbm>>)
    } else {
    }
    %lt3A_82 = arith.cmpi slt, %add3A_76, %add3A_4 : i32
    %convert_element_type3A_83 = arith.extui %lt3A_82 : i1 to i32
    %cond3A_84 = arith.constant 0 : i32
    %cond3A_85 = arith.cmpi ne, %convert_element_type3A_83, %cond3A_84 : i32
    scf.if %cond3A_85 {
      %mul3A_108 = arith.constant 128 : i32
      %mul3A_109 = arith.muli %add3A_76, %mul3A_108 : i32
      %dma_start3A = tpu.memref_slice %arg5[%mul3A_109] : memref<5120xi32, #tpu.memory_space<vmem>> -> memref<128xi32, #tpu.memory_space<vmem>>
      %dma_start3A_110 = arith.constant 0 : i32
      %dma_start3A_111 = arith.constant 0 : i32
      %dma_start3A_112 = tpu.memref_slice %arg2[%dma_start3A_110, %dma_start3A_111] : memref<10000x128xf32, #tpu.memory_space<hbm>> -> memref<10000x128xf32, #tpu.memory_space<hbm>>
      tpu.enqueue_indirect_dma source(%dma_start3A_112 : memref<10000x128xf32, #tpu.memory_space<hbm>>) target(%arg9 : memref<128x128xf32, #tpu.memory_space<vmem>>) offsets(%dma_start3A : memref<128xi32, #tpu.memory_space<vmem>>) semaphore(%arg15 : memref<!tpu.dma_semaphore, #tpu.memory_space<semaphore_mem>>)
      %dma_wait3A = tpu.memref_slice %arg5[%mul3A_109] : memref<5120xi32, #tpu.memory_space<vmem>> -> memref<128xi32, #tpu.memory_space<vmem>>
      %dma_wait3A_113 = arith.constant 0 : i32
      %dma_wait3A_114 = arith.constant 0 : i32
      %dma_wait3A_115 = tpu.memref_slice %arg2[%dma_wait3A_113, %dma_wait3A_114] : memref<10000x128xf32, #tpu.memory_space<hbm>> -> memref<10000x128xf32, #tpu.memory_space<hbm>>
      tpu.wait_indirect_dma semaphore(%arg15 : memref<!tpu.dma_semaphore, #tpu.memory_space<semaphore_mem>>) src(%dma_wait3A_115 : memref<10000x128xf32, #tpu.memory_space<hbm>>) dst(%arg9 : memref<128x128xf32, #tpu.memory_space<vmem>>)
      %add3A_116 = arith.addi %add3A_8, %add3A_76 : i32
      %mul3A_117 = arith.constant 128 : i32
      %mul3A_118 = arith.muli %add3A_116, %mul3A_117 : i32
      %dma_start3A_119 = arith.constant 0 : i32
      %dma_start3A_120 = tpu.memref_slice %arg4[%mul3A_118, %dma_start3A_119] : memref<160000x128xf32, #tpu.memory_space<hbm>> -> memref<128x128xf32, #tpu.memory_space<hbm>>
      %dma_start3A_121 = arith.constant 0 : i32
      %dma_start3A_122 = tpu.memref_slice %arg4[%mul3A_118, %dma_start3A_121] : memref<160000x128xf32, #tpu.memory_space<hbm>> -> memref<128x128xf32, #tpu.memory_space<hbm>>
      tpu.enqueue_dma source(%arg9 : memref<128x128xf32, #tpu.memory_space<vmem>>) target(%dma_start3A_122 : memref<128x128xf32, #tpu.memory_space<hbm>>) target_semaphore(%arg21 : memref<!tpu.dma_semaphore, #tpu.memory_space<semaphore_mem>>)
      %dma_wait3A_123 = arith.constant 0 : i32
      %dma_wait3A_124 = tpu.memref_slice %arg4[%mul3A_118, %dma_wait3A_123] : memref<160000x128xf32, #tpu.memory_space<hbm>> -> memref<128x128xf32, #tpu.memory_space<hbm>>
      %dma_wait3A_125 = arith.constant 0 : i32
      %dma_wait3A_126 = tpu.memref_slice %arg4[%mul3A_118, %dma_wait3A_125] : memref<160000x128xf32, #tpu.memory_space<hbm>> -> memref<128x128xf32, #tpu.memory_space<hbm>>
      tpu.wait_dma2 semaphore(%arg21 : memref<!tpu.dma_semaphore, #tpu.memory_space<semaphore_mem>>) src(%arg9 : memref<128x128xf32, #tpu.memory_space<vmem>>) dst(%dma_wait3A_126 : memref<128x128xf32, #tpu.memory_space<hbm>>)
    } else {
    }
    %add3A_86 = arith.constant 4 : i32
    %add3A_87 = arith.addi %mul3A_42, %add3A_86 : i32
    %gt3A_88 = arith.constant 0 : i32
    %gt3A_89 = arith.cmpi sgt, %select_n3A_31, %gt3A_88 : i32
    %convert_element_type3A_90 = arith.extui %gt3A_89 : i1 to i32
    %cond3A_91 = arith.constant 0 : i32
    %cond3A_92 = arith.cmpi ne, %convert_element_type3A_90, %cond3A_91 : i32
    scf.if %cond3A_92 {
      %dma_wait3A = arith.constant 0 : i32
      %dma_wait3A_108 = arith.constant 0 : i32
      %dma_wait3A_109 = tpu.memref_slice %arg4[%dma_wait3A, %dma_wait3A_108] : memref<160000x128xf32, #tpu.memory_space<hbm>> -> memref<128x128xf32, #tpu.memory_space<hbm>>
      %dma_wait3A_110 = arith.constant 0 : i32
      %dma_wait3A_111 = arith.constant 0 : i32
      %dma_wait3A_112 = tpu.memref_slice %arg4[%dma_wait3A_110, %dma_wait3A_111] : memref<160000x128xf32, #tpu.memory_space<hbm>> -> memref<128x128xf32, #tpu.memory_space<hbm>>
      tpu.wait_dma2 semaphore(%arg22 : memref<!tpu.dma_semaphore, #tpu.memory_space<semaphore_mem>>) src(%arg10 : memref<128x128xf32, #tpu.memory_space<vmem>>) dst(%dma_wait3A_112 : memref<128x128xf32, #tpu.memory_space<hbm>>)
    } else {
    }
    %lt3A_93 = arith.cmpi slt, %add3A_87, %add3A_4 : i32
    %convert_element_type3A_94 = arith.extui %lt3A_93 : i1 to i32
    %cond3A_95 = arith.constant 0 : i32
    %cond3A_96 = arith.cmpi ne, %convert_element_type3A_94, %cond3A_95 : i32
    scf.if %cond3A_96 {
      %mul3A_108 = arith.constant 128 : i32
      %mul3A_109 = arith.muli %add3A_87, %mul3A_108 : i32
      %dma_start3A = tpu.memref_slice %arg5[%mul3A_109] : memref<5120xi32, #tpu.memory_space<vmem>> -> memref<128xi32, #tpu.memory_space<vmem>>
      %dma_start3A_110 = arith.constant 0 : i32
      %dma_start3A_111 = arith.constant 0 : i32
      %dma_start3A_112 = tpu.memref_slice %arg2[%dma_start3A_110, %dma_start3A_111] : memref<10000x128xf32, #tpu.memory_space<hbm>> -> memref<10000x128xf32, #tpu.memory_space<hbm>>
      tpu.enqueue_indirect_dma source(%dma_start3A_112 : memref<10000x128xf32, #tpu.memory_space<hbm>>) target(%arg10 : memref<128x128xf32, #tpu.memory_space<vmem>>) offsets(%dma_start3A : memref<128xi32, #tpu.memory_space<vmem>>) semaphore(%arg16 : memref<!tpu.dma_semaphore, #tpu.memory_space<semaphore_mem>>)
      %dma_wait3A = tpu.memref_slice %arg5[%mul3A_109] : memref<5120xi32, #tpu.memory_space<vmem>> -> memref<128xi32, #tpu.memory_space<vmem>>
      %dma_wait3A_113 = arith.constant 0 : i32
      %dma_wait3A_114 = arith.constant 0 : i32
      %dma_wait3A_115 = tpu.memref_slice %arg2[%dma_wait3A_113, %dma_wait3A_114] : memref<10000x128xf32, #tpu.memory_space<hbm>> -> memref<10000x128xf32, #tpu.memory_space<hbm>>
      tpu.wait_indirect_dma semaphore(%arg16 : memref<!tpu.dma_semaphore, #tpu.memory_space<semaphore_mem>>) src(%dma_wait3A_115 : memref<10000x128xf32, #tpu.memory_space<hbm>>) dst(%arg10 : memref<128x128xf32, #tpu.memory_space<vmem>>)
      %add3A_116 = arith.addi %add3A_8, %add3A_87 : i32
      %mul3A_117 = arith.constant 128 : i32
      %mul3A_118 = arith.muli %add3A_116, %mul3A_117 : i32
      %dma_start3A_119 = arith.constant 0 : i32
      %dma_start3A_120 = tpu.memref_slice %arg4[%mul3A_118, %dma_start3A_119] : memref<160000x128xf32, #tpu.memory_space<hbm>> -> memref<128x128xf32, #tpu.memory_space<hbm>>
      %dma_start3A_121 = arith.constant 0 : i32
      %dma_start3A_122 = tpu.memref_slice %arg4[%mul3A_118, %dma_start3A_121] : memref<160000x128xf32, #tpu.memory_space<hbm>> -> memref<128x128xf32, #tpu.memory_space<hbm>>
      tpu.enqueue_dma source(%arg10 : memref<128x128xf32, #tpu.memory_space<vmem>>) target(%dma_start3A_122 : memref<128x128xf32, #tpu.memory_space<hbm>>) target_semaphore(%arg22 : memref<!tpu.dma_semaphore, #tpu.memory_space<semaphore_mem>>)
      %dma_wait3A_123 = arith.constant 0 : i32
      %dma_wait3A_124 = tpu.memref_slice %arg4[%mul3A_118, %dma_wait3A_123] : memref<160000x128xf32, #tpu.memory_space<hbm>> -> memref<128x128xf32, #tpu.memory_space<hbm>>
      %dma_wait3A_125 = arith.constant 0 : i32
      %dma_wait3A_126 = tpu.memref_slice %arg4[%mul3A_118, %dma_wait3A_125] : memref<160000x128xf32, #tpu.memory_space<hbm>> -> memref<128x128xf32, #tpu.memory_space<hbm>>
      tpu.wait_dma2 semaphore(%arg22 : memref<!tpu.dma_semaphore, #tpu.memory_space<semaphore_mem>>) src(%arg10 : memref<128x128xf32, #tpu.memory_space<vmem>>) dst(%dma_wait3A_126 : memref<128x128xf32, #tpu.memory_space<hbm>>)
    } else {
    }
    %add3A_97 = arith.constant 5 : i32
    %add3A_98 = arith.addi %mul3A_42, %add3A_97 : i32
    %gt3A_99 = arith.constant 0 : i32
    %gt3A_100 = arith.cmpi sgt, %select_n3A_31, %gt3A_99 : i32
    %convert_element_type3A_101 = arith.extui %gt3A_100 : i1 to i32
    %cond3A_102 = arith.constant 0 : i32
    %cond3A_103 = arith.cmpi ne, %convert_element_type3A_101, %cond3A_102 : i32
    scf.if %cond3A_103 {
      %dma_wait3A = arith.constant 0 : i32
      %dma_wait3A_108 = arith.constant 0 : i32
      %dma_wait3A_109 = tpu.memref_slice %arg4[%dma_wait3A, %dma_wait3A_108] : memref<160000x128xf32, #tpu.memory_space<hbm>> -> memref<128x128xf32, #tpu.memory_space<hbm>>
      %dma_wait3A_110 = arith.constant 0 : i32
      %dma_wait3A_111 = arith.constant 0 : i32
      %dma_wait3A_112 = tpu.memref_slice %arg4[%dma_wait3A_110, %dma_wait3A_111] : memref<160000x128xf32, #tpu.memory_space<hbm>> -> memref<128x128xf32, #tpu.memory_space<hbm>>
      tpu.wait_dma2 semaphore(%arg23 : memref<!tpu.dma_semaphore, #tpu.memory_space<semaphore_mem>>) src(%arg11 : memref<128x128xf32, #tpu.memory_space<vmem>>) dst(%dma_wait3A_112 : memref<128x128xf32, #tpu.memory_space<hbm>>)
    } else {
    }
    %lt3A_104 = arith.cmpi slt, %add3A_98, %add3A_4 : i32
    %convert_element_type3A_105 = arith.extui %lt3A_104 : i1 to i32
    %cond3A_106 = arith.constant 0 : i32
    %cond3A_107 = arith.cmpi ne, %convert_element_type3A_105, %cond3A_106 : i32
    scf.if %cond3A_107 {
      %mul3A_108 = arith.constant 128 : i32
      %mul3A_109 = arith.muli %add3A_98, %mul3A_108 : i32
      %dma_start3A = tpu.memref_slice %arg5[%mul3A_109] : memref<5120xi32, #tpu.memory_space<vmem>> -> memref<128xi32, #tpu.memory_space<vmem>>
      %dma_start3A_110 = arith.constant 0 : i32
      %dma_start3A_111 = arith.constant 0 : i32
      %dma_start3A_112 = tpu.memref_slice %arg2[%dma_start3A_110, %dma_start3A_111] : memref<10000x128xf32, #tpu.memory_space<hbm>> -> memref<10000x128xf32, #tpu.memory_space<hbm>>
      tpu.enqueue_indirect_dma source(%dma_start3A_112 : memref<10000x128xf32, #tpu.memory_space<hbm>>) target(%arg11 : memref<128x128xf32, #tpu.memory_space<vmem>>) offsets(%dma_start3A : memref<128xi32, #tpu.memory_space<vmem>>) semaphore(%arg17 : memref<!tpu.dma_semaphore, #tpu.memory_space<semaphore_mem>>)
      %dma_wait3A = tpu.memref_slice %arg5[%mul3A_109] : memref<5120xi32, #tpu.memory_space<vmem>> -> memref<128xi32, #tpu.memory_space<vmem>>
      %dma_wait3A_113 = arith.constant 0 : i32
      %dma_wait3A_114 = arith.constant 0 : i32
      %dma_wait3A_115 = tpu.memref_slice %arg2[%dma_wait3A_113, %dma_wait3A_114] : memref<10000x128xf32, #tpu.memory_space<hbm>> -> memref<10000x128xf32, #tpu.memory_space<hbm>>
      tpu.wait_indirect_dma semaphore(%arg17 : memref<!tpu.dma_semaphore, #tpu.memory_space<semaphore_mem>>) src(%dma_wait3A_115 : memref<10000x128xf32, #tpu.memory_space<hbm>>) dst(%arg11 : memref<128x128xf32, #tpu.memory_space<vmem>>)
      %add3A_116 = arith.addi %add3A_8, %add3A_98 : i32
      %mul3A_117 = arith.constant 128 : i32
      %mul3A_118 = arith.muli %add3A_116, %mul3A_117 : i32
      %dma_start3A_119 = arith.constant 0 : i32
      %dma_start3A_120 = tpu.memref_slice %arg4[%mul3A_118, %dma_start3A_119] : memref<160000x128xf32, #tpu.memory_space<hbm>> -> memref<128x128xf32, #tpu.memory_space<hbm>>
      %dma_start3A_121 = arith.constant 0 : i32
      %dma_start3A_122 = tpu.memref_slice %arg4[%mul3A_118, %dma_start3A_121] : memref<160000x128xf32, #tpu.memory_space<hbm>> -> memref<128x128xf32, #tpu.memory_space<hbm>>
      tpu.enqueue_dma source(%arg11 : memref<128x128xf32, #tpu.memory_space<vmem>>) target(%dma_start3A_122 : memref<128x128xf32, #tpu.memory_space<hbm>>) target_semaphore(%arg23 : memref<!tpu.dma_semaphore, #tpu.memory_space<semaphore_mem>>)
      %dma_wait3A_123 = arith.constant 0 : i32
      %dma_wait3A_124 = tpu.memref_slice %arg4[%mul3A_118, %dma_wait3A_123] : memref<160000x128xf32, #tpu.memory_space<hbm>> -> memref<128x128xf32, #tpu.memory_space<hbm>>
      %dma_wait3A_125 = arith.constant 0 : i32
      %dma_wait3A_126 = tpu.memref_slice %arg4[%mul3A_118, %dma_wait3A_125] : memref<160000x128xf32, #tpu.memory_space<hbm>> -> memref<128x128xf32, #tpu.memory_space<hbm>>
      tpu.wait_dma2 semaphore(%arg23 : memref<!tpu.dma_semaphore, #tpu.memory_space<semaphore_mem>>) src(%arg11 : memref<128x128xf32, #tpu.memory_space<vmem>>) dst(%dma_wait3A_126 : memref<128x128xf32, #tpu.memory_space<hbm>>)
    } else {
    }
    return
  }
}

#map = affine_map<(d0, d1) -> (0, 0)>
#map1 = affine_map<(d0, d1) -> (0)>
module attributes {stable_mosaic.version = 14 : i64} {
  func.func @k(%arg0: i32, %arg1: i32, %arg2: memref<10000x128xf32, #tpu.memory_space<hbm>>, %arg3: memref<160000xi32, #tpu.memory_space<hbm>>, %arg4: memref<160000x128xf32, #tpu.memory_space<hbm>>, %arg5: memref<5120xi32, #tpu.memory_space<vmem>>, %arg6: memref<128x128xf32, #tpu.memory_space<vmem>>, %arg7: memref<128x128xf32, #tpu.memory_space<vmem>>, %arg8: memref<128x128xf32, #tpu.memory_space<vmem>>, %arg9: memref<128x128xf32, #tpu.memory_space<vmem>>, %arg10: memref<128x128xf32, #tpu.memory_space<vmem>>, %arg11: memref<128x128xf32, #tpu.memory_space<vmem>>, %arg12: memref<!tpu.dma_semaphore, #tpu.memory_space<semaphore_mem>>, %arg13: memref<!tpu.dma_semaphore, #tpu.memory_space<semaphore_mem>>, %arg14: memref<!tpu.dma_semaphore, #tpu.memory_space<semaphore_mem>>, %arg15: memref<!tpu.dma_semaphore, #tpu.memory_space<semaphore_mem>>, %arg16: memref<!tpu.dma_semaphore, #tpu.memory_space<semaphore_mem>>, %arg17: memref<!tpu.dma_semaphore, #tpu.memory_space<semaphore_mem>>, %arg18: memref<!tpu.dma_semaphore, #tpu.memory_space<semaphore_mem>>, %arg19: memref<!tpu.dma_semaphore, #tpu.memory_space<semaphore_mem>>, %arg20: memref<!tpu.dma_semaphore, #tpu.memory_space<semaphore_mem>>, %arg21: memref<!tpu.dma_semaphore, #tpu.memory_space<semaphore_mem>>, %arg22: memref<!tpu.dma_semaphore, #tpu.memory_space<semaphore_mem>>, %arg23: memref<!tpu.dma_semaphore, #tpu.memory_space<semaphore_mem>>) attributes {dimension_semantics = [#tpu.dimension_semantics<core_parallel>, #tpu.dimension_semantics<subcore_parallel>], iteration_bounds = array<i64: 2, 16>, scalar_prefetch = 0 : i64, scratch_operands = 19 : i64, tpu.core_type = #tpu.core_type<sc_vector_subcore>, window_params = [{transform_indices = #map}, {transform_indices = #map1}, {transform_indices = #map}]} {
    %mul3A = arith.constant 2 : i32
    %mul3A_0 = arith.muli %arg1, %mul3A : i32
    %add3A = arith.addi %mul3A_0, %arg0 : i32
    %lt3A = arith.constant 2 : i32
    %lt3A_1 = arith.cmpi slt, %add3A, %lt3A : i32
    %jit3A = arith.constant 1 : i32
    %jit3A_2 = arith.constant 0 : i32
    %select_n3A = arith.select %lt3A_1, %jit3A, %jit3A_2 : i32
    %add3A_3 = arith.constant 39 : i32
    %add3A_4 = arith.addi %add3A_3, %select_n3A : i32
    %mul3A_5 = arith.constant 39 : i32
    %mul3A_6 = arith.muli %add3A, %mul3A_5 : i32
    %min3A = arith.constant 2 : i32
    %min3A_7 = arith.minsi %add3A, %min3A : i32
    %add3A_8 = arith.addi %mul3A_6, %min3A_7 : i32
    %mul3A_9 = arith.constant 128 : i32
    %mul3A_10 = arith.muli %add3A_8, %mul3A_9 : i32
    "tpu.region"() ({
      %run_scoped3A = tpu.sem_alloc : memref<!tpu.dma_semaphore, #tpu.memory_space<semaphore_mem>>
      %dma_start3A = arith.constant 0 : i32
      %dma_start3A_108 = tpu.memref_slice %arg5[%dma_start3A] : memref<5120xi32, #tpu.memory_space<vmem>> -> memref<4992xi32, #tpu.memory_space<vmem>>
      %dma_start3A_109 = tpu.memref_slice %arg3[%mul3A_10] : memref<160000xi32, #tpu.memory_space<hbm>> -> memref<4992xi32, #tpu.memory_space<hbm>>
      %dma_start3A_110 = arith.constant 0 : i32
      %dma_start3A_111 = tpu.memref_slice %arg5[%dma_start3A_110] : memref<5120xi32, #tpu.memory_space<vmem>> -> memref<4992xi32, #tpu.memory_space<vmem>>
      %dma_start3A_112 = tpu.memref_slice %arg3[%mul3A_10] : memref<160000xi32, #tpu.memory_space<hbm>> -> memref<4992xi32, #tpu.memory_space<hbm>>
      tpu.enqueue_dma source(%dma_start3A_112 : memref<4992xi32, #tpu.memory_space<hbm>>) target(%dma_start3A_111 : memref<4992xi32, #tpu.memory_space<vmem>>) target_semaphore(%run_scoped3A : memref<!tpu.dma_semaphore, #tpu.memory_space<semaphore_mem>>)
      %dma_wait3A = arith.constant 0 : i32
      %dma_wait3A_113 = tpu.memref_slice %arg5[%dma_wait3A] : memref<5120xi32, #tpu.memory_space<vmem>> -> memref<4992xi32, #tpu.memory_space<vmem>>
      %dma_wait3A_114 = tpu.memref_slice %arg3[%mul3A_10] : memref<160000xi32, #tpu.memory_space<hbm>> -> memref<4992xi32, #tpu.memory_space<hbm>>
      %dma_wait3A_115 = arith.constant 0 : i32
      %dma_wait3A_116 = tpu.memref_slice %arg5[%dma_wait3A_115] : memref<5120xi32, #tpu.memory_space<vmem>> -> memref<4992xi32, #tpu.memory_space<vmem>>
      %dma_wait3A_117 = tpu.memref_slice %arg3[%mul3A_10] : memref<160000xi32, #tpu.memory_space<hbm>> -> memref<4992xi32, #tpu.memory_space<hbm>>
      tpu.wait_dma2 semaphore(%run_scoped3A : memref<!tpu.dma_semaphore, #tpu.memory_space<semaphore_mem>>) src(%dma_wait3A_117 : memref<4992xi32, #tpu.memory_space<hbm>>) dst(%dma_wait3A_116 : memref<4992xi32, #tpu.memory_space<vmem>>)
      tpu.yield
    }) : () -> ()
    %lt3A_11 = arith.constant 2 : i32
    %lt3A_12 = arith.cmpi slt, %add3A, %lt3A_11 : i32
    %convert_element_type3A = arith.extui %lt3A_12 : i1 to i32
    %cond3A = arith.constant 0 : i32
    %cond3A_13 = arith.cmpi ne, %convert_element_type3A, %cond3A : i32
    scf.if %cond3A_13 {
      %add3A_108 = arith.constant 4992 : i32
      %add3A_109 = arith.addi %mul3A_10, %add3A_108 : i32
      "tpu.region"() ({
        %run_scoped3A = tpu.sem_alloc : memref<!tpu.dma_semaphore, #tpu.memory_space<semaphore_mem>>
        %dma_start3A = arith.constant 4992 : i32
        %dma_start3A_110 = tpu.memref_slice %arg5[%dma_start3A] : memref<5120xi32, #tpu.memory_space<vmem>> -> memref<128xi32, #tpu.memory_space<vmem>>
        %dma_start3A_111 = tpu.memref_slice %arg3[%add3A_109] : memref<160000xi32, #tpu.memory_space<hbm>> -> memref<128xi32, #tpu.memory_space<hbm>>
        %dma_start3A_112 = arith.constant 4992 : i32
        %dma_start3A_113 = tpu.memref_slice %arg5[%dma_start3A_112] : memref<5120xi32, #tpu.memory_space<vmem>> -> memref<128xi32, #tpu.memory_space<vmem>>
        %dma_start3A_114 = tpu.memref_slice %arg3[%add3A_109] : memref<160000xi32, #tpu.memory_space<hbm>> -> memref<128xi32, #tpu.memory_space<hbm>>
        tpu.enqueue_dma source(%dma_start3A_114 : memref<128xi32, #tpu.memory_space<hbm>>) target(%dma_start3A_113 : memref<128xi32, #tpu.memory_space<vmem>>) target_semaphore(%run_scoped3A : memref<!tpu.dma_semaphore, #tpu.memory_space<semaphore_mem>>)
        %dma_wait3A = arith.constant 4992 : i32
        %dma_wait3A_115 = tpu.memref_slice %arg5[%dma_wait3A] : memref<5120xi32, #tpu.memory_space<vmem>> -> memref<128xi32, #tpu.memory_space<vmem>>
        %dma_wait3A_116 = tpu.memref_slice %arg3[%add3A_109] : memref<160000xi32, #tpu.memory_space<hbm>> -> memref<128xi32, #tpu.memory_space<hbm>>
        %dma_wait3A_117 = arith.constant 4992 : i32
        %dma_wait3A_118 = tpu.memref_slice %arg5[%dma_wait3A_117] : memref<5120xi32, #tpu.memory_space<vmem>> -> memref<128xi32, #tpu.memory_space<vmem>>
        %dma_wait3A_119 = tpu.memref_slice %arg3[%add3A_109] : memref<160000xi32, #tpu.memory_space<hbm>> -> memref<128xi32, #tpu.memory_space<hbm>>
        tpu.wait_dma2 semaphore(%run_scoped3A : memref<!tpu.dma_semaphore, #tpu.memory_space<semaphore_mem>>) src(%dma_wait3A_119 : memref<128xi32, #tpu.memory_space<hbm>>) dst(%dma_wait3A_118 : memref<128xi32, #tpu.memory_space<vmem>>)
        tpu.yield
      }) : () -> ()
    } else {
    }
    %jit3A_14 = arith.constant 6 : i32
    %div3A = arith.divsi %add3A_4, %jit3A_14 : i32
    %sign3A = arith.constant 0 : i32
    %sign3A_15 = arith.cmpi sgt, %add3A_4, %sign3A : i32
    %sign3A_16 = arith.extui %sign3A_15 : i1 to i32
    %sign3A_17 = arith.constant 0 : i32
    %sign3A_18 = arith.cmpi slt, %add3A_4, %sign3A_17 : i32
    %sign3A_19 = arith.extui %sign3A_18 : i1 to i32
    %sign3A_20 = arith.subi %sign3A_16, %sign3A_19 : i32
    %sign3A_21 = arith.constant 0 : i32
    %sign3A_22 = arith.cmpi sgt, %jit3A_14, %sign3A_21 : i32
    %sign3A_23 = arith.extui %sign3A_22 : i1 to i32
    %sign3A_24 = arith.constant 0 : i32
    %sign3A_25 = arith.cmpi slt, %jit3A_14, %sign3A_24 : i32
    %sign3A_26 = arith.extui %sign3A_25 : i1 to i32
    %sign3A_27 = arith.subi %sign3A_23, %sign3A_26 : i32
    %ne3A = arith.cmpi ne, %sign3A_20, %sign3A_27 : i32
    %rem3A = arith.remsi %add3A_4, %jit3A_14 : i32
    %ne3A_28 = arith.constant 0 : i32
    %ne3A_29 = arith.cmpi ne, %rem3A, %ne3A_28 : i32
    %and3A = arith.andi %ne3A, %ne3A_29 : i1
    %sub3A = arith.constant 1 : i32
    %sub3A_30 = arith.subi %div3A, %sub3A : i32
    %select_n3A_31 = arith.select %and3A, %sub3A_30, %div3A : i32
    %while3A = arith.constant 0 : i32
    %while3A_32 = arith.constant 0 : i32
    %while3A_33 = arith.subi %select_n3A_31, %while3A_32 : i32
    %while3A_34 = arith.addi %while3A_32, %while3A_33 : i32
    %while3A_35 = arith.constant 1 : i32
    %while3A_36 = arith.divsi %while3A_33, %while3A_35 : i32
    %while3A_37 = arith.muli %while3A_36, %while3A_35 : i32
    %while3A_38 = arith.addi %while3A_32, %while3A_37 : i32
    %while3A_39 = arith.constant 1 : i32
    scf.for %while3A_108 = %while3A_32 to %while3A_38 step %while3A_39  : i32 {
      %mul3A_109 = arith.constant 6 : i32
      %mul3A_110 = arith.muli %while3A_108, %mul3A_109 : i32
      %add3A_111 = arith.constant 0 : i32
      %add3A_112 = arith.addi %mul3A_110, %add3A_111 : i32
      %gt3A_113 = arith.constant 0 : i32
      %gt3A_114 = arith.cmpi sgt, %while3A_108, %gt3A_113 : i32
      %convert_element_type3A_115 = arith.extui %gt3A_114 : i1 to i32
      %cond3A_116 = arith.constant 0 : i32
      %cond3A_117 = arith.cmpi ne, %convert_element_type3A_115, %cond3A_116 : i32
      scf.if %cond3A_117 {
        %dma_wait3A_287 = arith.constant 0 : i32
        %dma_wait3A_288 = arith.constant 0 : i32
        %dma_wait3A_289 = tpu.memref_slice %arg4[%dma_wait3A_287, %dma_wait3A_288] : memref<160000x128xf32, #tpu.memory_space<hbm>> -> memref<128x128xf32, #tpu.memory_space<hbm>>
        %dma_wait3A_290 = arith.constant 0 : i32
        %dma_wait3A_291 = arith.constant 0 : i32
        %dma_wait3A_292 = tpu.memref_slice %arg4[%dma_wait3A_290, %dma_wait3A_291] : memref<160000x128xf32, #tpu.memory_space<hbm>> -> memref<128x128xf32, #tpu.memory_space<hbm>>
        tpu.wait_dma2 semaphore(%arg18 : memref<!tpu.dma_semaphore, #tpu.memory_space<semaphore_mem>>) src(%arg6 : memref<128x128xf32, #tpu.memory_space<vmem>>) dst(%dma_wait3A_292 : memref<128x128xf32, #tpu.memory_space<hbm>>)
      } else {
      }
      %mul3A_118 = arith.constant 128 : i32
      %mul3A_119 = arith.muli %add3A_112, %mul3A_118 : i32
      %dma_start3A = tpu.memref_slice %arg5[%mul3A_119] : memref<5120xi32, #tpu.memory_space<vmem>> -> memref<128xi32, #tpu.memory_space<vmem>>
      %dma_start3A_120 = arith.constant 0 : i32
      %dma_start3A_121 = arith.constant 0 : i32
      %dma_start3A_122 = tpu.memref_slice %arg2[%dma_start3A_120, %dma_start3A_121] : memref<10000x128xf32, #tpu.memory_space<hbm>> -> memref<10000x128xf32, #tpu.memory_space<hbm>>
      tpu.enqueue_indirect_dma source(%dma_start3A_122 : memref<10000x128xf32, #tpu.memory_space<hbm>>) target(%arg6 : memref<128x128xf32, #tpu.memory_space<vmem>>) offsets(%dma_start3A : memref<128xi32, #tpu.memory_space<vmem>>) semaphore(%arg12 : memref<!tpu.dma_semaphore, #tpu.memory_space<semaphore_mem>>)
      %mul3A_123 = arith.constant 6 : i32
      %mul3A_124 = arith.muli %while3A_108, %mul3A_123 : i32
      %add3A_125 = arith.constant 1 : i32
      %add3A_126 = arith.addi %mul3A_124, %add3A_125 : i32
      %gt3A_127 = arith.constant 0 : i32
      %gt3A_128 = arith.cmpi sgt, %while3A_108, %gt3A_127 : i32
      %convert_element_type3A_129 = arith.extui %gt3A_128 : i1 to i32
      %cond3A_130 = arith.constant 0 : i32
      %cond3A_131 = arith.cmpi ne, %convert_element_type3A_129, %cond3A_130 : i32
      scf.if %cond3A_131 {
        %dma_wait3A_287 = arith.constant 0 : i32
        %dma_wait3A_288 = arith.constant 0 : i32
        %dma_wait3A_289 = tpu.memref_slice %arg4[%dma_wait3A_287, %dma_wait3A_288] : memref<160000x128xf32, #tpu.memory_space<hbm>> -> memref<128x128xf32, #tpu.memory_space<hbm>>
        %dma_wait3A_290 = arith.constant 0 : i32
        %dma_wait3A_291 = arith.constant 0 : i32
        %dma_wait3A_292 = tpu.memref_slice %arg4[%dma_wait3A_290, %dma_wait3A_291] : memref<160000x128xf32, #tpu.memory_space<hbm>> -> memref<128x128xf32, #tpu.memory_space<hbm>>
        tpu.wait_dma2 semaphore(%arg19 : memref<!tpu.dma_semaphore, #tpu.memory_space<semaphore_mem>>) src(%arg7 : memref<128x128xf32, #tpu.memory_space<vmem>>) dst(%dma_wait3A_292 : memref<128x128xf32, #tpu.memory_space<hbm>>)
      } else {
      }
      %mul3A_132 = arith.constant 128 : i32
      %mul3A_133 = arith.muli %add3A_126, %mul3A_132 : i32
      %dma_start3A_134 = tpu.memref_slice %arg5[%mul3A_133] : memref<5120xi32, #tpu.memory_space<vmem>> -> memref<128xi32, #tpu.memory_space<vmem>>
      %dma_start3A_135 = arith.constant 0 : i32
      %dma_start3A_136 = arith.constant 0 : i32
      %dma_start3A_137 = tpu.memref_slice %arg2[%dma_start3A_135, %dma_start3A_136] : memref<10000x128xf32, #tpu.memory_space<hbm>> -> memref<10000x128xf32, #tpu.memory_space<hbm>>
      tpu.enqueue_indirect_dma source(%dma_start3A_137 : memref<10000x128xf32, #tpu.memory_space<hbm>>) target(%arg7 : memref<128x128xf32, #tpu.memory_space<vmem>>) offsets(%dma_start3A_134 : memref<128xi32, #tpu.memory_space<vmem>>) semaphore(%arg13 : memref<!tpu.dma_semaphore, #tpu.memory_space<semaphore_mem>>)
      %mul3A_138 = arith.constant 6 : i32
      %mul3A_139 = arith.muli %while3A_108, %mul3A_138 : i32
      %add3A_140 = arith.constant 2 : i32
      %add3A_141 = arith.addi %mul3A_139, %add3A_140 : i32
      %gt3A_142 = arith.constant 0 : i32
      %gt3A_143 = arith.cmpi sgt, %while3A_108, %gt3A_142 : i32
      %convert_element_type3A_144 = arith.extui %gt3A_143 : i1 to i32
      %cond3A_145 = arith.constant 0 : i32
      %cond3A_146 = arith.cmpi ne, %convert_element_type3A_144, %cond3A_145 : i32
      scf.if %cond3A_146 {
        %dma_wait3A_287 = arith.constant 0 : i32
        %dma_wait3A_288 = arith.constant 0 : i32
        %dma_wait3A_289 = tpu.memref_slice %arg4[%dma_wait3A_287, %dma_wait3A_288] : memref<160000x128xf32, #tpu.memory_space<hbm>> -> memref<128x128xf32, #tpu.memory_space<hbm>>
        %dma_wait3A_290 = arith.constant 0 : i32
        %dma_wait3A_291 = arith.constant 0 : i32
        %dma_wait3A_292 = tpu.memref_slice %arg4[%dma_wait3A_290, %dma_wait3A_291] : memref<160000x128xf32, #tpu.memory_space<hbm>> -> memref<128x128xf32, #tpu.memory_space<hbm>>
        tpu.wait_dma2 semaphore(%arg20 : memref<!tpu.dma_semaphore, #tpu.memory_space<semaphore_mem>>) src(%arg8 : memref<128x128xf32, #tpu.memory_space<vmem>>) dst(%dma_wait3A_292 : memref<128x128xf32, #tpu.memory_space<hbm>>)
      } else {
      }
      %mul3A_147 = arith.constant 128 : i32
      %mul3A_148 = arith.muli %add3A_141, %mul3A_147 : i32
      %dma_start3A_149 = tpu.memref_slice %arg5[%mul3A_148] : memref<5120xi32, #tpu.memory_space<vmem>> -> memref<128xi32, #tpu.memory_space<vmem>>
      %dma_start3A_150 = arith.constant 0 : i32
      %dma_start3A_151 = arith.constant 0 : i32
      %dma_start3A_152 = tpu.memref_slice %arg2[%dma_start3A_150, %dma_start3A_151] : memref<10000x128xf32, #tpu.memory_space<hbm>> -> memref<10000x128xf32, #tpu.memory_space<hbm>>
      tpu.enqueue_indirect_dma source(%dma_start3A_152 : memref<10000x128xf32, #tpu.memory_space<hbm>>) target(%arg8 : memref<128x128xf32, #tpu.memory_space<vmem>>) offsets(%dma_start3A_149 : memref<128xi32, #tpu.memory_space<vmem>>) semaphore(%arg14 : memref<!tpu.dma_semaphore, #tpu.memory_space<semaphore_mem>>)
      %mul3A_153 = arith.constant 6 : i32
      %mul3A_154 = arith.muli %while3A_108, %mul3A_153 : i32
      %add3A_155 = arith.constant 3 : i32
      %add3A_156 = arith.addi %mul3A_154, %add3A_155 : i32
      %gt3A_157 = arith.constant 0 : i32
      %gt3A_158 = arith.cmpi sgt, %while3A_108, %gt3A_157 : i32
      %convert_element_type3A_159 = arith.extui %gt3A_158 : i1 to i32
      %cond3A_160 = arith.constant 0 : i32
      %cond3A_161 = arith.cmpi ne, %convert_element_type3A_159, %cond3A_160 : i32
      scf.if %cond3A_161 {
        %dma_wait3A_287 = arith.constant 0 : i32
        %dma_wait3A_288 = arith.constant 0 : i32
        %dma_wait3A_289 = tpu.memref_slice %arg4[%dma_wait3A_287, %dma_wait3A_288] : memref<160000x128xf32, #tpu.memory_space<hbm>> -> memref<128x128xf32, #tpu.memory_space<hbm>>
        %dma_wait3A_290 = arith.constant 0 : i32
        %dma_wait3A_291 = arith.constant 0 : i32
        %dma_wait3A_292 = tpu.memref_slice %arg4[%dma_wait3A_290, %dma_wait3A_291] : memref<160000x128xf32, #tpu.memory_space<hbm>> -> memref<128x128xf32, #tpu.memory_space<hbm>>
        tpu.wait_dma2 semaphore(%arg21 : memref<!tpu.dma_semaphore, #tpu.memory_space<semaphore_mem>>) src(%arg9 : memref<128x128xf32, #tpu.memory_space<vmem>>) dst(%dma_wait3A_292 : memref<128x128xf32, #tpu.memory_space<hbm>>)
      } else {
      }
      %mul3A_162 = arith.constant 128 : i32
      %mul3A_163 = arith.muli %add3A_156, %mul3A_162 : i32
      %dma_start3A_164 = tpu.memref_slice %arg5[%mul3A_163] : memref<5120xi32, #tpu.memory_space<vmem>> -> memref<128xi32, #tpu.memory_space<vmem>>
      %dma_start3A_165 = arith.constant 0 : i32
      %dma_start3A_166 = arith.constant 0 : i32
      %dma_start3A_167 = tpu.memref_slice %arg2[%dma_start3A_165, %dma_start3A_166] : memref<10000x128xf32, #tpu.memory_space<hbm>> -> memref<10000x128xf32, #tpu.memory_space<hbm>>
      tpu.enqueue_indirect_dma source(%dma_start3A_167 : memref<10000x128xf32, #tpu.memory_space<hbm>>) target(%arg9 : memref<128x128xf32, #tpu.memory_space<vmem>>) offsets(%dma_start3A_164 : memref<128xi32, #tpu.memory_space<vmem>>) semaphore(%arg15 : memref<!tpu.dma_semaphore, #tpu.memory_space<semaphore_mem>>)
      %mul3A_168 = arith.constant 6 : i32
      %mul3A_169 = arith.muli %while3A_108, %mul3A_168 : i32
      %add3A_170 = arith.constant 4 : i32
      %add3A_171 = arith.addi %mul3A_169, %add3A_170 : i32
      %gt3A_172 = arith.constant 0 : i32
      %gt3A_173 = arith.cmpi sgt, %while3A_108, %gt3A_172 : i32
      %convert_element_type3A_174 = arith.extui %gt3A_173 : i1 to i32
      %cond3A_175 = arith.constant 0 : i32
      %cond3A_176 = arith.cmpi ne, %convert_element_type3A_174, %cond3A_175 : i32
      scf.if %cond3A_176 {
        %dma_wait3A_287 = arith.constant 0 : i32
        %dma_wait3A_288 = arith.constant 0 : i32
        %dma_wait3A_289 = tpu.memref_slice %arg4[%dma_wait3A_287, %dma_wait3A_288] : memref<160000x128xf32, #tpu.memory_space<hbm>> -> memref<128x128xf32, #tpu.memory_space<hbm>>
        %dma_wait3A_290 = arith.constant 0 : i32
        %dma_wait3A_291 = arith.constant 0 : i32
        %dma_wait3A_292 = tpu.memref_slice %arg4[%dma_wait3A_290, %dma_wait3A_291] : memref<160000x128xf32, #tpu.memory_space<hbm>> -> memref<128x128xf32, #tpu.memory_space<hbm>>
        tpu.wait_dma2 semaphore(%arg22 : memref<!tpu.dma_semaphore, #tpu.memory_space<semaphore_mem>>) src(%arg10 : memref<128x128xf32, #tpu.memory_space<vmem>>) dst(%dma_wait3A_292 : memref<128x128xf32, #tpu.memory_space<hbm>>)
      } else {
      }
      %mul3A_177 = arith.constant 128 : i32
      %mul3A_178 = arith.muli %add3A_171, %mul3A_177 : i32
      %dma_start3A_179 = tpu.memref_slice %arg5[%mul3A_178] : memref<5120xi32, #tpu.memory_space<vmem>> -> memref<128xi32, #tpu.memory_space<vmem>>
      %dma_start3A_180 = arith.constant 0 : i32
      %dma_start3A_181 = arith.constant 0 : i32
      %dma_start3A_182 = tpu.memref_slice %arg2[%dma_start3A_180, %dma_start3A_181] : memref<10000x128xf32, #tpu.memory_space<hbm>> -> memref<10000x128xf32, #tpu.memory_space<hbm>>
      tpu.enqueue_indirect_dma source(%dma_start3A_182 : memref<10000x128xf32, #tpu.memory_space<hbm>>) target(%arg10 : memref<128x128xf32, #tpu.memory_space<vmem>>) offsets(%dma_start3A_179 : memref<128xi32, #tpu.memory_space<vmem>>) semaphore(%arg16 : memref<!tpu.dma_semaphore, #tpu.memory_space<semaphore_mem>>)
      %mul3A_183 = arith.constant 6 : i32
      %mul3A_184 = arith.muli %while3A_108, %mul3A_183 : i32
      %add3A_185 = arith.constant 5 : i32
      %add3A_186 = arith.addi %mul3A_184, %add3A_185 : i32
      %gt3A_187 = arith.constant 0 : i32
      %gt3A_188 = arith.cmpi sgt, %while3A_108, %gt3A_187 : i32
      %convert_element_type3A_189 = arith.extui %gt3A_188 : i1 to i32
      %cond3A_190 = arith.constant 0 : i32
      %cond3A_191 = arith.cmpi ne, %convert_element_type3A_189, %cond3A_190 : i32
      scf.if %cond3A_191 {
        %dma_wait3A_287 = arith.constant 0 : i32
        %dma_wait3A_288 = arith.constant 0 : i32
        %dma_wait3A_289 = tpu.memref_slice %arg4[%dma_wait3A_287, %dma_wait3A_288] : memref<160000x128xf32, #tpu.memory_space<hbm>> -> memref<128x128xf32, #tpu.memory_space<hbm>>
        %dma_wait3A_290 = arith.constant 0 : i32
        %dma_wait3A_291 = arith.constant 0 : i32
        %dma_wait3A_292 = tpu.memref_slice %arg4[%dma_wait3A_290, %dma_wait3A_291] : memref<160000x128xf32, #tpu.memory_space<hbm>> -> memref<128x128xf32, #tpu.memory_space<hbm>>
        tpu.wait_dma2 semaphore(%arg23 : memref<!tpu.dma_semaphore, #tpu.memory_space<semaphore_mem>>) src(%arg11 : memref<128x128xf32, #tpu.memory_space<vmem>>) dst(%dma_wait3A_292 : memref<128x128xf32, #tpu.memory_space<hbm>>)
      } else {
      }
      %mul3A_192 = arith.constant 128 : i32
      %mul3A_193 = arith.muli %add3A_186, %mul3A_192 : i32
      %dma_start3A_194 = tpu.memref_slice %arg5[%mul3A_193] : memref<5120xi32, #tpu.memory_space<vmem>> -> memref<128xi32, #tpu.memory_space<vmem>>
      %dma_start3A_195 = arith.constant 0 : i32
      %dma_start3A_196 = arith.constant 0 : i32
      %dma_start3A_197 = tpu.memref_slice %arg2[%dma_start3A_195, %dma_start3A_196] : memref<10000x128xf32, #tpu.memory_space<hbm>> -> memref<10000x128xf32, #tpu.memory_space<hbm>>
      tpu.enqueue_indirect_dma source(%dma_start3A_197 : memref<10000x128xf32, #tpu.memory_space<hbm>>) target(%arg11 : memref<128x128xf32, #tpu.memory_space<vmem>>) offsets(%dma_start3A_194 : memref<128xi32, #tpu.memory_space<vmem>>) semaphore(%arg17 : memref<!tpu.dma_semaphore, #tpu.memory_space<semaphore_mem>>)
      %mul3A_198 = arith.constant 6 : i32
      %mul3A_199 = arith.muli %while3A_108, %mul3A_198 : i32
      %add3A_200 = arith.constant 0 : i32
      %add3A_201 = arith.addi %mul3A_199, %add3A_200 : i32
      %dma_wait3A = tpu.memref_slice %arg5[%mul3A_119] : memref<5120xi32, #tpu.memory_space<vmem>> -> memref<128xi32, #tpu.memory_space<vmem>>
      %dma_wait3A_202 = arith.constant 0 : i32
      %dma_wait3A_203 = arith.constant 0 : i32
      %dma_wait3A_204 = tpu.memref_slice %arg2[%dma_wait3A_202, %dma_wait3A_203] : memref<10000x128xf32, #tpu.memory_space<hbm>> -> memref<10000x128xf32, #tpu.memory_space<hbm>>
      tpu.wait_indirect_dma semaphore(%arg12 : memref<!tpu.dma_semaphore, #tpu.memory_space<semaphore_mem>>) src(%dma_wait3A_204 : memref<10000x128xf32, #tpu.memory_space<hbm>>) dst(%arg6 : memref<128x128xf32, #tpu.memory_space<vmem>>)
      %add3A_205 = arith.addi %add3A_8, %add3A_201 : i32
      %mul3A_206 = arith.constant 128 : i32
      %mul3A_207 = arith.muli %add3A_205, %mul3A_206 : i32
      %dma_start3A_208 = arith.constant 0 : i32
      %dma_start3A_209 = tpu.memref_slice %arg4[%mul3A_207, %dma_start3A_208] : memref<160000x128xf32, #tpu.memory_space<hbm>> -> memref<128x128xf32, #tpu.memory_space<hbm>>
      %dma_start3A_210 = arith.constant 0 : i32
      %dma_start3A_211 = tpu.memref_slice %arg4[%mul3A_207, %dma_start3A_210] : memref<160000x128xf32, #tpu.memory_space<hbm>> -> memref<128x128xf32, #tpu.memory_space<hbm>>
      tpu.enqueue_dma source(%arg6 : memref<128x128xf32, #tpu.memory_space<vmem>>) target(%dma_start3A_211 : memref<128x128xf32, #tpu.memory_space<hbm>>) target_semaphore(%arg18 : memref<!tpu.dma_semaphore, #tpu.memory_space<semaphore_mem>>)
      %mul3A_212 = arith.constant 6 : i32
      %mul3A_213 = arith.muli %while3A_108, %mul3A_212 : i32
      %add3A_214 = arith.constant 1 : i32
      %add3A_215 = arith.addi %mul3A_213, %add3A_214 : i32
      %dma_wait3A_216 = tpu.memref_slice %arg5[%mul3A_133] : memref<5120xi32, #tpu.memory_space<vmem>> -> memref<128xi32, #tpu.memory_space<vmem>>
      %dma_wait3A_217 = arith.constant 0 : i32
      %dma_wait3A_218 = arith.constant 0 : i32
      %dma_wait3A_219 = tpu.memref_slice %arg2[%dma_wait3A_217, %dma_wait3A_218] : memref<10000x128xf32, #tpu.memory_space<hbm>> -> memref<10000x128xf32, #tpu.memory_space<hbm>>
      tpu.wait_indirect_dma semaphore(%arg13 : memref<!tpu.dma_semaphore, #tpu.memory_space<semaphore_mem>>) src(%dma_wait3A_219 : memref<10000x128xf32, #tpu.memory_space<hbm>>) dst(%arg7 : memref<128x128xf32, #tpu.memory_space<vmem>>)
      %add3A_220 = arith.addi %add3A_8, %add3A_215 : i32
      %mul3A_221 = arith.constant 128 : i32
      %mul3A_222 = arith.muli %add3A_220, %mul3A_221 : i32
      %dma_start3A_223 = arith.constant 0 : i32
      %dma_start3A_224 = tpu.memref_slice %arg4[%mul3A_222, %dma_start3A_223] : memref<160000x128xf32, #tpu.memory_space<hbm>> -> memref<128x128xf32, #tpu.memory_space<hbm>>
      %dma_start3A_225 = arith.constant 0 : i32
      %dma_start3A_226 = tpu.memref_slice %arg4[%mul3A_222, %dma_start3A_225] : memref<160000x128xf32, #tpu.memory_space<hbm>> -> memref<128x128xf32, #tpu.memory_space<hbm>>
      tpu.enqueue_dma source(%arg7 : memref<128x128xf32, #tpu.memory_space<vmem>>) target(%dma_start3A_226 : memref<128x128xf32, #tpu.memory_space<hbm>>) target_semaphore(%arg19 : memref<!tpu.dma_semaphore, #tpu.memory_space<semaphore_mem>>)
      %mul3A_227 = arith.constant 6 : i32
      %mul3A_228 = arith.muli %while3A_108, %mul3A_227 : i32
      %add3A_229 = arith.constant 2 : i32
      %add3A_230 = arith.addi %mul3A_228, %add3A_229 : i32
      %dma_wait3A_231 = tpu.memref_slice %arg5[%mul3A_148] : memref<5120xi32, #tpu.memory_space<vmem>> -> memref<128xi32, #tpu.memory_space<vmem>>
      %dma_wait3A_232 = arith.constant 0 : i32
      %dma_wait3A_233 = arith.constant 0 : i32
      %dma_wait3A_234 = tpu.memref_slice %arg2[%dma_wait3A_232, %dma_wait3A_233] : memref<10000x128xf32, #tpu.memory_space<hbm>> -> memref<10000x128xf32, #tpu.memory_space<hbm>>
      tpu.wait_indirect_dma semaphore(%arg14 : memref<!tpu.dma_semaphore, #tpu.memory_space<semaphore_mem>>) src(%dma_wait3A_234 : memref<10000x128xf32, #tpu.memory_space<hbm>>) dst(%arg8 : memref<128x128xf32, #tpu.memory_space<vmem>>)
      %add3A_235 = arith.addi %add3A_8, %add3A_230 : i32
      %mul3A_236 = arith.constant 128 : i32
      %mul3A_237 = arith.muli %add3A_235, %mul3A_236 : i32
      %dma_start3A_238 = arith.constant 0 : i32
      %dma_start3A_239 = tpu.memref_slice %arg4[%mul3A_237, %dma_start3A_238] : memref<160000x128xf32, #tpu.memory_space<hbm>> -> memref<128x128xf32, #tpu.memory_space<hbm>>
      %dma_start3A_240 = arith.constant 0 : i32
      %dma_start3A_241 = tpu.memref_slice %arg4[%mul3A_237, %dma_start3A_240] : memref<160000x128xf32, #tpu.memory_space<hbm>> -> memref<128x128xf32, #tpu.memory_space<hbm>>
      tpu.enqueue_dma source(%arg8 : memref<128x128xf32, #tpu.memory_space<vmem>>) target(%dma_start3A_241 : memref<128x128xf32, #tpu.memory_space<hbm>>) target_semaphore(%arg20 : memref<!tpu.dma_semaphore, #tpu.memory_space<semaphore_mem>>)
      %mul3A_242 = arith.constant 6 : i32
      %mul3A_243 = arith.muli %while3A_108, %mul3A_242 : i32
      %add3A_244 = arith.constant 3 : i32
      %add3A_245 = arith.addi %mul3A_243, %add3A_244 : i32
      %dma_wait3A_246 = tpu.memref_slice %arg5[%mul3A_163] : memref<5120xi32, #tpu.memory_space<vmem>> -> memref<128xi32, #tpu.memory_space<vmem>>
      %dma_wait3A_247 = arith.constant 0 : i32
      %dma_wait3A_248 = arith.constant 0 : i32
      %dma_wait3A_249 = tpu.memref_slice %arg2[%dma_wait3A_247, %dma_wait3A_248] : memref<10000x128xf32, #tpu.memory_space<hbm>> -> memref<10000x128xf32, #tpu.memory_space<hbm>>
      tpu.wait_indirect_dma semaphore(%arg15 : memref<!tpu.dma_semaphore, #tpu.memory_space<semaphore_mem>>) src(%dma_wait3A_249 : memref<10000x128xf32, #tpu.memory_space<hbm>>) dst(%arg9 : memref<128x128xf32, #tpu.memory_space<vmem>>)
      %add3A_250 = arith.addi %add3A_8, %add3A_245 : i32
      %mul3A_251 = arith.constant 128 : i32
      %mul3A_252 = arith.muli %add3A_250, %mul3A_251 : i32
      %dma_start3A_253 = arith.constant 0 : i32
      %dma_start3A_254 = tpu.memref_slice %arg4[%mul3A_252, %dma_start3A_253] : memref<160000x128xf32, #tpu.memory_space<hbm>> -> memref<128x128xf32, #tpu.memory_space<hbm>>
      %dma_start3A_255 = arith.constant 0 : i32
      %dma_start3A_256 = tpu.memref_slice %arg4[%mul3A_252, %dma_start3A_255] : memref<160000x128xf32, #tpu.memory_space<hbm>> -> memref<128x128xf32, #tpu.memory_space<hbm>>
      tpu.enqueue_dma source(%arg9 : memref<128x128xf32, #tpu.memory_space<vmem>>) target(%dma_start3A_256 : memref<128x128xf32, #tpu.memory_space<hbm>>) target_semaphore(%arg21 : memref<!tpu.dma_semaphore, #tpu.memory_space<semaphore_mem>>)
      %mul3A_257 = arith.constant 6 : i32
      %mul3A_258 = arith.muli %while3A_108, %mul3A_257 : i32
      %add3A_259 = arith.constant 4 : i32
      %add3A_260 = arith.addi %mul3A_258, %add3A_259 : i32
      %dma_wait3A_261 = tpu.memref_slice %arg5[%mul3A_178] : memref<5120xi32, #tpu.memory_space<vmem>> -> memref<128xi32, #tpu.memory_space<vmem>>
      %dma_wait3A_262 = arith.constant 0 : i32
      %dma_wait3A_263 = arith.constant 0 : i32
      %dma_wait3A_264 = tpu.memref_slice %arg2[%dma_wait3A_262, %dma_wait3A_263] : memref<10000x128xf32, #tpu.memory_space<hbm>> -> memref<10000x128xf32, #tpu.memory_space<hbm>>
      tpu.wait_indirect_dma semaphore(%arg16 : memref<!tpu.dma_semaphore, #tpu.memory_space<semaphore_mem>>) src(%dma_wait3A_264 : memref<10000x128xf32, #tpu.memory_space<hbm>>) dst(%arg10 : memref<128x128xf32, #tpu.memory_space<vmem>>)
      %add3A_265 = arith.addi %add3A_8, %add3A_260 : i32
      %mul3A_266 = arith.constant 128 : i32
      %mul3A_267 = arith.muli %add3A_265, %mul3A_266 : i32
      %dma_start3A_268 = arith.constant 0 : i32
      %dma_start3A_269 = tpu.memref_slice %arg4[%mul3A_267, %dma_start3A_268] : memref<160000x128xf32, #tpu.memory_space<hbm>> -> memref<128x128xf32, #tpu.memory_space<hbm>>
      %dma_start3A_270 = arith.constant 0 : i32
      %dma_start3A_271 = tpu.memref_slice %arg4[%mul3A_267, %dma_start3A_270] : memref<160000x128xf32, #tpu.memory_space<hbm>> -> memref<128x128xf32, #tpu.memory_space<hbm>>
      tpu.enqueue_dma source(%arg10 : memref<128x128xf32, #tpu.memory_space<vmem>>) target(%dma_start3A_271 : memref<128x128xf32, #tpu.memory_space<hbm>>) target_semaphore(%arg22 : memref<!tpu.dma_semaphore, #tpu.memory_space<semaphore_mem>>)
      %mul3A_272 = arith.constant 6 : i32
      %mul3A_273 = arith.muli %while3A_108, %mul3A_272 : i32
      %add3A_274 = arith.constant 5 : i32
      %add3A_275 = arith.addi %mul3A_273, %add3A_274 : i32
      %dma_wait3A_276 = tpu.memref_slice %arg5[%mul3A_193] : memref<5120xi32, #tpu.memory_space<vmem>> -> memref<128xi32, #tpu.memory_space<vmem>>
      %dma_wait3A_277 = arith.constant 0 : i32
      %dma_wait3A_278 = arith.constant 0 : i32
      %dma_wait3A_279 = tpu.memref_slice %arg2[%dma_wait3A_277, %dma_wait3A_278] : memref<10000x128xf32, #tpu.memory_space<hbm>> -> memref<10000x128xf32, #tpu.memory_space<hbm>>
      tpu.wait_indirect_dma semaphore(%arg17 : memref<!tpu.dma_semaphore, #tpu.memory_space<semaphore_mem>>) src(%dma_wait3A_279 : memref<10000x128xf32, #tpu.memory_space<hbm>>) dst(%arg11 : memref<128x128xf32, #tpu.memory_space<vmem>>)
      %add3A_280 = arith.addi %add3A_8, %add3A_275 : i32
      %mul3A_281 = arith.constant 128 : i32
      %mul3A_282 = arith.muli %add3A_280, %mul3A_281 : i32
      %dma_start3A_283 = arith.constant 0 : i32
      %dma_start3A_284 = tpu.memref_slice %arg4[%mul3A_282, %dma_start3A_283] : memref<160000x128xf32, #tpu.memory_space<hbm>> -> memref<128x128xf32, #tpu.memory_space<hbm>>
      %dma_start3A_285 = arith.constant 0 : i32
      %dma_start3A_286 = tpu.memref_slice %arg4[%mul3A_282, %dma_start3A_285] : memref<160000x128xf32, #tpu.memory_space<hbm>> -> memref<128x128xf32, #tpu.memory_space<hbm>>
      tpu.enqueue_dma source(%arg11 : memref<128x128xf32, #tpu.memory_space<vmem>>) target(%dma_start3A_286 : memref<128x128xf32, #tpu.memory_space<hbm>>) target_semaphore(%arg23 : memref<!tpu.dma_semaphore, #tpu.memory_space<semaphore_mem>>)
    }
    %while3A_40 = arith.constant 1 : i32
    scf.for %while3A_108 = %while3A_38 to %while3A_34 step %while3A_40  : i32 {
      %mul3A_109 = arith.constant 6 : i32
      %mul3A_110 = arith.muli %while3A_108, %mul3A_109 : i32
      %add3A_111 = arith.constant 0 : i32
      %add3A_112 = arith.addi %mul3A_110, %add3A_111 : i32
      %gt3A_113 = arith.constant 0 : i32
      %gt3A_114 = arith.cmpi sgt, %while3A_108, %gt3A_113 : i32
      %convert_element_type3A_115 = arith.extui %gt3A_114 : i1 to i32
      %cond3A_116 = arith.constant 0 : i32
      %cond3A_117 = arith.cmpi ne, %convert_element_type3A_115, %cond3A_116 : i32
      scf.if %cond3A_117 {
        %dma_wait3A_287 = arith.constant 0 : i32
        %dma_wait3A_288 = arith.constant 0 : i32
        %dma_wait3A_289 = tpu.memref_slice %arg4[%dma_wait3A_287, %dma_wait3A_288] : memref<160000x128xf32, #tpu.memory_space<hbm>> -> memref<128x128xf32, #tpu.memory_space<hbm>>
        %dma_wait3A_290 = arith.constant 0 : i32
        %dma_wait3A_291 = arith.constant 0 : i32
        %dma_wait3A_292 = tpu.memref_slice %arg4[%dma_wait3A_290, %dma_wait3A_291] : memref<160000x128xf32, #tpu.memory_space<hbm>> -> memref<128x128xf32, #tpu.memory_space<hbm>>
        tpu.wait_dma2 semaphore(%arg18 : memref<!tpu.dma_semaphore, #tpu.memory_space<semaphore_mem>>) src(%arg6 : memref<128x128xf32, #tpu.memory_space<vmem>>) dst(%dma_wait3A_292 : memref<128x128xf32, #tpu.memory_space<hbm>>)
      } else {
      }
      %mul3A_118 = arith.constant 128 : i32
      %mul3A_119 = arith.muli %add3A_112, %mul3A_118 : i32
      %dma_start3A = tpu.memref_slice %arg5[%mul3A_119] : memref<5120xi32, #tpu.memory_space<vmem>> -> memref<128xi32, #tpu.memory_space<vmem>>
      %dma_start3A_120 = arith.constant 0 : i32
      %dma_start3A_121 = arith.constant 0 : i32
      %dma_start3A_122 = tpu.memref_slice %arg2[%dma_start3A_120, %dma_start3A_121] : memref<10000x128xf32, #tpu.memory_space<hbm>> -> memref<10000x128xf32, #tpu.memory_space<hbm>>
      tpu.enqueue_indirect_dma source(%dma_start3A_122 : memref<10000x128xf32, #tpu.memory_space<hbm>>) target(%arg6 : memref<128x128xf32, #tpu.memory_space<vmem>>) offsets(%dma_start3A : memref<128xi32, #tpu.memory_space<vmem>>) semaphore(%arg12 : memref<!tpu.dma_semaphore, #tpu.memory_space<semaphore_mem>>)
      %mul3A_123 = arith.constant 6 : i32
      %mul3A_124 = arith.muli %while3A_108, %mul3A_123 : i32
      %add3A_125 = arith.constant 1 : i32
      %add3A_126 = arith.addi %mul3A_124, %add3A_125 : i32
      %gt3A_127 = arith.constant 0 : i32
      %gt3A_128 = arith.cmpi sgt, %while3A_108, %gt3A_127 : i32
      %convert_element_type3A_129 = arith.extui %gt3A_128 : i1 to i32
      %cond3A_130 = arith.constant 0 : i32
      %cond3A_131 = arith.cmpi ne, %convert_element_type3A_129, %cond3A_130 : i32
      scf.if %cond3A_131 {
        %dma_wait3A_287 = arith.constant 0 : i32
        %dma_wait3A_288 = arith.constant 0 : i32
        %dma_wait3A_289 = tpu.memref_slice %arg4[%dma_wait3A_287, %dma_wait3A_288] : memref<160000x128xf32, #tpu.memory_space<hbm>> -> memref<128x128xf32, #tpu.memory_space<hbm>>
        %dma_wait3A_290 = arith.constant 0 : i32
        %dma_wait3A_291 = arith.constant 0 : i32
        %dma_wait3A_292 = tpu.memref_slice %arg4[%dma_wait3A_290, %dma_wait3A_291] : memref<160000x128xf32, #tpu.memory_space<hbm>> -> memref<128x128xf32, #tpu.memory_space<hbm>>
        tpu.wait_dma2 semaphore(%arg19 : memref<!tpu.dma_semaphore, #tpu.memory_space<semaphore_mem>>) src(%arg7 : memref<128x128xf32, #tpu.memory_space<vmem>>) dst(%dma_wait3A_292 : memref<128x128xf32, #tpu.memory_space<hbm>>)
      } else {
      }
      %mul3A_132 = arith.constant 128 : i32
      %mul3A_133 = arith.muli %add3A_126, %mul3A_132 : i32
      %dma_start3A_134 = tpu.memref_slice %arg5[%mul3A_133] : memref<5120xi32, #tpu.memory_space<vmem>> -> memref<128xi32, #tpu.memory_space<vmem>>
      %dma_start3A_135 = arith.constant 0 : i32
      %dma_start3A_136 = arith.constant 0 : i32
      %dma_start3A_137 = tpu.memref_slice %arg2[%dma_start3A_135, %dma_start3A_136] : memref<10000x128xf32, #tpu.memory_space<hbm>> -> memref<10000x128xf32, #tpu.memory_space<hbm>>
      tpu.enqueue_indirect_dma source(%dma_start3A_137 : memref<10000x128xf32, #tpu.memory_space<hbm>>) target(%arg7 : memref<128x128xf32, #tpu.memory_space<vmem>>) offsets(%dma_start3A_134 : memref<128xi32, #tpu.memory_space<vmem>>) semaphore(%arg13 : memref<!tpu.dma_semaphore, #tpu.memory_space<semaphore_mem>>)
      %mul3A_138 = arith.constant 6 : i32
      %mul3A_139 = arith.muli %while3A_108, %mul3A_138 : i32
      %add3A_140 = arith.constant 2 : i32
      %add3A_141 = arith.addi %mul3A_139, %add3A_140 : i32
      %gt3A_142 = arith.constant 0 : i32
      %gt3A_143 = arith.cmpi sgt, %while3A_108, %gt3A_142 : i32
      %convert_element_type3A_144 = arith.extui %gt3A_143 : i1 to i32
      %cond3A_145 = arith.constant 0 : i32
      %cond3A_146 = arith.cmpi ne, %convert_element_type3A_144, %cond3A_145 : i32
      scf.if %cond3A_146 {
        %dma_wait3A_287 = arith.constant 0 : i32
        %dma_wait3A_288 = arith.constant 0 : i32
        %dma_wait3A_289 = tpu.memref_slice %arg4[%dma_wait3A_287, %dma_wait3A_288] : memref<160000x128xf32, #tpu.memory_space<hbm>> -> memref<128x128xf32, #tpu.memory_space<hbm>>
        %dma_wait3A_290 = arith.constant 0 : i32
        %dma_wait3A_291 = arith.constant 0 : i32
        %dma_wait3A_292 = tpu.memref_slice %arg4[%dma_wait3A_290, %dma_wait3A_291] : memref<160000x128xf32, #tpu.memory_space<hbm>> -> memref<128x128xf32, #tpu.memory_space<hbm>>
        tpu.wait_dma2 semaphore(%arg20 : memref<!tpu.dma_semaphore, #tpu.memory_space<semaphore_mem>>) src(%arg8 : memref<128x128xf32, #tpu.memory_space<vmem>>) dst(%dma_wait3A_292 : memref<128x128xf32, #tpu.memory_space<hbm>>)
      } else {
      }
      %mul3A_147 = arith.constant 128 : i32
      %mul3A_148 = arith.muli %add3A_141, %mul3A_147 : i32
      %dma_start3A_149 = tpu.memref_slice %arg5[%mul3A_148] : memref<5120xi32, #tpu.memory_space<vmem>> -> memref<128xi32, #tpu.memory_space<vmem>>
      %dma_start3A_150 = arith.constant 0 : i32
      %dma_start3A_151 = arith.constant 0 : i32
      %dma_start3A_152 = tpu.memref_slice %arg2[%dma_start3A_150, %dma_start3A_151] : memref<10000x128xf32, #tpu.memory_space<hbm>> -> memref<10000x128xf32, #tpu.memory_space<hbm>>
      tpu.enqueue_indirect_dma source(%dma_start3A_152 : memref<10000x128xf32, #tpu.memory_space<hbm>>) target(%arg8 : memref<128x128xf32, #tpu.memory_space<vmem>>) offsets(%dma_start3A_149 : memref<128xi32, #tpu.memory_space<vmem>>) semaphore(%arg14 : memref<!tpu.dma_semaphore, #tpu.memory_space<semaphore_mem>>)
      %mul3A_153 = arith.constant 6 : i32
      %mul3A_154 = arith.muli %while3A_108, %mul3A_153 : i32
      %add3A_155 = arith.constant 3 : i32
      %add3A_156 = arith.addi %mul3A_154, %add3A_155 : i32
      %gt3A_157 = arith.constant 0 : i32
      %gt3A_158 = arith.cmpi sgt, %while3A_108, %gt3A_157 : i32
      %convert_element_type3A_159 = arith.extui %gt3A_158 : i1 to i32
      %cond3A_160 = arith.constant 0 : i32
      %cond3A_161 = arith.cmpi ne, %convert_element_type3A_159, %cond3A_160 : i32
      scf.if %cond3A_161 {
        %dma_wait3A_287 = arith.constant 0 : i32
        %dma_wait3A_288 = arith.constant 0 : i32
        %dma_wait3A_289 = tpu.memref_slice %arg4[%dma_wait3A_287, %dma_wait3A_288] : memref<160000x128xf32, #tpu.memory_space<hbm>> -> memref<128x128xf32, #tpu.memory_space<hbm>>
        %dma_wait3A_290 = arith.constant 0 : i32
        %dma_wait3A_291 = arith.constant 0 : i32
        %dma_wait3A_292 = tpu.memref_slice %arg4[%dma_wait3A_290, %dma_wait3A_291] : memref<160000x128xf32, #tpu.memory_space<hbm>> -> memref<128x128xf32, #tpu.memory_space<hbm>>
        tpu.wait_dma2 semaphore(%arg21 : memref<!tpu.dma_semaphore, #tpu.memory_space<semaphore_mem>>) src(%arg9 : memref<128x128xf32, #tpu.memory_space<vmem>>) dst(%dma_wait3A_292 : memref<128x128xf32, #tpu.memory_space<hbm>>)
      } else {
      }
      %mul3A_162 = arith.constant 128 : i32
      %mul3A_163 = arith.muli %add3A_156, %mul3A_162 : i32
      %dma_start3A_164 = tpu.memref_slice %arg5[%mul3A_163] : memref<5120xi32, #tpu.memory_space<vmem>> -> memref<128xi32, #tpu.memory_space<vmem>>
      %dma_start3A_165 = arith.constant 0 : i32
      %dma_start3A_166 = arith.constant 0 : i32
      %dma_start3A_167 = tpu.memref_slice %arg2[%dma_start3A_165, %dma_start3A_166] : memref<10000x128xf32, #tpu.memory_space<hbm>> -> memref<10000x128xf32, #tpu.memory_space<hbm>>
      tpu.enqueue_indirect_dma source(%dma_start3A_167 : memref<10000x128xf32, #tpu.memory_space<hbm>>) target(%arg9 : memref<128x128xf32, #tpu.memory_space<vmem>>) offsets(%dma_start3A_164 : memref<128xi32, #tpu.memory_space<vmem>>) semaphore(%arg15 : memref<!tpu.dma_semaphore, #tpu.memory_space<semaphore_mem>>)
      %mul3A_168 = arith.constant 6 : i32
      %mul3A_169 = arith.muli %while3A_108, %mul3A_168 : i32
      %add3A_170 = arith.constant 4 : i32
      %add3A_171 = arith.addi %mul3A_169, %add3A_170 : i32
      %gt3A_172 = arith.constant 0 : i32
      %gt3A_173 = arith.cmpi sgt, %while3A_108, %gt3A_172 : i32
      %convert_element_type3A_174 = arith.extui %gt3A_173 : i1 to i32
      %cond3A_175 = arith.constant 0 : i32
      %cond3A_176 = arith.cmpi ne, %convert_element_type3A_174, %cond3A_175 : i32
      scf.if %cond3A_176 {
        %dma_wait3A_287 = arith.constant 0 : i32
        %dma_wait3A_288 = arith.constant 0 : i32
        %dma_wait3A_289 = tpu.memref_slice %arg4[%dma_wait3A_287, %dma_wait3A_288] : memref<160000x128xf32, #tpu.memory_space<hbm>> -> memref<128x128xf32, #tpu.memory_space<hbm>>
        %dma_wait3A_290 = arith.constant 0 : i32
        %dma_wait3A_291 = arith.constant 0 : i32
        %dma_wait3A_292 = tpu.memref_slice %arg4[%dma_wait3A_290, %dma_wait3A_291] : memref<160000x128xf32, #tpu.memory_space<hbm>> -> memref<128x128xf32, #tpu.memory_space<hbm>>
        tpu.wait_dma2 semaphore(%arg22 : memref<!tpu.dma_semaphore, #tpu.memory_space<semaphore_mem>>) src(%arg10 : memref<128x128xf32, #tpu.memory_space<vmem>>) dst(%dma_wait3A_292 : memref<128x128xf32, #tpu.memory_space<hbm>>)
      } else {
      }
      %mul3A_177 = arith.constant 128 : i32
      %mul3A_178 = arith.muli %add3A_171, %mul3A_177 : i32
      %dma_start3A_179 = tpu.memref_slice %arg5[%mul3A_178] : memref<5120xi32, #tpu.memory_space<vmem>> -> memref<128xi32, #tpu.memory_space<vmem>>
      %dma_start3A_180 = arith.constant 0 : i32
      %dma_start3A_181 = arith.constant 0 : i32
      %dma_start3A_182 = tpu.memref_slice %arg2[%dma_start3A_180, %dma_start3A_181] : memref<10000x128xf32, #tpu.memory_space<hbm>> -> memref<10000x128xf32, #tpu.memory_space<hbm>>
      tpu.enqueue_indirect_dma source(%dma_start3A_182 : memref<10000x128xf32, #tpu.memory_space<hbm>>) target(%arg10 : memref<128x128xf32, #tpu.memory_space<vmem>>) offsets(%dma_start3A_179 : memref<128xi32, #tpu.memory_space<vmem>>) semaphore(%arg16 : memref<!tpu.dma_semaphore, #tpu.memory_space<semaphore_mem>>)
      %mul3A_183 = arith.constant 6 : i32
      %mul3A_184 = arith.muli %while3A_108, %mul3A_183 : i32
      %add3A_185 = arith.constant 5 : i32
      %add3A_186 = arith.addi %mul3A_184, %add3A_185 : i32
      %gt3A_187 = arith.constant 0 : i32
      %gt3A_188 = arith.cmpi sgt, %while3A_108, %gt3A_187 : i32
      %convert_element_type3A_189 = arith.extui %gt3A_188 : i1 to i32
      %cond3A_190 = arith.constant 0 : i32
      %cond3A_191 = arith.cmpi ne, %convert_element_type3A_189, %cond3A_190 : i32
      scf.if %cond3A_191 {
        %dma_wait3A_287 = arith.constant 0 : i32
        %dma_wait3A_288 = arith.constant 0 : i32
        %dma_wait3A_289 = tpu.memref_slice %arg4[%dma_wait3A_287, %dma_wait3A_288] : memref<160000x128xf32, #tpu.memory_space<hbm>> -> memref<128x128xf32, #tpu.memory_space<hbm>>
        %dma_wait3A_290 = arith.constant 0 : i32
        %dma_wait3A_291 = arith.constant 0 : i32
        %dma_wait3A_292 = tpu.memref_slice %arg4[%dma_wait3A_290, %dma_wait3A_291] : memref<160000x128xf32, #tpu.memory_space<hbm>> -> memref<128x128xf32, #tpu.memory_space<hbm>>
        tpu.wait_dma2 semaphore(%arg23 : memref<!tpu.dma_semaphore, #tpu.memory_space<semaphore_mem>>) src(%arg11 : memref<128x128xf32, #tpu.memory_space<vmem>>) dst(%dma_wait3A_292 : memref<128x128xf32, #tpu.memory_space<hbm>>)
      } else {
      }
      %mul3A_192 = arith.constant 128 : i32
      %mul3A_193 = arith.muli %add3A_186, %mul3A_192 : i32
      %dma_start3A_194 = tpu.memref_slice %arg5[%mul3A_193] : memref<5120xi32, #tpu.memory_space<vmem>> -> memref<128xi32, #tpu.memory_space<vmem>>
      %dma_start3A_195 = arith.constant 0 : i32
      %dma_start3A_196 = arith.constant 0 : i32
      %dma_start3A_197 = tpu.memref_slice %arg2[%dma_start3A_195, %dma_start3A_196] : memref<10000x128xf32, #tpu.memory_space<hbm>> -> memref<10000x128xf32, #tpu.memory_space<hbm>>
      tpu.enqueue_indirect_dma source(%dma_start3A_197 : memref<10000x128xf32, #tpu.memory_space<hbm>>) target(%arg11 : memref<128x128xf32, #tpu.memory_space<vmem>>) offsets(%dma_start3A_194 : memref<128xi32, #tpu.memory_space<vmem>>) semaphore(%arg17 : memref<!tpu.dma_semaphore, #tpu.memory_space<semaphore_mem>>)
      %mul3A_198 = arith.constant 6 : i32
      %mul3A_199 = arith.muli %while3A_108, %mul3A_198 : i32
      %add3A_200 = arith.constant 0 : i32
      %add3A_201 = arith.addi %mul3A_199, %add3A_200 : i32
      %dma_wait3A = tpu.memref_slice %arg5[%mul3A_119] : memref<5120xi32, #tpu.memory_space<vmem>> -> memref<128xi32, #tpu.memory_space<vmem>>
      %dma_wait3A_202 = arith.constant 0 : i32
      %dma_wait3A_203 = arith.constant 0 : i32
      %dma_wait3A_204 = tpu.memref_slice %arg2[%dma_wait3A_202, %dma_wait3A_203] : memref<10000x128xf32, #tpu.memory_space<hbm>> -> memref<10000x128xf32, #tpu.memory_space<hbm>>
      tpu.wait_indirect_dma semaphore(%arg12 : memref<!tpu.dma_semaphore, #tpu.memory_space<semaphore_mem>>) src(%dma_wait3A_204 : memref<10000x128xf32, #tpu.memory_space<hbm>>) dst(%arg6 : memref<128x128xf32, #tpu.memory_space<vmem>>)
      %add3A_205 = arith.addi %add3A_8, %add3A_201 : i32
      %mul3A_206 = arith.constant 128 : i32
      %mul3A_207 = arith.muli %add3A_205, %mul3A_206 : i32
      %dma_start3A_208 = arith.constant 0 : i32
      %dma_start3A_209 = tpu.memref_slice %arg4[%mul3A_207, %dma_start3A_208] : memref<160000x128xf32, #tpu.memory_space<hbm>> -> memref<128x128xf32, #tpu.memory_space<hbm>>
      %dma_start3A_210 = arith.constant 0 : i32
      %dma_start3A_211 = tpu.memref_slice %arg4[%mul3A_207, %dma_start3A_210] : memref<160000x128xf32, #tpu.memory_space<hbm>> -> memref<128x128xf32, #tpu.memory_space<hbm>>
      tpu.enqueue_dma source(%arg6 : memref<128x128xf32, #tpu.memory_space<vmem>>) target(%dma_start3A_211 : memref<128x128xf32, #tpu.memory_space<hbm>>) target_semaphore(%arg18 : memref<!tpu.dma_semaphore, #tpu.memory_space<semaphore_mem>>)
      %mul3A_212 = arith.constant 6 : i32
      %mul3A_213 = arith.muli %while3A_108, %mul3A_212 : i32
      %add3A_214 = arith.constant 1 : i32
      %add3A_215 = arith.addi %mul3A_213, %add3A_214 : i32
      %dma_wait3A_216 = tpu.memref_slice %arg5[%mul3A_133] : memref<5120xi32, #tpu.memory_space<vmem>> -> memref<128xi32, #tpu.memory_space<vmem>>
      %dma_wait3A_217 = arith.constant 0 : i32
      %dma_wait3A_218 = arith.constant 0 : i32
      %dma_wait3A_219 = tpu.memref_slice %arg2[%dma_wait3A_217, %dma_wait3A_218] : memref<10000x128xf32, #tpu.memory_space<hbm>> -> memref<10000x128xf32, #tpu.memory_space<hbm>>
      tpu.wait_indirect_dma semaphore(%arg13 : memref<!tpu.dma_semaphore, #tpu.memory_space<semaphore_mem>>) src(%dma_wait3A_219 : memref<10000x128xf32, #tpu.memory_space<hbm>>) dst(%arg7 : memref<128x128xf32, #tpu.memory_space<vmem>>)
      %add3A_220 = arith.addi %add3A_8, %add3A_215 : i32
      %mul3A_221 = arith.constant 128 : i32
      %mul3A_222 = arith.muli %add3A_220, %mul3A_221 : i32
      %dma_start3A_223 = arith.constant 0 : i32
      %dma_start3A_224 = tpu.memref_slice %arg4[%mul3A_222, %dma_start3A_223] : memref<160000x128xf32, #tpu.memory_space<hbm>> -> memref<128x128xf32, #tpu.memory_space<hbm>>
      %dma_start3A_225 = arith.constant 0 : i32
      %dma_start3A_226 = tpu.memref_slice %arg4[%mul3A_222, %dma_start3A_225] : memref<160000x128xf32, #tpu.memory_space<hbm>> -> memref<128x128xf32, #tpu.memory_space<hbm>>
      tpu.enqueue_dma source(%arg7 : memref<128x128xf32, #tpu.memory_space<vmem>>) target(%dma_start3A_226 : memref<128x128xf32, #tpu.memory_space<hbm>>) target_semaphore(%arg19 : memref<!tpu.dma_semaphore, #tpu.memory_space<semaphore_mem>>)
      %mul3A_227 = arith.constant 6 : i32
      %mul3A_228 = arith.muli %while3A_108, %mul3A_227 : i32
      %add3A_229 = arith.constant 2 : i32
      %add3A_230 = arith.addi %mul3A_228, %add3A_229 : i32
      %dma_wait3A_231 = tpu.memref_slice %arg5[%mul3A_148] : memref<5120xi32, #tpu.memory_space<vmem>> -> memref<128xi32, #tpu.memory_space<vmem>>
      %dma_wait3A_232 = arith.constant 0 : i32
      %dma_wait3A_233 = arith.constant 0 : i32
      %dma_wait3A_234 = tpu.memref_slice %arg2[%dma_wait3A_232, %dma_wait3A_233] : memref<10000x128xf32, #tpu.memory_space<hbm>> -> memref<10000x128xf32, #tpu.memory_space<hbm>>
      tpu.wait_indirect_dma semaphore(%arg14 : memref<!tpu.dma_semaphore, #tpu.memory_space<semaphore_mem>>) src(%dma_wait3A_234 : memref<10000x128xf32, #tpu.memory_space<hbm>>) dst(%arg8 : memref<128x128xf32, #tpu.memory_space<vmem>>)
      %add3A_235 = arith.addi %add3A_8, %add3A_230 : i32
      %mul3A_236 = arith.constant 128 : i32
      %mul3A_237 = arith.muli %add3A_235, %mul3A_236 : i32
      %dma_start3A_238 = arith.constant 0 : i32
      %dma_start3A_239 = tpu.memref_slice %arg4[%mul3A_237, %dma_start3A_238] : memref<160000x128xf32, #tpu.memory_space<hbm>> -> memref<128x128xf32, #tpu.memory_space<hbm>>
      %dma_start3A_240 = arith.constant 0 : i32
      %dma_start3A_241 = tpu.memref_slice %arg4[%mul3A_237, %dma_start3A_240] : memref<160000x128xf32, #tpu.memory_space<hbm>> -> memref<128x128xf32, #tpu.memory_space<hbm>>
      tpu.enqueue_dma source(%arg8 : memref<128x128xf32, #tpu.memory_space<vmem>>) target(%dma_start3A_241 : memref<128x128xf32, #tpu.memory_space<hbm>>) target_semaphore(%arg20 : memref<!tpu.dma_semaphore, #tpu.memory_space<semaphore_mem>>)
      %mul3A_242 = arith.constant 6 : i32
      %mul3A_243 = arith.muli %while3A_108, %mul3A_242 : i32
      %add3A_244 = arith.constant 3 : i32
      %add3A_245 = arith.addi %mul3A_243, %add3A_244 : i32
      %dma_wait3A_246 = tpu.memref_slice %arg5[%mul3A_163] : memref<5120xi32, #tpu.memory_space<vmem>> -> memref<128xi32, #tpu.memory_space<vmem>>
      %dma_wait3A_247 = arith.constant 0 : i32
      %dma_wait3A_248 = arith.constant 0 : i32
      %dma_wait3A_249 = tpu.memref_slice %arg2[%dma_wait3A_247, %dma_wait3A_248] : memref<10000x128xf32, #tpu.memory_space<hbm>> -> memref<10000x128xf32, #tpu.memory_space<hbm>>
      tpu.wait_indirect_dma semaphore(%arg15 : memref<!tpu.dma_semaphore, #tpu.memory_space<semaphore_mem>>) src(%dma_wait3A_249 : memref<10000x128xf32, #tpu.memory_space<hbm>>) dst(%arg9 : memref<128x128xf32, #tpu.memory_space<vmem>>)
      %add3A_250 = arith.addi %add3A_8, %add3A_245 : i32
      %mul3A_251 = arith.constant 128 : i32
      %mul3A_252 = arith.muli %add3A_250, %mul3A_251 : i32
      %dma_start3A_253 = arith.constant 0 : i32
      %dma_start3A_254 = tpu.memref_slice %arg4[%mul3A_252, %dma_start3A_253] : memref<160000x128xf32, #tpu.memory_space<hbm>> -> memref<128x128xf32, #tpu.memory_space<hbm>>
      %dma_start3A_255 = arith.constant 0 : i32
      %dma_start3A_256 = tpu.memref_slice %arg4[%mul3A_252, %dma_start3A_255] : memref<160000x128xf32, #tpu.memory_space<hbm>> -> memref<128x128xf32, #tpu.memory_space<hbm>>
      tpu.enqueue_dma source(%arg9 : memref<128x128xf32, #tpu.memory_space<vmem>>) target(%dma_start3A_256 : memref<128x128xf32, #tpu.memory_space<hbm>>) target_semaphore(%arg21 : memref<!tpu.dma_semaphore, #tpu.memory_space<semaphore_mem>>)
      %mul3A_257 = arith.constant 6 : i32
      %mul3A_258 = arith.muli %while3A_108, %mul3A_257 : i32
      %add3A_259 = arith.constant 4 : i32
      %add3A_260 = arith.addi %mul3A_258, %add3A_259 : i32
      %dma_wait3A_261 = tpu.memref_slice %arg5[%mul3A_178] : memref<5120xi32, #tpu.memory_space<vmem>> -> memref<128xi32, #tpu.memory_space<vmem>>
      %dma_wait3A_262 = arith.constant 0 : i32
      %dma_wait3A_263 = arith.constant 0 : i32
      %dma_wait3A_264 = tpu.memref_slice %arg2[%dma_wait3A_262, %dma_wait3A_263] : memref<10000x128xf32, #tpu.memory_space<hbm>> -> memref<10000x128xf32, #tpu.memory_space<hbm>>
      tpu.wait_indirect_dma semaphore(%arg16 : memref<!tpu.dma_semaphore, #tpu.memory_space<semaphore_mem>>) src(%dma_wait3A_264 : memref<10000x128xf32, #tpu.memory_space<hbm>>) dst(%arg10 : memref<128x128xf32, #tpu.memory_space<vmem>>)
      %add3A_265 = arith.addi %add3A_8, %add3A_260 : i32
      %mul3A_266 = arith.constant 128 : i32
      %mul3A_267 = arith.muli %add3A_265, %mul3A_266 : i32
      %dma_start3A_268 = arith.constant 0 : i32
      %dma_start3A_269 = tpu.memref_slice %arg4[%mul3A_267, %dma_start3A_268] : memref<160000x128xf32, #tpu.memory_space<hbm>> -> memref<128x128xf32, #tpu.memory_space<hbm>>
      %dma_start3A_270 = arith.constant 0 : i32
      %dma_start3A_271 = tpu.memref_slice %arg4[%mul3A_267, %dma_start3A_270] : memref<160000x128xf32, #tpu.memory_space<hbm>> -> memref<128x128xf32, #tpu.memory_space<hbm>>
      tpu.enqueue_dma source(%arg10 : memref<128x128xf32, #tpu.memory_space<vmem>>) target(%dma_start3A_271 : memref<128x128xf32, #tpu.memory_space<hbm>>) target_semaphore(%arg22 : memref<!tpu.dma_semaphore, #tpu.memory_space<semaphore_mem>>)
      %mul3A_272 = arith.constant 6 : i32
      %mul3A_273 = arith.muli %while3A_108, %mul3A_272 : i32
      %add3A_274 = arith.constant 5 : i32
      %add3A_275 = arith.addi %mul3A_273, %add3A_274 : i32
      %dma_wait3A_276 = tpu.memref_slice %arg5[%mul3A_193] : memref<5120xi32, #tpu.memory_space<vmem>> -> memref<128xi32, #tpu.memory_space<vmem>>
      %dma_wait3A_277 = arith.constant 0 : i32
      %dma_wait3A_278 = arith.constant 0 : i32
      %dma_wait3A_279 = tpu.memref_slice %arg2[%dma_wait3A_277, %dma_wait3A_278] : memref<10000x128xf32, #tpu.memory_space<hbm>> -> memref<10000x128xf32, #tpu.memory_space<hbm>>
      tpu.wait_indirect_dma semaphore(%arg17 : memref<!tpu.dma_semaphore, #tpu.memory_space<semaphore_mem>>) src(%dma_wait3A_279 : memref<10000x128xf32, #tpu.memory_space<hbm>>) dst(%arg11 : memref<128x128xf32, #tpu.memory_space<vmem>>)
      %add3A_280 = arith.addi %add3A_8, %add3A_275 : i32
      %mul3A_281 = arith.constant 128 : i32
      %mul3A_282 = arith.muli %add3A_280, %mul3A_281 : i32
      %dma_start3A_283 = arith.constant 0 : i32
      %dma_start3A_284 = tpu.memref_slice %arg4[%mul3A_282, %dma_start3A_283] : memref<160000x128xf32, #tpu.memory_space<hbm>> -> memref<128x128xf32, #tpu.memory_space<hbm>>
      %dma_start3A_285 = arith.constant 0 : i32
      %dma_start3A_286 = tpu.memref_slice %arg4[%mul3A_282, %dma_start3A_285] : memref<160000x128xf32, #tpu.memory_space<hbm>> -> memref<128x128xf32, #tpu.memory_space<hbm>>
      tpu.enqueue_dma source(%arg11 : memref<128x128xf32, #tpu.memory_space<vmem>>) target(%dma_start3A_286 : memref<128x128xf32, #tpu.memory_space<hbm>>) target_semaphore(%arg23 : memref<!tpu.dma_semaphore, #tpu.memory_space<semaphore_mem>>)
    }
    %mul3A_41 = arith.constant 6 : i32
    %mul3A_42 = arith.muli %select_n3A_31, %mul3A_41 : i32
    %add3A_43 = arith.constant 0 : i32
    %add3A_44 = arith.addi %mul3A_42, %add3A_43 : i32
    %gt3A = arith.constant 0 : i32
    %gt3A_45 = arith.cmpi sgt, %select_n3A_31, %gt3A : i32
    %convert_element_type3A_46 = arith.extui %gt3A_45 : i1 to i32
    %cond3A_47 = arith.constant 0 : i32
    %cond3A_48 = arith.cmpi ne, %convert_element_type3A_46, %cond3A_47 : i32
    scf.if %cond3A_48 {
      %dma_wait3A = arith.constant 0 : i32
      %dma_wait3A_108 = arith.constant 0 : i32
      %dma_wait3A_109 = tpu.memref_slice %arg4[%dma_wait3A, %dma_wait3A_108] : memref<160000x128xf32, #tpu.memory_space<hbm>> -> memref<128x128xf32, #tpu.memory_space<hbm>>
      %dma_wait3A_110 = arith.constant 0 : i32
      %dma_wait3A_111 = arith.constant 0 : i32
      %dma_wait3A_112 = tpu.memref_slice %arg4[%dma_wait3A_110, %dma_wait3A_111] : memref<160000x128xf32, #tpu.memory_space<hbm>> -> memref<128x128xf32, #tpu.memory_space<hbm>>
      tpu.wait_dma2 semaphore(%arg18 : memref<!tpu.dma_semaphore, #tpu.memory_space<semaphore_mem>>) src(%arg6 : memref<128x128xf32, #tpu.memory_space<vmem>>) dst(%dma_wait3A_112 : memref<128x128xf32, #tpu.memory_space<hbm>>)
    } else {
    }
    %lt3A_49 = arith.cmpi slt, %add3A_44, %add3A_4 : i32
    %convert_element_type3A_50 = arith.extui %lt3A_49 : i1 to i32
    %cond3A_51 = arith.constant 0 : i32
    %cond3A_52 = arith.cmpi ne, %convert_element_type3A_50, %cond3A_51 : i32
    scf.if %cond3A_52 {
      %mul3A_108 = arith.constant 128 : i32
      %mul3A_109 = arith.muli %add3A_44, %mul3A_108 : i32
      %dma_start3A = tpu.memref_slice %arg5[%mul3A_109] : memref<5120xi32, #tpu.memory_space<vmem>> -> memref<128xi32, #tpu.memory_space<vmem>>
      %dma_start3A_110 = arith.constant 0 : i32
      %dma_start3A_111 = arith.constant 0 : i32
      %dma_start3A_112 = tpu.memref_slice %arg2[%dma_start3A_110, %dma_start3A_111] : memref<10000x128xf32, #tpu.memory_space<hbm>> -> memref<10000x128xf32, #tpu.memory_space<hbm>>
      tpu.enqueue_indirect_dma source(%dma_start3A_112 : memref<10000x128xf32, #tpu.memory_space<hbm>>) target(%arg6 : memref<128x128xf32, #tpu.memory_space<vmem>>) offsets(%dma_start3A : memref<128xi32, #tpu.memory_space<vmem>>) semaphore(%arg12 : memref<!tpu.dma_semaphore, #tpu.memory_space<semaphore_mem>>)
      %dma_wait3A = tpu.memref_slice %arg5[%mul3A_109] : memref<5120xi32, #tpu.memory_space<vmem>> -> memref<128xi32, #tpu.memory_space<vmem>>
      %dma_wait3A_113 = arith.constant 0 : i32
      %dma_wait3A_114 = arith.constant 0 : i32
      %dma_wait3A_115 = tpu.memref_slice %arg2[%dma_wait3A_113, %dma_wait3A_114] : memref<10000x128xf32, #tpu.memory_space<hbm>> -> memref<10000x128xf32, #tpu.memory_space<hbm>>
      tpu.wait_indirect_dma semaphore(%arg12 : memref<!tpu.dma_semaphore, #tpu.memory_space<semaphore_mem>>) src(%dma_wait3A_115 : memref<10000x128xf32, #tpu.memory_space<hbm>>) dst(%arg6 : memref<128x128xf32, #tpu.memory_space<vmem>>)
      %add3A_116 = arith.addi %add3A_8, %add3A_44 : i32
      %mul3A_117 = arith.constant 128 : i32
      %mul3A_118 = arith.muli %add3A_116, %mul3A_117 : i32
      %dma_start3A_119 = arith.constant 0 : i32
      %dma_start3A_120 = tpu.memref_slice %arg4[%mul3A_118, %dma_start3A_119] : memref<160000x128xf32, #tpu.memory_space<hbm>> -> memref<128x128xf32, #tpu.memory_space<hbm>>
      %dma_start3A_121 = arith.constant 0 : i32
      %dma_start3A_122 = tpu.memref_slice %arg4[%mul3A_118, %dma_start3A_121] : memref<160000x128xf32, #tpu.memory_space<hbm>> -> memref<128x128xf32, #tpu.memory_space<hbm>>
      tpu.enqueue_dma source(%arg6 : memref<128x128xf32, #tpu.memory_space<vmem>>) target(%dma_start3A_122 : memref<128x128xf32, #tpu.memory_space<hbm>>) target_semaphore(%arg18 : memref<!tpu.dma_semaphore, #tpu.memory_space<semaphore_mem>>)
      %dma_wait3A_123 = arith.constant 0 : i32
      %dma_wait3A_124 = tpu.memref_slice %arg4[%mul3A_118, %dma_wait3A_123] : memref<160000x128xf32, #tpu.memory_space<hbm>> -> memref<128x128xf32, #tpu.memory_space<hbm>>
      %dma_wait3A_125 = arith.constant 0 : i32
      %dma_wait3A_126 = tpu.memref_slice %arg4[%mul3A_118, %dma_wait3A_125] : memref<160000x128xf32, #tpu.memory_space<hbm>> -> memref<128x128xf32, #tpu.memory_space<hbm>>
      tpu.wait_dma2 semaphore(%arg18 : memref<!tpu.dma_semaphore, #tpu.memory_space<semaphore_mem>>) src(%arg6 : memref<128x128xf32, #tpu.memory_space<vmem>>) dst(%dma_wait3A_126 : memref<128x128xf32, #tpu.memory_space<hbm>>)
    } else {
    }
    %add3A_53 = arith.constant 1 : i32
    %add3A_54 = arith.addi %mul3A_42, %add3A_53 : i32
    %gt3A_55 = arith.constant 0 : i32
    %gt3A_56 = arith.cmpi sgt, %select_n3A_31, %gt3A_55 : i32
    %convert_element_type3A_57 = arith.extui %gt3A_56 : i1 to i32
    %cond3A_58 = arith.constant 0 : i32
    %cond3A_59 = arith.cmpi ne, %convert_element_type3A_57, %cond3A_58 : i32
    scf.if %cond3A_59 {
      %dma_wait3A = arith.constant 0 : i32
      %dma_wait3A_108 = arith.constant 0 : i32
      %dma_wait3A_109 = tpu.memref_slice %arg4[%dma_wait3A, %dma_wait3A_108] : memref<160000x128xf32, #tpu.memory_space<hbm>> -> memref<128x128xf32, #tpu.memory_space<hbm>>
      %dma_wait3A_110 = arith.constant 0 : i32
      %dma_wait3A_111 = arith.constant 0 : i32
      %dma_wait3A_112 = tpu.memref_slice %arg4[%dma_wait3A_110, %dma_wait3A_111] : memref<160000x128xf32, #tpu.memory_space<hbm>> -> memref<128x128xf32, #tpu.memory_space<hbm>>
      tpu.wait_dma2 semaphore(%arg19 : memref<!tpu.dma_semaphore, #tpu.memory_space<semaphore_mem>>) src(%arg7 : memref<128x128xf32, #tpu.memory_space<vmem>>) dst(%dma_wait3A_112 : memref<128x128xf32, #tpu.memory_space<hbm>>)
    } else {
    }
    %lt3A_60 = arith.cmpi slt, %add3A_54, %add3A_4 : i32
    %convert_element_type3A_61 = arith.extui %lt3A_60 : i1 to i32
    %cond3A_62 = arith.constant 0 : i32
    %cond3A_63 = arith.cmpi ne, %convert_element_type3A_61, %cond3A_62 : i32
    scf.if %cond3A_63 {
      %mul3A_108 = arith.constant 128 : i32
      %mul3A_109 = arith.muli %add3A_54, %mul3A_108 : i32
      %dma_start3A = tpu.memref_slice %arg5[%mul3A_109] : memref<5120xi32, #tpu.memory_space<vmem>> -> memref<128xi32, #tpu.memory_space<vmem>>
      %dma_start3A_110 = arith.constant 0 : i32
      %dma_start3A_111 = arith.constant 0 : i32
      %dma_start3A_112 = tpu.memref_slice %arg2[%dma_start3A_110, %dma_start3A_111] : memref<10000x128xf32, #tpu.memory_space<hbm>> -> memref<10000x128xf32, #tpu.memory_space<hbm>>
      tpu.enqueue_indirect_dma source(%dma_start3A_112 : memref<10000x128xf32, #tpu.memory_space<hbm>>) target(%arg7 : memref<128x128xf32, #tpu.memory_space<vmem>>) offsets(%dma_start3A : memref<128xi32, #tpu.memory_space<vmem>>) semaphore(%arg13 : memref<!tpu.dma_semaphore, #tpu.memory_space<semaphore_mem>>)
      %dma_wait3A = tpu.memref_slice %arg5[%mul3A_109] : memref<5120xi32, #tpu.memory_space<vmem>> -> memref<128xi32, #tpu.memory_space<vmem>>
      %dma_wait3A_113 = arith.constant 0 : i32
      %dma_wait3A_114 = arith.constant 0 : i32
      %dma_wait3A_115 = tpu.memref_slice %arg2[%dma_wait3A_113, %dma_wait3A_114] : memref<10000x128xf32, #tpu.memory_space<hbm>> -> memref<10000x128xf32, #tpu.memory_space<hbm>>
      tpu.wait_indirect_dma semaphore(%arg13 : memref<!tpu.dma_semaphore, #tpu.memory_space<semaphore_mem>>) src(%dma_wait3A_115 : memref<10000x128xf32, #tpu.memory_space<hbm>>) dst(%arg7 : memref<128x128xf32, #tpu.memory_space<vmem>>)
      %add3A_116 = arith.addi %add3A_8, %add3A_54 : i32
      %mul3A_117 = arith.constant 128 : i32
      %mul3A_118 = arith.muli %add3A_116, %mul3A_117 : i32
      %dma_start3A_119 = arith.constant 0 : i32
      %dma_start3A_120 = tpu.memref_slice %arg4[%mul3A_118, %dma_start3A_119] : memref<160000x128xf32, #tpu.memory_space<hbm>> -> memref<128x128xf32, #tpu.memory_space<hbm>>
      %dma_start3A_121 = arith.constant 0 : i32
      %dma_start3A_122 = tpu.memref_slice %arg4[%mul3A_118, %dma_start3A_121] : memref<160000x128xf32, #tpu.memory_space<hbm>> -> memref<128x128xf32, #tpu.memory_space<hbm>>
      tpu.enqueue_dma source(%arg7 : memref<128x128xf32, #tpu.memory_space<vmem>>) target(%dma_start3A_122 : memref<128x128xf32, #tpu.memory_space<hbm>>) target_semaphore(%arg19 : memref<!tpu.dma_semaphore, #tpu.memory_space<semaphore_mem>>)
      %dma_wait3A_123 = arith.constant 0 : i32
      %dma_wait3A_124 = tpu.memref_slice %arg4[%mul3A_118, %dma_wait3A_123] : memref<160000x128xf32, #tpu.memory_space<hbm>> -> memref<128x128xf32, #tpu.memory_space<hbm>>
      %dma_wait3A_125 = arith.constant 0 : i32
      %dma_wait3A_126 = tpu.memref_slice %arg4[%mul3A_118, %dma_wait3A_125] : memref<160000x128xf32, #tpu.memory_space<hbm>> -> memref<128x128xf32, #tpu.memory_space<hbm>>
      tpu.wait_dma2 semaphore(%arg19 : memref<!tpu.dma_semaphore, #tpu.memory_space<semaphore_mem>>) src(%arg7 : memref<128x128xf32, #tpu.memory_space<vmem>>) dst(%dma_wait3A_126 : memref<128x128xf32, #tpu.memory_space<hbm>>)
    } else {
    }
    %add3A_64 = arith.constant 2 : i32
    %add3A_65 = arith.addi %mul3A_42, %add3A_64 : i32
    %gt3A_66 = arith.constant 0 : i32
    %gt3A_67 = arith.cmpi sgt, %select_n3A_31, %gt3A_66 : i32
    %convert_element_type3A_68 = arith.extui %gt3A_67 : i1 to i32
    %cond3A_69 = arith.constant 0 : i32
    %cond3A_70 = arith.cmpi ne, %convert_element_type3A_68, %cond3A_69 : i32
    scf.if %cond3A_70 {
      %dma_wait3A = arith.constant 0 : i32
      %dma_wait3A_108 = arith.constant 0 : i32
      %dma_wait3A_109 = tpu.memref_slice %arg4[%dma_wait3A, %dma_wait3A_108] : memref<160000x128xf32, #tpu.memory_space<hbm>> -> memref<128x128xf32, #tpu.memory_space<hbm>>
      %dma_wait3A_110 = arith.constant 0 : i32
      %dma_wait3A_111 = arith.constant 0 : i32
      %dma_wait3A_112 = tpu.memref_slice %arg4[%dma_wait3A_110, %dma_wait3A_111] : memref<160000x128xf32, #tpu.memory_space<hbm>> -> memref<128x128xf32, #tpu.memory_space<hbm>>
      tpu.wait_dma2 semaphore(%arg20 : memref<!tpu.dma_semaphore, #tpu.memory_space<semaphore_mem>>) src(%arg8 : memref<128x128xf32, #tpu.memory_space<vmem>>) dst(%dma_wait3A_112 : memref<128x128xf32, #tpu.memory_space<hbm>>)
    } else {
    }
    %lt3A_71 = arith.cmpi slt, %add3A_65, %add3A_4 : i32
    %convert_element_type3A_72 = arith.extui %lt3A_71 : i1 to i32
    %cond3A_73 = arith.constant 0 : i32
    %cond3A_74 = arith.cmpi ne, %convert_element_type3A_72, %cond3A_73 : i32
    scf.if %cond3A_74 {
      %mul3A_108 = arith.constant 128 : i32
      %mul3A_109 = arith.muli %add3A_65, %mul3A_108 : i32
      %dma_start3A = tpu.memref_slice %arg5[%mul3A_109] : memref<5120xi32, #tpu.memory_space<vmem>> -> memref<128xi32, #tpu.memory_space<vmem>>
      %dma_start3A_110 = arith.constant 0 : i32
      %dma_start3A_111 = arith.constant 0 : i32
      %dma_start3A_112 = tpu.memref_slice %arg2[%dma_start3A_110, %dma_start3A_111] : memref<10000x128xf32, #tpu.memory_space<hbm>> -> memref<10000x128xf32, #tpu.memory_space<hbm>>
      tpu.enqueue_indirect_dma source(%dma_start3A_112 : memref<10000x128xf32, #tpu.memory_space<hbm>>) target(%arg8 : memref<128x128xf32, #tpu.memory_space<vmem>>) offsets(%dma_start3A : memref<128xi32, #tpu.memory_space<vmem>>) semaphore(%arg14 : memref<!tpu.dma_semaphore, #tpu.memory_space<semaphore_mem>>)
      %dma_wait3A = tpu.memref_slice %arg5[%mul3A_109] : memref<5120xi32, #tpu.memory_space<vmem>> -> memref<128xi32, #tpu.memory_space<vmem>>
      %dma_wait3A_113 = arith.constant 0 : i32
      %dma_wait3A_114 = arith.constant 0 : i32
      %dma_wait3A_115 = tpu.memref_slice %arg2[%dma_wait3A_113, %dma_wait3A_114] : memref<10000x128xf32, #tpu.memory_space<hbm>> -> memref<10000x128xf32, #tpu.memory_space<hbm>>
      tpu.wait_indirect_dma semaphore(%arg14 : memref<!tpu.dma_semaphore, #tpu.memory_space<semaphore_mem>>) src(%dma_wait3A_115 : memref<10000x128xf32, #tpu.memory_space<hbm>>) dst(%arg8 : memref<128x128xf32, #tpu.memory_space<vmem>>)
      %add3A_116 = arith.addi %add3A_8, %add3A_65 : i32
      %mul3A_117 = arith.constant 128 : i32
      %mul3A_118 = arith.muli %add3A_116, %mul3A_117 : i32
      %dma_start3A_119 = arith.constant 0 : i32
      %dma_start3A_120 = tpu.memref_slice %arg4[%mul3A_118, %dma_start3A_119] : memref<160000x128xf32, #tpu.memory_space<hbm>> -> memref<128x128xf32, #tpu.memory_space<hbm>>
      %dma_start3A_121 = arith.constant 0 : i32
      %dma_start3A_122 = tpu.memref_slice %arg4[%mul3A_118, %dma_start3A_121] : memref<160000x128xf32, #tpu.memory_space<hbm>> -> memref<128x128xf32, #tpu.memory_space<hbm>>
      tpu.enqueue_dma source(%arg8 : memref<128x128xf32, #tpu.memory_space<vmem>>) target(%dma_start3A_122 : memref<128x128xf32, #tpu.memory_space<hbm>>) target_semaphore(%arg20 : memref<!tpu.dma_semaphore, #tpu.memory_space<semaphore_mem>>)
      %dma_wait3A_123 = arith.constant 0 : i32
      %dma_wait3A_124 = tpu.memref_slice %arg4[%mul3A_118, %dma_wait3A_123] : memref<160000x128xf32, #tpu.memory_space<hbm>> -> memref<128x128xf32, #tpu.memory_space<hbm>>
      %dma_wait3A_125 = arith.constant 0 : i32
      %dma_wait3A_126 = tpu.memref_slice %arg4[%mul3A_118, %dma_wait3A_125] : memref<160000x128xf32, #tpu.memory_space<hbm>> -> memref<128x128xf32, #tpu.memory_space<hbm>>
      tpu.wait_dma2 semaphore(%arg20 : memref<!tpu.dma_semaphore, #tpu.memory_space<semaphore_mem>>) src(%arg8 : memref<128x128xf32, #tpu.memory_space<vmem>>) dst(%dma_wait3A_126 : memref<128x128xf32, #tpu.memory_space<hbm>>)
    } else {
    }
    %add3A_75 = arith.constant 3 : i32
    %add3A_76 = arith.addi %mul3A_42, %add3A_75 : i32
    %gt3A_77 = arith.constant 0 : i32
    %gt3A_78 = arith.cmpi sgt, %select_n3A_31, %gt3A_77 : i32
    %convert_element_type3A_79 = arith.extui %gt3A_78 : i1 to i32
    %cond3A_80 = arith.constant 0 : i32
    %cond3A_81 = arith.cmpi ne, %convert_element_type3A_79, %cond3A_80 : i32
    scf.if %cond3A_81 {
      %dma_wait3A = arith.constant 0 : i32
      %dma_wait3A_108 = arith.constant 0 : i32
      %dma_wait3A_109 = tpu.memref_slice %arg4[%dma_wait3A, %dma_wait3A_108] : memref<160000x128xf32, #tpu.memory_space<hbm>> -> memref<128x128xf32, #tpu.memory_space<hbm>>
      %dma_wait3A_110 = arith.constant 0 : i32
      %dma_wait3A_111 = arith.constant 0 : i32
      %dma_wait3A_112 = tpu.memref_slice %arg4[%dma_wait3A_110, %dma_wait3A_111] : memref<160000x128xf32, #tpu.memory_space<hbm>> -> memref<128x128xf32, #tpu.memory_space<hbm>>
      tpu.wait_dma2 semaphore(%arg21 : memref<!tpu.dma_semaphore, #tpu.memory_space<semaphore_mem>>) src(%arg9 : memref<128x128xf32, #tpu.memory_space<vmem>>) dst(%dma_wait3A_112 : memref<128x128xf32, #tpu.memory_space<hbm>>)
    } else {
    }
    %lt3A_82 = arith.cmpi slt, %add3A_76, %add3A_4 : i32
    %convert_element_type3A_83 = arith.extui %lt3A_82 : i1 to i32
    %cond3A_84 = arith.constant 0 : i32
    %cond3A_85 = arith.cmpi ne, %convert_element_type3A_83, %cond3A_84 : i32
    scf.if %cond3A_85 {
      %mul3A_108 = arith.constant 128 : i32
      %mul3A_109 = arith.muli %add3A_76, %mul3A_108 : i32
      %dma_start3A = tpu.memref_slice %arg5[%mul3A_109] : memref<5120xi32, #tpu.memory_space<vmem>> -> memref<128xi32, #tpu.memory_space<vmem>>
      %dma_start3A_110 = arith.constant 0 : i32
      %dma_start3A_111 = arith.constant 0 : i32
      %dma_start3A_112 = tpu.memref_slice %arg2[%dma_start3A_110, %dma_start3A_111] : memref<10000x128xf32, #tpu.memory_space<hbm>> -> memref<10000x128xf32, #tpu.memory_space<hbm>>
      tpu.enqueue_indirect_dma source(%dma_start3A_112 : memref<10000x128xf32, #tpu.memory_space<hbm>>) target(%arg9 : memref<128x128xf32, #tpu.memory_space<vmem>>) offsets(%dma_start3A : memref<128xi32, #tpu.memory_space<vmem>>) semaphore(%arg15 : memref<!tpu.dma_semaphore, #tpu.memory_space<semaphore_mem>>)
      %dma_wait3A = tpu.memref_slice %arg5[%mul3A_109] : memref<5120xi32, #tpu.memory_space<vmem>> -> memref<128xi32, #tpu.memory_space<vmem>>
      %dma_wait3A_113 = arith.constant 0 : i32
      %dma_wait3A_114 = arith.constant 0 : i32
      %dma_wait3A_115 = tpu.memref_slice %arg2[%dma_wait3A_113, %dma_wait3A_114] : memref<10000x128xf32, #tpu.memory_space<hbm>> -> memref<10000x128xf32, #tpu.memory_space<hbm>>
      tpu.wait_indirect_dma semaphore(%arg15 : memref<!tpu.dma_semaphore, #tpu.memory_space<semaphore_mem>>) src(%dma_wait3A_115 : memref<10000x128xf32, #tpu.memory_space<hbm>>) dst(%arg9 : memref<128x128xf32, #tpu.memory_space<vmem>>)
      %add3A_116 = arith.addi %add3A_8, %add3A_76 : i32
      %mul3A_117 = arith.constant 128 : i32
      %mul3A_118 = arith.muli %add3A_116, %mul3A_117 : i32
      %dma_start3A_119 = arith.constant 0 : i32
      %dma_start3A_120 = tpu.memref_slice %arg4[%mul3A_118, %dma_start3A_119] : memref<160000x128xf32, #tpu.memory_space<hbm>> -> memref<128x128xf32, #tpu.memory_space<hbm>>
      %dma_start3A_121 = arith.constant 0 : i32
      %dma_start3A_122 = tpu.memref_slice %arg4[%mul3A_118, %dma_start3A_121] : memref<160000x128xf32, #tpu.memory_space<hbm>> -> memref<128x128xf32, #tpu.memory_space<hbm>>
      tpu.enqueue_dma source(%arg9 : memref<128x128xf32, #tpu.memory_space<vmem>>) target(%dma_start3A_122 : memref<128x128xf32, #tpu.memory_space<hbm>>) target_semaphore(%arg21 : memref<!tpu.dma_semaphore, #tpu.memory_space<semaphore_mem>>)
      %dma_wait3A_123 = arith.constant 0 : i32
      %dma_wait3A_124 = tpu.memref_slice %arg4[%mul3A_118, %dma_wait3A_123] : memref<160000x128xf32, #tpu.memory_space<hbm>> -> memref<128x128xf32, #tpu.memory_space<hbm>>
      %dma_wait3A_125 = arith.constant 0 : i32
      %dma_wait3A_126 = tpu.memref_slice %arg4[%mul3A_118, %dma_wait3A_125] : memref<160000x128xf32, #tpu.memory_space<hbm>> -> memref<128x128xf32, #tpu.memory_space<hbm>>
      tpu.wait_dma2 semaphore(%arg21 : memref<!tpu.dma_semaphore, #tpu.memory_space<semaphore_mem>>) src(%arg9 : memref<128x128xf32, #tpu.memory_space<vmem>>) dst(%dma_wait3A_126 : memref<128x128xf32, #tpu.memory_space<hbm>>)
    } else {
    }
    %add3A_86 = arith.constant 4 : i32
    %add3A_87 = arith.addi %mul3A_42, %add3A_86 : i32
    %gt3A_88 = arith.constant 0 : i32
    %gt3A_89 = arith.cmpi sgt, %select_n3A_31, %gt3A_88 : i32
    %convert_element_type3A_90 = arith.extui %gt3A_89 : i1 to i32
    %cond3A_91 = arith.constant 0 : i32
    %cond3A_92 = arith.cmpi ne, %convert_element_type3A_90, %cond3A_91 : i32
    scf.if %cond3A_92 {
      %dma_wait3A = arith.constant 0 : i32
      %dma_wait3A_108 = arith.constant 0 : i32
      %dma_wait3A_109 = tpu.memref_slice %arg4[%dma_wait3A, %dma_wait3A_108] : memref<160000x128xf32, #tpu.memory_space<hbm>> -> memref<128x128xf32, #tpu.memory_space<hbm>>
      %dma_wait3A_110 = arith.constant 0 : i32
      %dma_wait3A_111 = arith.constant 0 : i32
      %dma_wait3A_112 = tpu.memref_slice %arg4[%dma_wait3A_110, %dma_wait3A_111] : memref<160000x128xf32, #tpu.memory_space<hbm>> -> memref<128x128xf32, #tpu.memory_space<hbm>>
      tpu.wait_dma2 semaphore(%arg22 : memref<!tpu.dma_semaphore, #tpu.memory_space<semaphore_mem>>) src(%arg10 : memref<128x128xf32, #tpu.memory_space<vmem>>) dst(%dma_wait3A_112 : memref<128x128xf32, #tpu.memory_space<hbm>>)
    } else {
    }
    %lt3A_93 = arith.cmpi slt, %add3A_87, %add3A_4 : i32
    %convert_element_type3A_94 = arith.extui %lt3A_93 : i1 to i32
    %cond3A_95 = arith.constant 0 : i32
    %cond3A_96 = arith.cmpi ne, %convert_element_type3A_94, %cond3A_95 : i32
    scf.if %cond3A_96 {
      %mul3A_108 = arith.constant 128 : i32
      %mul3A_109 = arith.muli %add3A_87, %mul3A_108 : i32
      %dma_start3A = tpu.memref_slice %arg5[%mul3A_109] : memref<5120xi32, #tpu.memory_space<vmem>> -> memref<128xi32, #tpu.memory_space<vmem>>
      %dma_start3A_110 = arith.constant 0 : i32
      %dma_start3A_111 = arith.constant 0 : i32
      %dma_start3A_112 = tpu.memref_slice %arg2[%dma_start3A_110, %dma_start3A_111] : memref<10000x128xf32, #tpu.memory_space<hbm>> -> memref<10000x128xf32, #tpu.memory_space<hbm>>
      tpu.enqueue_indirect_dma source(%dma_start3A_112 : memref<10000x128xf32, #tpu.memory_space<hbm>>) target(%arg10 : memref<128x128xf32, #tpu.memory_space<vmem>>) offsets(%dma_start3A : memref<128xi32, #tpu.memory_space<vmem>>) semaphore(%arg16 : memref<!tpu.dma_semaphore, #tpu.memory_space<semaphore_mem>>)
      %dma_wait3A = tpu.memref_slice %arg5[%mul3A_109] : memref<5120xi32, #tpu.memory_space<vmem>> -> memref<128xi32, #tpu.memory_space<vmem>>
      %dma_wait3A_113 = arith.constant 0 : i32
      %dma_wait3A_114 = arith.constant 0 : i32
      %dma_wait3A_115 = tpu.memref_slice %arg2[%dma_wait3A_113, %dma_wait3A_114] : memref<10000x128xf32, #tpu.memory_space<hbm>> -> memref<10000x128xf32, #tpu.memory_space<hbm>>
      tpu.wait_indirect_dma semaphore(%arg16 : memref<!tpu.dma_semaphore, #tpu.memory_space<semaphore_mem>>) src(%dma_wait3A_115 : memref<10000x128xf32, #tpu.memory_space<hbm>>) dst(%arg10 : memref<128x128xf32, #tpu.memory_space<vmem>>)
      %add3A_116 = arith.addi %add3A_8, %add3A_87 : i32
      %mul3A_117 = arith.constant 128 : i32
      %mul3A_118 = arith.muli %add3A_116, %mul3A_117 : i32
      %dma_start3A_119 = arith.constant 0 : i32
      %dma_start3A_120 = tpu.memref_slice %arg4[%mul3A_118, %dma_start3A_119] : memref<160000x128xf32, #tpu.memory_space<hbm>> -> memref<128x128xf32, #tpu.memory_space<hbm>>
      %dma_start3A_121 = arith.constant 0 : i32
      %dma_start3A_122 = tpu.memref_slice %arg4[%mul3A_118, %dma_start3A_121] : memref<160000x128xf32, #tpu.memory_space<hbm>> -> memref<128x128xf32, #tpu.memory_space<hbm>>
      tpu.enqueue_dma source(%arg10 : memref<128x128xf32, #tpu.memory_space<vmem>>) target(%dma_start3A_122 : memref<128x128xf32, #tpu.memory_space<hbm>>) target_semaphore(%arg22 : memref<!tpu.dma_semaphore, #tpu.memory_space<semaphore_mem>>)
      %dma_wait3A_123 = arith.constant 0 : i32
      %dma_wait3A_124 = tpu.memref_slice %arg4[%mul3A_118, %dma_wait3A_123] : memref<160000x128xf32, #tpu.memory_space<hbm>> -> memref<128x128xf32, #tpu.memory_space<hbm>>
      %dma_wait3A_125 = arith.constant 0 : i32
      %dma_wait3A_126 = tpu.memref_slice %arg4[%mul3A_118, %dma_wait3A_125] : memref<160000x128xf32, #tpu.memory_space<hbm>> -> memref<128x128xf32, #tpu.memory_space<hbm>>
      tpu.wait_dma2 semaphore(%arg22 : memref<!tpu.dma_semaphore, #tpu.memory_space<semaphore_mem>>) src(%arg10 : memref<128x128xf32, #tpu.memory_space<vmem>>) dst(%dma_wait3A_126 : memref<128x128xf32, #tpu.memory_space<hbm>>)
    } else {
    }
    %add3A_97 = arith.constant 5 : i32
    %add3A_98 = arith.addi %mul3A_42, %add3A_97 : i32
    %gt3A_99 = arith.constant 0 : i32
    %gt3A_100 = arith.cmpi sgt, %select_n3A_31, %gt3A_99 : i32
    %convert_element_type3A_101 = arith.extui %gt3A_100 : i1 to i32
    %cond3A_102 = arith.constant 0 : i32
    %cond3A_103 = arith.cmpi ne, %convert_element_type3A_101, %cond3A_102 : i32
    scf.if %cond3A_103 {
      %dma_wait3A = arith.constant 0 : i32
      %dma_wait3A_108 = arith.constant 0 : i32
      %dma_wait3A_109 = tpu.memref_slice %arg4[%dma_wait3A, %dma_wait3A_108] : memref<160000x128xf32, #tpu.memory_space<hbm>> -> memref<128x128xf32, #tpu.memory_space<hbm>>
      %dma_wait3A_110 = arith.constant 0 : i32
      %dma_wait3A_111 = arith.constant 0 : i32
      %dma_wait3A_112 = tpu.memref_slice %arg4[%dma_wait3A_110, %dma_wait3A_111] : memref<160000x128xf32, #tpu.memory_space<hbm>> -> memref<128x128xf32, #tpu.memory_space<hbm>>
      tpu.wait_dma2 semaphore(%arg23 : memref<!tpu.dma_semaphore, #tpu.memory_space<semaphore_mem>>) src(%arg11 : memref<128x128xf32, #tpu.memory_space<vmem>>) dst(%dma_wait3A_112 : memref<128x128xf32, #tpu.memory_space<hbm>>)
    } else {
    }
    %lt3A_104 = arith.cmpi slt, %add3A_98, %add3A_4 : i32
    %convert_element_type3A_105 = arith.extui %lt3A_104 : i1 to i32
    %cond3A_106 = arith.constant 0 : i32
    %cond3A_107 = arith.cmpi ne, %convert_element_type3A_105, %cond3A_106 : i32
    scf.if %cond3A_107 {
      %mul3A_108 = arith.constant 128 : i32
      %mul3A_109 = arith.muli %add3A_98, %mul3A_108 : i32
      %dma_start3A = tpu.memref_slice %arg5[%mul3A_109] : memref<5120xi32, #tpu.memory_space<vmem>> -> memref<128xi32, #tpu.memory_space<vmem>>
      %dma_start3A_110 = arith.constant 0 : i32
      %dma_start3A_111 = arith.constant 0 : i32
      %dma_start3A_112 = tpu.memref_slice %arg2[%dma_start3A_110, %dma_start3A_111] : memref<10000x128xf32, #tpu.memory_space<hbm>> -> memref<10000x128xf32, #tpu.memory_space<hbm>>
      tpu.enqueue_indirect_dma source(%dma_start3A_112 : memref<10000x128xf32, #tpu.memory_space<hbm>>) target(%arg11 : memref<128x128xf32, #tpu.memory_space<vmem>>) offsets(%dma_start3A : memref<128xi32, #tpu.memory_space<vmem>>) semaphore(%arg17 : memref<!tpu.dma_semaphore, #tpu.memory_space<semaphore_mem>>)
      %dma_wait3A = tpu.memref_slice %arg5[%mul3A_109] : memref<5120xi32, #tpu.memory_space<vmem>> -> memref<128xi32, #tpu.memory_space<vmem>>
      %dma_wait3A_113 = arith.constant 0 : i32
      %dma_wait3A_114 = arith.constant 0 : i32
      %dma_wait3A_115 = tpu.memref_slice %arg2[%dma_wait3A_113, %dma_wait3A_114] : memref<10000x128xf32, #tpu.memory_space<hbm>> -> memref<10000x128xf32, #tpu.memory_space<hbm>>
      tpu.wait_indirect_dma semaphore(%arg17 : memref<!tpu.dma_semaphore, #tpu.memory_space<semaphore_mem>>) src(%dma_wait3A_115 : memref<10000x128xf32, #tpu.memory_space<hbm>>) dst(%arg11 : memref<128x128xf32, #tpu.memory_space<vmem>>)
      %add3A_116 = arith.addi %add3A_8, %add3A_98 : i32
      %mul3A_117 = arith.constant 128 : i32
      %mul3A_118 = arith.muli %add3A_116, %mul3A_117 : i32
      %dma_start3A_119 = arith.constant 0 : i32
      %dma_start3A_120 = tpu.memref_slice %arg4[%mul3A_118, %dma_start3A_119] : memref<160000x128xf32, #tpu.memory_space<hbm>> -> memref<128x128xf32, #tpu.memory_space<hbm>>
      %dma_start3A_121 = arith.constant 0 : i32
      %dma_start3A_122 = tpu.memref_slice %arg4[%mul3A_118, %dma_start3A_121] : memref<160000x128xf32, #tpu.memory_space<hbm>> -> memref<128x128xf32, #tpu.memory_space<hbm>>
      tpu.enqueue_dma source(%arg11 : memref<128x128xf32, #tpu.memory_space<vmem>>) target(%dma_start3A_122 : memref<128x128xf32, #tpu.memory_space<hbm>>) target_semaphore(%arg23 : memref<!tpu.dma_semaphore, #tpu.memory_space<semaphore_mem>>)
      %dma_wait3A_123 = arith.constant 0 : i32
      %dma_wait3A_124 = tpu.memref_slice %arg4[%mul3A_118, %dma_wait3A_123] : memref<160000x128xf32, #tpu.memory_space<hbm>> -> memref<128x128xf32, #tpu.memory_space<hbm>>
      %dma_wait3A_125 = arith.constant 0 : i32
      %dma_wait3A_126 = tpu.memref_slice %arg4[%mul3A_118, %dma_wait3A_125] : memref<160000x128xf32, #tpu.memory_space<hbm>> -> memref<128x128xf32, #tpu.memory_space<hbm>>
      tpu.wait_dma2 semaphore(%arg23 : memref<!tpu.dma_semaphore, #tpu.memory_space<semaphore_mem>>) src(%arg11 : memref<128x128xf32, #tpu.memory_space<vmem>>) dst(%dma_wait3A_126 : memref<128x128xf32, #tpu.memory_space<hbm>>)
    } else {
    }
    return
  }
}

module attributes {stable_mosaic.version = 14 : i64} {
  func.func @_pre_body(%arg0: memref<10000x128xf32, #tpu.memory_space<vmem>>, %arg1: memref<128x128xf32, #tpu.memory_space<vmem>>, %arg2: memref<10000x128xf32, #tpu.memory_space<vmem>>) attributes {dimension_semantics = [], scalar_prefetch = 0 : i64, scratch_operands = 0 : i64, tpu.core_type = #tpu.core_type<tc>} {
    %get3A = arith.constant 0 : index
    %get3A_0 = arith.constant 0 : index
    %get3A_1 = vector.load %arg0[%get3A, %get3A_0] : memref<10000x128xf32, #tpu.memory_space<vmem>>, vector<10000x128xf32>
    %get3A_2 = arith.constant 0 : index
    %get3A_3 = arith.constant 0 : index
    %get3A_4 = vector.load %arg1[%get3A_2, %get3A_3] : memref<128x128xf32, #tpu.memory_space<vmem>>, vector<128x128xf32>
    %dot_general3A = arith.constant dense<0.000000e+00> : vector<10000x128xf32>
    %dot_general3A_5 = tpu.matmul %get3A_1, %get3A_4, %dot_general3A {dimension_numbers = #tpu.dot_dimension_numbers<[1], [0], [0], [1], [0, 0, 1, 1], [], []>, transpose_lhs_hint = false} : vector<10000x128xf32>, vector<128x128xf32>, vector<10000x128xf32> -> vector<10000x128xf32>
    %swap3A = arith.constant 0 : index
    %swap3A_6 = arith.constant 0 : index
    %swap3A_7 = vector.load %arg2[%swap3A, %swap3A_6] : memref<10000x128xf32, #tpu.memory_space<vmem>>, vector<10000x128xf32>
    tpu.vector_store %arg2[%swap3A, %swap3A_6], %dot_general3A_5 {strides = array<i32>} : memref<10000x128xf32, #tpu.memory_space<vmem>>, vector<10000x128xf32>,
    return
  }
}

module attributes {stable_mosaic.version = 14 : i64} {
  func.func @_node_body(%arg0: i32, %arg1: memref<16000x128xf32, #tpu.memory_space<vmem>>, %arg2: memref<16000x128xf32, #tpu.memory_space<vmem>>, %arg3: memref<1000x128xf32, #tpu.memory_space<vmem>>, %arg4: memref<128x128xf32, #tpu.memory_space<vmem>>, %arg5: memref<1x128xf32, #tpu.memory_space<vmem>>, %arg6: memref<128x128xf32, #tpu.memory_space<vmem>>, %arg7: memref<128x128xf32, #tpu.memory_space<vmem>>, %arg8: memref<1x128xf32, #tpu.memory_space<vmem>>, %arg9: memref<128x128xf32, #tpu.memory_space<vmem>>, %arg10: memref<1x128xf32, #tpu.memory_space<vmem>>, %arg11: memref<128x512xf32, #tpu.memory_space<vmem>>, %arg12: memref<1x512xf32, #tpu.memory_space<vmem>>, %arg13: memref<512x128xf32, #tpu.memory_space<vmem>>, %arg14: memref<1x128xf32, #tpu.memory_space<vmem>>, %arg15: memref<1x128xf32, #tpu.memory_space<vmem>>, %arg16: memref<1x128xf32, #tpu.memory_space<vmem>>, %arg17: memref<1x128xf32, #tpu.memory_space<vmem>>, %arg18: memref<1x128xf32, #tpu.memory_space<vmem>>, %arg19: memref<128x128xf32, #tpu.memory_space<vmem>>, %arg20: memref<1000x128xf32, #tpu.memory_space<vmem>>, %arg21: memref<1000x128xf32, #tpu.memory_space<vmem>>) attributes {dimension_semantics = [#tpu.dimension_semantics<arbitrary>], iteration_bounds = array<i64: 10>, scalar_prefetch = 0 : i64, scratch_operands = 0 : i64, tpu.core_type = #tpu.core_type<tc>, window_params = [{transform_indices = @transform_0, window_bounds = array<i64: 16000, 128>}, {transform_indices = @transform_1, window_bounds = array<i64: 16000, 128>}, {transform_indices = @transform_2, window_bounds = array<i64: 1000, 128>}, {pipeline_mode = #tpu.pipeline_mode<synchronous>, transform_indices = @transform_3, window_bounds = array<i64: 128, 128>}, {pipeline_mode = #tpu.pipeline_mode<synchronous>, transform_indices = @transform_4, window_bounds = array<i64: 1, 128>}, {pipeline_mode = #tpu.pipeline_mode<synchronous>, transform_indices = @transform_5, window_bounds = array<i64: 128, 128>}, {pipeline_mode = #tpu.pipeline_mode<synchronous>, transform_indices = @transform_6, window_bounds = array<i64: 128, 128>}, {pipeline_mode = #tpu.pipeline_mode<synchronous>, transform_indices = @transform_7, window_bounds = array<i64: 1, 128>}, {pipeline_mode = #tpu.pipeline_mode<synchronous>, transform_indices = @transform_8, window_bounds = array<i64: 128, 128>}, {pipeline_mode = #tpu.pipeline_mode<synchronous>, transform_indices = @transform_9, window_bounds = array<i64: 1, 128>}, {pipeline_mode = #tpu.pipeline_mode<synchronous>, transform_indices = @transform_10, window_bounds = array<i64: 128, 512>}, {pipeline_mode = #tpu.pipeline_mode<synchronous>, transform_indices = @transform_11, window_bounds = array<i64: 1, 512>}, {pipeline_mode = #tpu.pipeline_mode<synchronous>, transform_indices = @transform_12, window_bounds = array<i64: 512, 128>}, {pipeline_mode = #tpu.pipeline_mode<synchronous>, transform_indices = @transform_13, window_bounds = array<i64: 1, 128>}, {pipeline_mode = #tpu.pipeline_mode<synchronous>, transform_indices = @transform_14, window_bounds = array<i64: 1, 128>}, {pipeline_mode = #tpu.pipeline_mode<synchronous>, transform_indices = @transform_15, window_bounds = array<i64: 1, 128>}, {pipeline_mode = #tpu.pipeline_mode<synchronous>, transform_indices = @transform_16, window_bounds = array<i64: 1, 128>}, {pipeline_mode = #tpu.pipeline_mode<synchronous>, transform_indices = @transform_17, window_bounds = array<i64: 1, 128>}, {pipeline_mode = #tpu.pipeline_mode<synchronous>, transform_indices = @transform_18, window_bounds = array<i64: 128, 128>}, {transform_indices = @transform_19, window_bounds = array<i64: 1000, 128>}, {transform_indices = @transform_20, window_bounds = array<i64: 1000, 128>}]} {
    %get3A = arith.constant 0 : index
    %get3A_0 = arith.constant 0 : index
    %get3A_1 = vector.load %arg3[%get3A, %get3A_0] : memref<1000x128xf32, #tpu.memory_space<vmem>>, vector<1000x128xf32>
    %get3A_2 = arith.constant 0 : index
    %get3A_3 = arith.constant 0 : index
    %get3A_4 = vector.load %arg4[%get3A_2, %get3A_3] : memref<128x128xf32, #tpu.memory_space<vmem>>, vector<128x128xf32>
    %dot_general3A = arith.constant dense<0.000000e+00> : vector<1000x128xf32>
    %dot_general3A_5 = tpu.matmul %get3A_1, %get3A_4, %dot_general3A {dimension_numbers = #tpu.dot_dimension_numbers<[1], [0], [0], [1], [0, 0, 1, 1], [], []>, transpose_lhs_hint = false} : vector<1000x128xf32>, vector<128x128xf32>, vector<1000x128xf32> -> vector<1000x128xf32>
    %get3A_6 = arith.constant 0 : index
    %get3A_7 = arith.constant 0 : index
    %get3A_8 = vector.load %arg5[%get3A_6, %get3A_7] : memref<1x128xf32, #tpu.memory_space<vmem>>, vector<1x128xf32>
    %add3A = vector.broadcast %get3A_8 : vector<1x128xf32> to vector<1000x128xf32>
    %add3A_9 = arith.addf %dot_general3A_5, %add3A : vector<1000x128xf32>
    %get3A_10 = arith.constant 0 : index
    %get3A_11 = arith.constant 0 : index
    %get3A_12 = vector.load %arg1[%get3A_10, %get3A_11] : memref<16000x128xf32, #tpu.memory_space<vmem>>, vector<16000x128xf32>
    %get3A_13 = arith.constant 0 : index
    %get3A_14 = arith.constant 0 : index
    %get3A_15 = vector.load %arg6[%get3A_13, %get3A_14] : memref<128x128xf32, #tpu.memory_space<vmem>>, vector<128x128xf32>
    %dot_general3A_16 = arith.constant dense<0.000000e+00> : vector<16000x128xf32>
    %dot_general3A_17 = tpu.matmul %get3A_12, %get3A_15, %dot_general3A_16 {dimension_numbers = #tpu.dot_dimension_numbers<[1], [0], [0], [1], [0, 0, 1, 1], [], []>, transpose_lhs_hint = false} : vector<16000x128xf32>, vector<128x128xf32>, vector<16000x128xf32> -> vector<16000x128xf32>
    %get3A_18 = arith.constant 0 : index
    %get3A_19 = arith.constant 0 : index
    %get3A_20 = vector.load %arg2[%get3A_18, %get3A_19] : memref<16000x128xf32, #tpu.memory_space<vmem>>, vector<16000x128xf32>
    %add3A_21 = arith.addf %dot_general3A_17, %get3A_20 : vector<16000x128xf32>
    %reshape3A = vector.shape_cast %add3A_21 : vector<16000x128xf32> to vector<1000x16x128xf32>
    %broadcast_in_dim3A = vector.shape_cast %add3A_9 : vector<1000x128xf32> to vector<1000x1x128xf32>
    %add3A_22 = vector.broadcast %broadcast_in_dim3A : vector<1000x1x128xf32> to vector<1000x16x128xf32>
    %add3A_23 = arith.addf %reshape3A, %add3A_22 : vector<1000x16x128xf32>
    %reshape3A_24 = vector.shape_cast %add3A_23 : vector<1000x16x128xf32> to vector<16000x128xf32>
    %mul3A = arith.constant 5.000000e-01 : f32
    %mul3A_25 = vector.broadcast %mul3A : f32 to vector<16000x128xf32>
    %mul3A_26 = arith.mulf %mul3A_25, %reshape3A_24 : vector<16000x128xf32>
    %mul3A_27 = arith.constant 0.707106769 : f32
    %mul3A_28 = vector.broadcast %mul3A_27 : f32 to vector<16000x128xf32>
    %mul3A_29 = arith.mulf %reshape3A_24, %mul3A_28 : vector<16000x128xf32>
    %erf3A = math.erf %mul3A_29 : vector<16000x128xf32>
    %add3A_30 = arith.constant 1.000000e+00 : f32
    %add3A_31 = vector.broadcast %add3A_30 : f32 to vector<16000x128xf32>
    %add3A_32 = arith.addf %add3A_31, %erf3A : vector<16000x128xf32>
    %mul3A_33 = arith.mulf %mul3A_26, %add3A_32 : vector<16000x128xf32>
    %get3A_34 = arith.constant 0 : index
    %get3A_35 = arith.constant 0 : index
    %get3A_36 = vector.load %arg7[%get3A_34, %get3A_35] : memref<128x128xf32, #tpu.memory_space<vmem>>, vector<128x128xf32>
    %dot_general3A_37 = arith.constant dense<0.000000e+00> : vector<16000x128xf32>
    %dot_general3A_38 = tpu.matmul %mul3A_33, %get3A_36, %dot_general3A_37 {dimension_numbers = #tpu.dot_dimension_numbers<[1], [0], [0], [1], [0, 0, 1, 1], [], []>, transpose_lhs_hint = false} : vector<16000x128xf32>, vector<128x128xf32>, vector<16000x128xf32> -> vector<16000x128xf32>
    %get3A_39 = arith.constant 0 : index
    %get3A_40 = arith.constant 0 : index
    %get3A_41 = vector.load %arg8[%get3A_39, %get3A_40] : memref<1x128xf32, #tpu.memory_space<vmem>>, vector<1x128xf32>
    %add3A_42 = vector.broadcast %get3A_41 : vector<1x128xf32> to vector<16000x128xf32>
    %add3A_43 = arith.addf %dot_general3A_38, %add3A_42 : vector<16000x128xf32>
    %mul3A_44 = arith.constant 5.000000e-01 : f32
    %mul3A_45 = vector.broadcast %mul3A_44 : f32 to vector<16000x128xf32>
    %mul3A_46 = arith.mulf %mul3A_45, %add3A_43 : vector<16000x128xf32>
    %mul3A_47 = arith.constant 0.707106769 : f32
    %mul3A_48 = vector.broadcast %mul3A_47 : f32 to vector<16000x128xf32>
    %mul3A_49 = arith.mulf %add3A_43, %mul3A_48 : vector<16000x128xf32>
    %erf3A_50 = math.erf %mul3A_49 : vector<16000x128xf32>
    %add3A_51 = arith.constant 1.000000e+00 : f32
    %add3A_52 = vector.broadcast %add3A_51 : f32 to vector<16000x128xf32>
    %add3A_53 = arith.addf %add3A_52, %erf3A_50 : vector<16000x128xf32>
    %mul3A_54 = arith.mulf %mul3A_46, %add3A_53 : vector<16000x128xf32>
    %get3A_55 = arith.constant 0 : index
    %get3A_56 = arith.constant 0 : index
    %get3A_57 = vector.load %arg9[%get3A_55, %get3A_56] : memref<128x128xf32, #tpu.memory_space<vmem>>, vector<128x128xf32>
    %dot_general3A_58 = arith.constant dense<0.000000e+00> : vector<16000x128xf32>
    %dot_general3A_59 = tpu.matmul %mul3A_54, %get3A_57, %dot_general3A_58 {dimension_numbers = #tpu.dot_dimension_numbers<[1], [0], [0], [1], [0, 0, 1, 1], [], []>, transpose_lhs_hint = false} : vector<16000x128xf32>, vector<128x128xf32>, vector<16000x128xf32> -> vector<16000x128xf32>
    %get3A_60 = arith.constant 0 : index
    %get3A_61 = arith.constant 0 : index
    %get3A_62 = vector.load %arg10[%get3A_60, %get3A_61] : memref<1x128xf32, #tpu.memory_space<vmem>>, vector<1x128xf32>
    %add3A_63 = vector.broadcast %get3A_62 : vector<1x128xf32> to vector<16000x128xf32>
    %add3A_64 = arith.addf %dot_general3A_59, %add3A_63 : vector<16000x128xf32>
    %reshape3A_65 = vector.shape_cast %add3A_64 : vector<16000x128xf32> to vector<1000x16x128xf32>
    %reduce_sum3A = arith.constant dense<0.000000e+00> : vector<1000x128xf32>
    %reduce_sum3A_66 = vector.multi_reduction <add>, %reshape3A_65, %reduce_sum3A [1] : vector<1000x16x128xf32> to vector<1000x128xf32>
    %div3A = arith.constant 3.000000e+01 : f32
    %div3A_67 = vector.broadcast %div3A : f32 to vector<1000x128xf32>
    %div3A_68 = arith.divf %reduce_sum3A_66, %div3A_67 : vector<1000x128xf32>
    %add3A_69 = arith.addf %get3A_1, %div3A_68 : vector<1000x128xf32>
    %get3A_70 = arith.constant 0 : index
    %get3A_71 = arith.constant 0 : index
    %get3A_72 = vector.load %arg15[%get3A_70, %get3A_71] : memref<1x128xf32, #tpu.memory_space<vmem>>, vector<1x128xf32>
    %get3A_73 = arith.constant 0 : index
    %get3A_74 = arith.constant 0 : index
    %get3A_75 = vector.load %arg16[%get3A_73, %get3A_74] : memref<1x128xf32, #tpu.memory_space<vmem>>, vector<1x128xf32>
    %reduce_sum3A_76 = arith.constant dense<0.000000e+00> : vector<1000xf32>
    %reduce_sum3A_77 = vector.multi_reduction <add>, %add3A_69, %reduce_sum3A_76 [1] : vector<1000x128xf32> to vector<1000xf32>
    %broadcast_in_dim3A_78 = vector.shape_cast %reduce_sum3A_77 : vector<1000xf32> to vector<1000x1xf32>
    %div3A_79 = arith.constant 1.280000e+02 : f32
    %div3A_80 = vector.broadcast %div3A_79 : f32 to vector<1000x1xf32>
    %div3A_81 = arith.divf %broadcast_in_dim3A_78, %div3A_80 : vector<1000x1xf32>
    %sub3A = vector.broadcast %div3A_81 : vector<1000x1xf32> to vector<1000x128xf32>
    %sub3A_82 = arith.subf %add3A_69, %sub3A : vector<1000x128xf32>
    %integer_pow3A = arith.mulf %sub3A_82, %sub3A_82 : vector<1000x128xf32>
    %reduce_sum3A_83 = arith.constant dense<0.000000e+00> : vector<1000xf32>
    %reduce_sum3A_84 = vector.multi_reduction <add>, %integer_pow3A, %reduce_sum3A_83 [1] : vector<1000x128xf32> to vector<1000xf32>
    %broadcast_in_dim3A_85 = vector.shape_cast %reduce_sum3A_84 : vector<1000xf32> to vector<1000x1xf32>
    %div3A_86 = arith.constant 1.280000e+02 : f32
    %div3A_87 = vector.broadcast %div3A_86 : f32 to vector<1000x1xf32>
    %div3A_88 = arith.divf %broadcast_in_dim3A_85, %div3A_87 : vector<1000x1xf32>
    %sub3A_89 = vector.broadcast %div3A_81 : vector<1000x1xf32> to vector<1000x128xf32>
    %sub3A_90 = arith.subf %add3A_69, %sub3A_89 : vector<1000x128xf32>
    %add3A_91 = arith.constant 9.99999974E-6 : f32
    %add3A_92 = vector.broadcast %add3A_91 : f32 to vector<1000x1xf32>
    %add3A_93 = arith.addf %div3A_88, %add3A_92 : vector<1000x1xf32>
    %sqrt3A = math.sqrt %add3A_93 : vector<1000x1xf32>
    %div3A_94 = vector.broadcast %sqrt3A : vector<1000x1xf32> to vector<1000x128xf32>
    %div3A_95 = arith.divf %sub3A_90, %div3A_94 : vector<1000x128xf32>
    %mul3A_96 = vector.broadcast %get3A_72 : vector<1x128xf32> to vector<1000x128xf32>
    %mul3A_97 = arith.mulf %div3A_95, %mul3A_96 : vector<1000x128xf32>
    %add3A_98 = vector.broadcast %get3A_75 : vector<1x128xf32> to vector<1000x128xf32>
    %add3A_99 = arith.addf %mul3A_97, %add3A_98 : vector<1000x128xf32>
    %get3A_100 = arith.constant 0 : index
    %get3A_101 = arith.constant 0 : index
    %get3A_102 = vector.load %arg11[%get3A_100, %get3A_101] : memref<128x512xf32, #tpu.memory_space<vmem>>, vector<128x512xf32>
    %dot_general3A_103 = arith.constant dense<0.000000e+00> : vector<1000x512xf32>
    %dot_general3A_104 = tpu.matmul %add3A_99, %get3A_102, %dot_general3A_103 {dimension_numbers = #tpu.dot_dimension_numbers<[1], [0], [0], [1], [0, 0, 1, 1], [], []>, transpose_lhs_hint = false} : vector<1000x128xf32>, vector<128x512xf32>, vector<1000x512xf32> -> vector<1000x512xf32>
    %get3A_105 = arith.constant 0 : index
    %get3A_106 = arith.constant 0 : index
    %get3A_107 = vector.load %arg12[%get3A_105, %get3A_106] : memref<1x512xf32, #tpu.memory_space<vmem>>, vector<1x512xf32>
    %add3A_108 = vector.broadcast %get3A_107 : vector<1x512xf32> to vector<1000x512xf32>
    %add3A_109 = arith.addf %dot_general3A_104, %add3A_108 : vector<1000x512xf32>
    %mul3A_110 = arith.constant 5.000000e-01 : f32
    %mul3A_111 = vector.broadcast %mul3A_110 : f32 to vector<1000x512xf32>
    %mul3A_112 = arith.mulf %mul3A_111, %add3A_109 : vector<1000x512xf32>
    %mul3A_113 = arith.constant 0.707106769 : f32
    %mul3A_114 = vector.broadcast %mul3A_113 : f32 to vector<1000x512xf32>
    %mul3A_115 = arith.mulf %add3A_109, %mul3A_114 : vector<1000x512xf32>
    %erf3A_116 = math.erf %mul3A_115 : vector<1000x512xf32>
    %add3A_117 = arith.constant 1.000000e+00 : f32
    %add3A_118 = vector.broadcast %add3A_117 : f32 to vector<1000x512xf32>
    %add3A_119 = arith.addf %add3A_118, %erf3A_116 : vector<1000x512xf32>
    %mul3A_120 = arith.mulf %mul3A_112, %add3A_119 : vector<1000x512xf32>
    %get3A_121 = arith.constant 0 : index
    %get3A_122 = arith.constant 0 : index
    %get3A_123 = vector.load %arg13[%get3A_121, %get3A_122] : memref<512x128xf32, #tpu.memory_space<vmem>>, vector<512x128xf32>
    %dot_general3A_124 = arith.constant dense<0.000000e+00> : vector<1000x128xf32>
    %dot_general3A_125 = tpu.matmul %mul3A_120, %get3A_123, %dot_general3A_124 {dimension_numbers = #tpu.dot_dimension_numbers<[1], [0], [0], [1], [0, 0, 1, 1], [], []>, transpose_lhs_hint = false} : vector<1000x512xf32>, vector<512x128xf32>, vector<1000x128xf32> -> vector<1000x128xf32>
    %get3A_126 = arith.constant 0 : index
    %get3A_127 = arith.constant 0 : index
    %get3A_128 = vector.load %arg14[%get3A_126, %get3A_127] : memref<1x128xf32, #tpu.memory_space<vmem>>, vector<1x128xf32>
    %add3A_129 = vector.broadcast %get3A_128 : vector<1x128xf32> to vector<1000x128xf32>
    %add3A_130 = arith.addf %dot_general3A_125, %add3A_129 : vector<1000x128xf32>
    %add3A_131 = arith.addf %add3A_99, %add3A_130 : vector<1000x128xf32>
    %get3A_132 = arith.constant 0 : index
    %get3A_133 = arith.constant 0 : index
    %get3A_134 = vector.load %arg17[%get3A_132, %get3A_133] : memref<1x128xf32, #tpu.memory_space<vmem>>, vector<1x128xf32>
    %get3A_135 = arith.constant 0 : index
    %get3A_136 = arith.constant 0 : index
    %get3A_137 = vector.load %arg18[%get3A_135, %get3A_136] : memref<1x128xf32, #tpu.memory_space<vmem>>, vector<1x128xf32>
    %reduce_sum3A_138 = arith.constant dense<0.000000e+00> : vector<1000xf32>
    %reduce_sum3A_139 = vector.multi_reduction <add>, %add3A_131, %reduce_sum3A_138 [1] : vector<1000x128xf32> to vector<1000xf32>
    %broadcast_in_dim3A_140 = vector.shape_cast %reduce_sum3A_139 : vector<1000xf32> to vector<1000x1xf32>
    %div3A_141 = arith.constant 1.280000e+02 : f32
    %div3A_142 = vector.broadcast %div3A_141 : f32 to vector<1000x1xf32>
    %div3A_143 = arith.divf %broadcast_in_dim3A_140, %div3A_142 : vector<1000x1xf32>
    %sub3A_144 = vector.broadcast %div3A_143 : vector<1000x1xf32> to vector<1000x128xf32>
    %sub3A_145 = arith.subf %add3A_131, %sub3A_144 : vector<1000x128xf32>
    %integer_pow3A_146 = arith.mulf %sub3A_145, %sub3A_145 : vector<1000x128xf32>
    %reduce_sum3A_147 = arith.constant dense<0.000000e+00> : vector<1000xf32>
    %reduce_sum3A_148 = vector.multi_reduction <add>, %integer_pow3A_146, %reduce_sum3A_147 [1] : vector<1000x128xf32> to vector<1000xf32>
    %broadcast_in_dim3A_149 = vector.shape_cast %reduce_sum3A_148 : vector<1000xf32> to vector<1000x1xf32>
    %div3A_150 = arith.constant 1.280000e+02 : f32
    %div3A_151 = vector.broadcast %div3A_150 : f32 to vector<1000x1xf32>
    %div3A_152 = arith.divf %broadcast_in_dim3A_149, %div3A_151 : vector<1000x1xf32>
    %sub3A_153 = vector.broadcast %div3A_143 : vector<1000x1xf32> to vector<1000x128xf32>
    %sub3A_154 = arith.subf %add3A_131, %sub3A_153 : vector<1000x128xf32>
    %add3A_155 = arith.constant 9.99999974E-6 : f32
    %add3A_156 = vector.broadcast %add3A_155 : f32 to vector<1000x1xf32>
    %add3A_157 = arith.addf %div3A_152, %add3A_156 : vector<1000x1xf32>
    %sqrt3A_158 = math.sqrt %add3A_157 : vector<1000x1xf32>
    %div3A_159 = vector.broadcast %sqrt3A_158 : vector<1000x1xf32> to vector<1000x128xf32>
    %div3A_160 = arith.divf %sub3A_154, %div3A_159 : vector<1000x128xf32>
    %mul3A_161 = vector.broadcast %get3A_134 : vector<1x128xf32> to vector<1000x128xf32>
    %mul3A_162 = arith.mulf %div3A_160, %mul3A_161 : vector<1000x128xf32>
    %add3A_163 = vector.broadcast %get3A_137 : vector<1x128xf32> to vector<1000x128xf32>
    %add3A_164 = arith.addf %mul3A_162, %add3A_163 : vector<1000x128xf32>
    %swap3A = arith.constant 0 : index
    %swap3A_165 = arith.constant 0 : index
    %swap3A_166 = vector.load %arg20[%swap3A, %swap3A_165] : memref<1000x128xf32, #tpu.memory_space<vmem>>, vector<1000x128xf32>
    tpu.vector_store %arg20[%swap3A, %swap3A_165], %add3A_164 {strides = array<i32>} : memref<1000x128xf32, #tpu.memory_space<vmem>>, vector<1000x128xf32>,
    %get3A_167 = arith.constant 0 : index
    %get3A_168 = arith.constant 0 : index
    %get3A_169 = vector.load %arg19[%get3A_167, %get3A_168] : memref<128x128xf32, #tpu.memory_space<vmem>>, vector<128x128xf32>
    %dot_general3A_170 = arith.constant dense<0.000000e+00> : vector<1000x128xf32>
    %dot_general3A_171 = tpu.matmul %add3A_164, %get3A_169, %dot_general3A_170 {dimension_numbers = #tpu.dot_dimension_numbers<[1], [0], [0], [1], [0, 0, 1, 1], [], []>, transpose_lhs_hint = false} : vector<1000x128xf32>, vector<128x128xf32>, vector<1000x128xf32> -> vector<1000x128xf32>
    %swap3A_172 = arith.constant 0 : index
    %swap3A_173 = arith.constant 0 : index
    %swap3A_174 = vector.load %arg21[%swap3A_172, %swap3A_173] : memref<1000x128xf32, #tpu.memory_space<vmem>>, vector<1000x128xf32>
    tpu.vector_store %arg21[%swap3A_172, %swap3A_173], %dot_general3A_171 {strides = array<i32>} : memref<1000x128xf32, #tpu.memory_space<vmem>>, vector<1000x128xf32>,
    return
  }
  func.func @transform_0(%arg0: i32) -> (i32, i32) {
    %add3A = arith.constant 0 : i32
    %add3A_0 = arith.addi %arg0, %add3A : i32
    %c0_i32 = arith.constant 0 : i32
    %c0_i32_1 = arith.constant 0 : i32
    return %add3A_0, %c0_i32 : i32, i32
  }
  func.func @transform_1(%arg0: i32) -> (i32, i32) {
    %c0_i32 = arith.constant 0 : i32
    %c0_i32_0 = arith.constant 0 : i32
    return %arg0, %c0_i32 : i32, i32
  }
  func.func @transform_2(%arg0: i32) -> (i32, i32) {
    %add3A = arith.constant 0 : i32
    %add3A_0 = arith.addi %arg0, %add3A : i32
    %c0_i32 = arith.constant 0 : i32
    %c0_i32_1 = arith.constant 0 : i32
    return %add3A_0, %c0_i32 : i32, i32
  }
  func.func @transform_3(%arg0: i32) -> (i32, i32) {
    %c0_i32 = arith.constant 0 : i32
    %c0_i32_0 = arith.constant 0 : i32
    %c0_i32_1 = arith.constant 0 : i32
    return %c0_i32, %c0_i32_0 : i32, i32
  }
  func.func @transform_4(%arg0: i32) -> (i32, i32) {
    %c0_i32 = arith.constant 0 : i32
    %c0_i32_0 = arith.constant 0 : i32
    %c0_i32_1 = arith.constant 0 : i32
    return %c0_i32, %c0_i32_0 : i32, i32
  }
  func.func @transform_5(%arg0: i32) -> (i32, i32) {
    %c0_i32 = arith.constant 0 : i32
    %c0_i32_0 = arith.constant 0 : i32
    %c0_i32_1 = arith.constant 0 : i32
    return %c0_i32, %c0_i32_0 : i32, i32
  }
  func.func @transform_6(%arg0: i32) -> (i32, i32) {
    %c0_i32 = arith.constant 0 : i32
    %c0_i32_0 = arith.constant 0 : i32
    %c0_i32_1 = arith.constant 0 : i32
    return %c0_i32, %c0_i32_0 : i32, i32
  }
  func.func @transform_7(%arg0: i32) -> (i32, i32) {
    %c0_i32 = arith.constant 0 : i32
    %c0_i32_0 = arith.constant 0 : i32
    %c0_i32_1 = arith.constant 0 : i32
    return %c0_i32, %c0_i32_0 : i32, i32
  }
  func.func @transform_8(%arg0: i32) -> (i32, i32) {
    %c0_i32 = arith.constant 0 : i32
    %c0_i32_0 = arith.constant 0 : i32
    %c0_i32_1 = arith.constant 0 : i32
    return %c0_i32, %c0_i32_0 : i32, i32
  }
  func.func @transform_9(%arg0: i32) -> (i32, i32) {
    %c0_i32 = arith.constant 0 : i32
    %c0_i32_0 = arith.constant 0 : i32
    %c0_i32_1 = arith.constant 0 : i32
    return %c0_i32, %c0_i32_0 : i32, i32
  }
  func.func @transform_10(%arg0: i32) -> (i32, i32) {
    %c0_i32 = arith.constant 0 : i32
    %c0_i32_0 = arith.constant 0 : i32
    %c0_i32_1 = arith.constant 0 : i32
    return %c0_i32, %c0_i32_0 : i32, i32
  }
  func.func @transform_11(%arg0: i32) -> (i32, i32) {
    %c0_i32 = arith.constant 0 : i32
    %c0_i32_0 = arith.constant 0 : i32
    %c0_i32_1 = arith.constant 0 : i32
    return %c0_i32, %c0_i32_0 : i32, i32
  }
  func.func @transform_12(%arg0: i32) -> (i32, i32) {
    %c0_i32 = arith.constant 0 : i32
    %c0_i32_0 = arith.constant 0 : i32
    %c0_i32_1 = arith.constant 0 : i32
    return %c0_i32, %c0_i32_0 : i32, i32
  }
  func.func @transform_13(%arg0: i32) -> (i32, i32) {
    %c0_i32 = arith.constant 0 : i32
    %c0_i32_0 = arith.constant 0 : i32
    %c0_i32_1 = arith.constant 0 : i32
    return %c0_i32, %c0_i32_0 : i32, i32
  }
  func.func @transform_14(%arg0: i32) -> (i32, i32) {
    %c0_i32 = arith.constant 0 : i32
    %c0_i32_0 = arith.constant 0 : i32
    %c0_i32_1 = arith.constant 0 : i32
    return %c0_i32, %c0_i32_0 : i32, i32
  }
  func.func @transform_15(%arg0: i32) -> (i32, i32) {
    %c0_i32 = arith.constant 0 : i32
    %c0_i32_0 = arith.constant 0 : i32
    %c0_i32_1 = arith.constant 0 : i32
    return %c0_i32, %c0_i32_0 : i32, i32
  }
  func.func @transform_16(%arg0: i32) -> (i32, i32) {
    %c0_i32 = arith.constant 0 : i32
    %c0_i32_0 = arith.constant 0 : i32
    %c0_i32_1 = arith.constant 0 : i32
    return %c0_i32, %c0_i32_0 : i32, i32
  }
  func.func @transform_17(%arg0: i32) -> (i32, i32) {
    %c0_i32 = arith.constant 0 : i32
    %c0_i32_0 = arith.constant 0 : i32
    %c0_i32_1 = arith.constant 0 : i32
    return %c0_i32, %c0_i32_0 : i32, i32
  }
  func.func @transform_18(%arg0: i32) -> (i32, i32) {
    %c0_i32 = arith.constant 0 : i32
    %c0_i32_0 = arith.constant 0 : i32
    %c0_i32_1 = arith.constant 0 : i32
    return %c0_i32, %c0_i32_0 : i32, i32
  }
  func.func @transform_19(%arg0: i32) -> (i32, i32) {
    %c0_i32 = arith.constant 0 : i32
    %c0_i32_0 = arith.constant 0 : i32
    return %arg0, %c0_i32 : i32, i32
  }
  func.func @transform_20(%arg0: i32) -> (i32, i32) {
    %c0_i32 = arith.constant 0 : i32
    %c0_i32_0 = arith.constant 0 : i32
    return %arg0, %c0_i32 : i32, i32
  }
}

module attributes {stable_mosaic.version = 14 : i64} {
  func.func @_edge_body(%arg0: i32, %arg1: memref<16000x128xf32, #tpu.memory_space<vmem>>, %arg2: memref<16000x128xf32, #tpu.memory_space<vmem>>, %arg3: memref<1000x128xf32, #tpu.memory_space<vmem>>, %arg4: memref<128x128xf32, #tpu.memory_space<vmem>>, %arg5: memref<1x128xf32, #tpu.memory_space<vmem>>, %arg6: memref<128x128xf32, #tpu.memory_space<vmem>>, %arg7: memref<128x128xf32, #tpu.memory_space<vmem>>, %arg8: memref<1x128xf32, #tpu.memory_space<vmem>>, %arg9: memref<128x128xf32, #tpu.memory_space<vmem>>, %arg10: memref<1x128xf32, #tpu.memory_space<vmem>>, %arg11: memref<1x128xf32, #tpu.memory_space<vmem>>, %arg12: memref<1x128xf32, #tpu.memory_space<vmem>>, %arg13: memref<16000x128xf32, #tpu.memory_space<vmem>>) attributes {dimension_semantics = [#tpu.dimension_semantics<arbitrary>], iteration_bounds = array<i64: 10>, scalar_prefetch = 0 : i64, scratch_operands = 0 : i64, tpu.core_type = #tpu.core_type<tc>, window_params = [{transform_indices = @transform_0, window_bounds = array<i64: 16000, 128>}, {transform_indices = @transform_1, window_bounds = array<i64: 16000, 128>}, {transform_indices = @transform_2, window_bounds = array<i64: 1000, 128>}, {pipeline_mode = #tpu.pipeline_mode<synchronous>, transform_indices = @transform_3, window_bounds = array<i64: 128, 128>}, {pipeline_mode = #tpu.pipeline_mode<synchronous>, transform_indices = @transform_4, window_bounds = array<i64: 1, 128>}, {pipeline_mode = #tpu.pipeline_mode<synchronous>, transform_indices = @transform_5, window_bounds = array<i64: 128, 128>}, {pipeline_mode = #tpu.pipeline_mode<synchronous>, transform_indices = @transform_6, window_bounds = array<i64: 128, 128>}, {pipeline_mode = #tpu.pipeline_mode<synchronous>, transform_indices = @transform_7, window_bounds = array<i64: 1, 128>}, {pipeline_mode = #tpu.pipeline_mode<synchronous>, transform_indices = @transform_8, window_bounds = array<i64: 128, 128>}, {pipeline_mode = #tpu.pipeline_mode<synchronous>, transform_indices = @transform_9, window_bounds = array<i64: 1, 128>}, {pipeline_mode = #tpu.pipeline_mode<synchronous>, transform_indices = @transform_10, window_bounds = array<i64: 1, 128>}, {pipeline_mode = #tpu.pipeline_mode<synchronous>, transform_indices = @transform_11, window_bounds = array<i64: 1, 128>}, {transform_indices = @transform_12, window_bounds = array<i64: 16000, 128>}]} {
    %get3A = arith.constant 0 : index
    %get3A_0 = arith.constant 0 : index
    %get3A_1 = vector.load %arg1[%get3A, %get3A_0] : memref<16000x128xf32, #tpu.memory_space<vmem>>, vector<16000x128xf32>
    %get3A_2 = arith.constant 0 : index
    %get3A_3 = arith.constant 0 : index
    %get3A_4 = vector.load %arg3[%get3A_2, %get3A_3] : memref<1000x128xf32, #tpu.memory_space<vmem>>, vector<1000x128xf32>
    %get3A_5 = arith.constant 0 : index
    %get3A_6 = arith.constant 0 : index
    %get3A_7 = vector.load %arg4[%get3A_5, %get3A_6] : memref<128x128xf32, #tpu.memory_space<vmem>>, vector<128x128xf32>
    %dot_general3A = arith.constant dense<0.000000e+00> : vector<1000x128xf32>
    %dot_general3A_8 = tpu.matmul %get3A_4, %get3A_7, %dot_general3A {dimension_numbers = #tpu.dot_dimension_numbers<[1], [0], [0], [1], [0, 0, 1, 1], [], []>, transpose_lhs_hint = false} : vector<1000x128xf32>, vector<128x128xf32>, vector<1000x128xf32> -> vector<1000x128xf32>
    %get3A_9 = arith.constant 0 : index
    %get3A_10 = arith.constant 0 : index
    %get3A_11 = vector.load %arg5[%get3A_9, %get3A_10] : memref<1x128xf32, #tpu.memory_space<vmem>>, vector<1x128xf32>
    %add3A = vector.broadcast %get3A_11 : vector<1x128xf32> to vector<1000x128xf32>
    %add3A_12 = arith.addf %dot_general3A_8, %add3A : vector<1000x128xf32>
    %get3A_13 = arith.constant 0 : index
    %get3A_14 = arith.constant 0 : index
    %get3A_15 = vector.load %arg6[%get3A_13, %get3A_14] : memref<128x128xf32, #tpu.memory_space<vmem>>, vector<128x128xf32>
    %dot_general3A_16 = arith.constant dense<0.000000e+00> : vector<16000x128xf32>
    %dot_general3A_17 = tpu.matmul %get3A_1, %get3A_15, %dot_general3A_16 {dimension_numbers = #tpu.dot_dimension_numbers<[1], [0], [0], [1], [0, 0, 1, 1], [], []>, transpose_lhs_hint = false} : vector<16000x128xf32>, vector<128x128xf32>, vector<16000x128xf32> -> vector<16000x128xf32>
    %get3A_18 = arith.constant 0 : index
    %get3A_19 = arith.constant 0 : index
    %get3A_20 = vector.load %arg2[%get3A_18, %get3A_19] : memref<16000x128xf32, #tpu.memory_space<vmem>>, vector<16000x128xf32>
    %add3A_21 = arith.addf %dot_general3A_17, %get3A_20 : vector<16000x128xf32>
    %reshape3A = vector.shape_cast %add3A_21 : vector<16000x128xf32> to vector<1000x16x128xf32>
    %broadcast_in_dim3A = vector.shape_cast %add3A_12 : vector<1000x128xf32> to vector<1000x1x128xf32>
    %add3A_22 = vector.broadcast %broadcast_in_dim3A : vector<1000x1x128xf32> to vector<1000x16x128xf32>
    %add3A_23 = arith.addf %reshape3A, %add3A_22 : vector<1000x16x128xf32>
    %reshape3A_24 = vector.shape_cast %add3A_23 : vector<1000x16x128xf32> to vector<16000x128xf32>
    %mul3A = arith.constant 5.000000e-01 : f32
    %mul3A_25 = vector.broadcast %mul3A : f32 to vector<16000x128xf32>
    %mul3A_26 = arith.mulf %mul3A_25, %reshape3A_24 : vector<16000x128xf32>
    %mul3A_27 = arith.constant 0.707106769 : f32
    %mul3A_28 = vector.broadcast %mul3A_27 : f32 to vector<16000x128xf32>
    %mul3A_29 = arith.mulf %reshape3A_24, %mul3A_28 : vector<16000x128xf32>
    %erf3A = math.erf %mul3A_29 : vector<16000x128xf32>
    %add3A_30 = arith.constant 1.000000e+00 : f32
    %add3A_31 = vector.broadcast %add3A_30 : f32 to vector<16000x128xf32>
    %add3A_32 = arith.addf %add3A_31, %erf3A : vector<16000x128xf32>
    %mul3A_33 = arith.mulf %mul3A_26, %add3A_32 : vector<16000x128xf32>
    %get3A_34 = arith.constant 0 : index
    %get3A_35 = arith.constant 0 : index
    %get3A_36 = vector.load %arg7[%get3A_34, %get3A_35] : memref<128x128xf32, #tpu.memory_space<vmem>>, vector<128x128xf32>
    %dot_general3A_37 = arith.constant dense<0.000000e+00> : vector<16000x128xf32>
    %dot_general3A_38 = tpu.matmul %mul3A_33, %get3A_36, %dot_general3A_37 {dimension_numbers = #tpu.dot_dimension_numbers<[1], [0], [0], [1], [0, 0, 1, 1], [], []>, transpose_lhs_hint = false} : vector<16000x128xf32>, vector<128x128xf32>, vector<16000x128xf32> -> vector<16000x128xf32>
    %get3A_39 = arith.constant 0 : index
    %get3A_40 = arith.constant 0 : index
    %get3A_41 = vector.load %arg8[%get3A_39, %get3A_40] : memref<1x128xf32, #tpu.memory_space<vmem>>, vector<1x128xf32>
    %add3A_42 = vector.broadcast %get3A_41 : vector<1x128xf32> to vector<16000x128xf32>
    %add3A_43 = arith.addf %dot_general3A_38, %add3A_42 : vector<16000x128xf32>
    %mul3A_44 = arith.constant 5.000000e-01 : f32
    %mul3A_45 = vector.broadcast %mul3A_44 : f32 to vector<16000x128xf32>
    %mul3A_46 = arith.mulf %mul3A_45, %add3A_43 : vector<16000x128xf32>
    %mul3A_47 = arith.constant 0.707106769 : f32
    %mul3A_48 = vector.broadcast %mul3A_47 : f32 to vector<16000x128xf32>
    %mul3A_49 = arith.mulf %add3A_43, %mul3A_48 : vector<16000x128xf32>
    %erf3A_50 = math.erf %mul3A_49 : vector<16000x128xf32>
    %add3A_51 = arith.constant 1.000000e+00 : f32
    %add3A_52 = vector.broadcast %add3A_51 : f32 to vector<16000x128xf32>
    %add3A_53 = arith.addf %add3A_52, %erf3A_50 : vector<16000x128xf32>
    %mul3A_54 = arith.mulf %mul3A_46, %add3A_53 : vector<16000x128xf32>
    %get3A_55 = arith.constant 0 : index
    %get3A_56 = arith.constant 0 : index
    %get3A_57 = vector.load %arg9[%get3A_55, %get3A_56] : memref<128x128xf32, #tpu.memory_space<vmem>>, vector<128x128xf32>
    %dot_general3A_58 = arith.constant dense<0.000000e+00> : vector<16000x128xf32>
    %dot_general3A_59 = tpu.matmul %mul3A_54, %get3A_57, %dot_general3A_58 {dimension_numbers = #tpu.dot_dimension_numbers<[1], [0], [0], [1], [0, 0, 1, 1], [], []>, transpose_lhs_hint = false} : vector<16000x128xf32>, vector<128x128xf32>, vector<16000x128xf32> -> vector<16000x128xf32>
    %get3A_60 = arith.constant 0 : index
    %get3A_61 = arith.constant 0 : index
    %get3A_62 = vector.load %arg10[%get3A_60, %get3A_61] : memref<1x128xf32, #tpu.memory_space<vmem>>, vector<1x128xf32>
    %add3A_63 = vector.broadcast %get3A_62 : vector<1x128xf32> to vector<16000x128xf32>
    %add3A_64 = arith.addf %dot_general3A_59, %add3A_63 : vector<16000x128xf32>
    %add3A_65 = arith.addf %get3A_1, %add3A_64 : vector<16000x128xf32>
    %get3A_66 = arith.constant 0 : index
    %get3A_67 = arith.constant 0 : index
    %get3A_68 = vector.load %arg11[%get3A_66, %get3A_67] : memref<1x128xf32, #tpu.memory_space<vmem>>, vector<1x128xf32>
    %get3A_69 = arith.constant 0 : index
    %get3A_70 = arith.constant 0 : index
    %get3A_71 = vector.load %arg12[%get3A_69, %get3A_70] : memref<1x128xf32, #tpu.memory_space<vmem>>, vector<1x128xf32>
    %reduce_sum3A = arith.constant dense<0.000000e+00> : vector<16000xf32>
    %reduce_sum3A_72 = vector.multi_reduction <add>, %add3A_65, %reduce_sum3A [1] : vector<16000x128xf32> to vector<16000xf32>
    %broadcast_in_dim3A_73 = vector.shape_cast %reduce_sum3A_72 : vector<16000xf32> to vector<16000x1xf32>
    %div3A = arith.constant 1.280000e+02 : f32
    %div3A_74 = vector.broadcast %div3A : f32 to vector<16000x1xf32>
    %div3A_75 = arith.divf %broadcast_in_dim3A_73, %div3A_74 : vector<16000x1xf32>
    %sub3A = vector.broadcast %div3A_75 : vector<16000x1xf32> to vector<16000x128xf32>
    %sub3A_76 = arith.subf %add3A_65, %sub3A : vector<16000x128xf32>
    %integer_pow3A = arith.mulf %sub3A_76, %sub3A_76 : vector<16000x128xf32>
    %reduce_sum3A_77 = arith.constant dense<0.000000e+00> : vector<16000xf32>
    %reduce_sum3A_78 = vector.multi_reduction <add>, %integer_pow3A, %reduce_sum3A_77 [1] : vector<16000x128xf32> to vector<16000xf32>
    %broadcast_in_dim3A_79 = vector.shape_cast %reduce_sum3A_78 : vector<16000xf32> to vector<16000x1xf32>
    %div3A_80 = arith.constant 1.280000e+02 : f32
    %div3A_81 = vector.broadcast %div3A_80 : f32 to vector<16000x1xf32>
    %div3A_82 = arith.divf %broadcast_in_dim3A_79, %div3A_81 : vector<16000x1xf32>
    %sub3A_83 = vector.broadcast %div3A_75 : vector<16000x1xf32> to vector<16000x128xf32>
    %sub3A_84 = arith.subf %add3A_65, %sub3A_83 : vector<16000x128xf32>
    %add3A_85 = arith.constant 9.99999974E-6 : f32
    %add3A_86 = vector.broadcast %add3A_85 : f32 to vector<16000x1xf32>
    %add3A_87 = arith.addf %div3A_82, %add3A_86 : vector<16000x1xf32>
    %sqrt3A = math.sqrt %add3A_87 : vector<16000x1xf32>
    %div3A_88 = vector.broadcast %sqrt3A : vector<16000x1xf32> to vector<16000x128xf32>
    %div3A_89 = arith.divf %sub3A_84, %div3A_88 : vector<16000x128xf32>
    %mul3A_90 = vector.broadcast %get3A_68 : vector<1x128xf32> to vector<16000x128xf32>
    %mul3A_91 = arith.mulf %div3A_89, %mul3A_90 : vector<16000x128xf32>
    %add3A_92 = vector.broadcast %get3A_71 : vector<1x128xf32> to vector<16000x128xf32>
    %add3A_93 = arith.addf %mul3A_91, %add3A_92 : vector<16000x128xf32>
    %swap3A = arith.constant 0 : index
    %swap3A_94 = arith.constant 0 : index
    %swap3A_95 = vector.load %arg13[%swap3A, %swap3A_94] : memref<16000x128xf32, #tpu.memory_space<vmem>>, vector<16000x128xf32>
    tpu.vector_store %arg13[%swap3A, %swap3A_94], %add3A_93 {strides = array<i32>} : memref<16000x128xf32, #tpu.memory_space<vmem>>, vector<16000x128xf32>,
    return
  }
  func.func @transform_0(%arg0: i32) -> (i32, i32) {
    %add3A = arith.constant 0 : i32
    %add3A_0 = arith.addi %arg0, %add3A : i32
    %c0_i32 = arith.constant 0 : i32
    %c0_i32_1 = arith.constant 0 : i32
    return %add3A_0, %c0_i32 : i32, i32
  }
  func.func @transform_1(%arg0: i32) -> (i32, i32) {
    %c0_i32 = arith.constant 0 : i32
    %c0_i32_0 = arith.constant 0 : i32
    return %arg0, %c0_i32 : i32, i32
  }
  func.func @transform_2(%arg0: i32) -> (i32, i32) {
    %add3A = arith.constant 0 : i32
    %add3A_0 = arith.addi %arg0, %add3A : i32
    %c0_i32 = arith.constant 0 : i32
    %c0_i32_1 = arith.constant 0 : i32
    return %add3A_0, %c0_i32 : i32, i32
  }
  func.func @transform_3(%arg0: i32) -> (i32, i32) {
    %c0_i32 = arith.constant 0 : i32
    %c0_i32_0 = arith.constant 0 : i32
    %c0_i32_1 = arith.constant 0 : i32
    return %c0_i32, %c0_i32_0 : i32, i32
  }
  func.func @transform_4(%arg0: i32) -> (i32, i32) {
    %c0_i32 = arith.constant 0 : i32
    %c0_i32_0 = arith.constant 0 : i32
    %c0_i32_1 = arith.constant 0 : i32
    return %c0_i32, %c0_i32_0 : i32, i32
  }
  func.func @transform_5(%arg0: i32) -> (i32, i32) {
    %c0_i32 = arith.constant 0 : i32
    %c0_i32_0 = arith.constant 0 : i32
    %c0_i32_1 = arith.constant 0 : i32
    return %c0_i32, %c0_i32_0 : i32, i32
  }
  func.func @transform_6(%arg0: i32) -> (i32, i32) {
    %c0_i32 = arith.constant 0 : i32
    %c0_i32_0 = arith.constant 0 : i32
    %c0_i32_1 = arith.constant 0 : i32
    return %c0_i32, %c0_i32_0 : i32, i32
  }
  func.func @transform_7(%arg0: i32) -> (i32, i32) {
    %c0_i32 = arith.constant 0 : i32
    %c0_i32_0 = arith.constant 0 : i32
    %c0_i32_1 = arith.constant 0 : i32
    return %c0_i32, %c0_i32_0 : i32, i32
  }
  func.func @transform_8(%arg0: i32) -> (i32, i32) {
    %c0_i32 = arith.constant 0 : i32
    %c0_i32_0 = arith.constant 0 : i32
    %c0_i32_1 = arith.constant 0 : i32
    return %c0_i32, %c0_i32_0 : i32, i32
  }
  func.func @transform_9(%arg0: i32) -> (i32, i32) {
    %c0_i32 = arith.constant 0 : i32
    %c0_i32_0 = arith.constant 0 : i32
    %c0_i32_1 = arith.constant 0 : i32
    return %c0_i32, %c0_i32_0 : i32, i32
  }
  func.func @transform_10(%arg0: i32) -> (i32, i32) {
    %c0_i32 = arith.constant 0 : i32
    %c0_i32_0 = arith.constant 0 : i32
    %c0_i32_1 = arith.constant 0 : i32
    return %c0_i32, %c0_i32_0 : i32, i32
  }
  func.func @transform_11(%arg0: i32) -> (i32, i32) {
    %c0_i32 = arith.constant 0 : i32
    %c0_i32_0 = arith.constant 0 : i32
    %c0_i32_1 = arith.constant 0 : i32
    return %c0_i32, %c0_i32_0 : i32, i32
  }
  func.func @transform_12(%arg0: i32) -> (i32, i32) {
    %add3A = arith.constant 0 : i32
    %add3A_0 = arith.addi %arg0, %add3A : i32
    %c0_i32 = arith.constant 0 : i32
    %c0_i32_1 = arith.constant 0 : i32
    return %add3A_0, %c0_i32 : i32, i32
  }
}

</mosaic_0001>

<sc_bundles>
// kernel: kernel.10.cloned.1.call-start
scs
__scs_entry_jumppad:
0x0: {  	(pc) =	sbr.rel $0x88, $3  }
0x1: {  	(tag) =	ssettag $0x0;
	lr =	simm.s32 $0x1  }
0x2: {  	[smem:$0x3F88] =	sst lr;
	_ =	strace $0xD0000000  }
0x3: {  	_ = 	snop  }
0x4: {  	_ = 	snop  }
0x5: {  	_ = 	snop  }
0x6: {  	_ = 	snop  }
0x7: {  	_ = 	snop  }
__scs_overlays_trampoline_lowered:
0x8: {  	[smem:$0x3F97] =	sst s0  }
0x9: {  	[smem:$0x3F98] =	sst s1  }
0xa: {  	[smem:$0x3F99] =	sst s2  }
0xb: {  	[smem:$0x3F9A] =	sst s3  }
0xc: {  	[smem:$0x3F9B] =	sst s4  }
0xd: {  	[smem:$0x3F9C] =	sst s5  }
0xe: {  	[smem:$0x3F9D] =	sst s6  }
0xf: {  	[smem:$0x3F9E] =	sst s7  }
0x10: {  	[smem:$0x3F9F] =	sst s8  }
0x11: {  	[smem:$0x3FA0] =	sst s9;
	s0 =	simm.s32 @!p0 $0x0  }
0x12: {  	s1 =	sld [smem:$0x3F86];
	s0 =	simm.s32 @p0 $0x1  }
0x13: {  	[smem:$0x3FA1] =	sst s0;
	s0 =	simm.s32 @!p1 $0x0  }
0x14: {  	s2 =	sld [smem:$0x3F85];
	s0 =	simm.s32 @p1 $0x1  }
0x15: {  	[smem:$0x3FA2] =	sst s0;
	s0 =	simm.s32 @!p2 $0x0  }
0x16: {  	s3 =	sld [smem:$0x3FDB];
	s0 =	simm.s32 @p2 $0x1  }
0x17: {  	s4 =	simm.s32 $0x1BF5;
	[smem:$0x3FA4] =	sst s0  }
0x18: {  	s0 =	sld [smem:$0x3F87];
	_ =	swait.ge [sflag:s4], $0x0  }
0x19: {  	s7 =	sld [smem:$0x3F88]  }
0x1a: {  	s8 =	sadd.s32 $0xFFFFE003, lr  }
0x1b: {  	s9 =	sadd.s32 $0xFFFFFEF7, lr;
	s5 =	simm.s32 $0xFFFFFFFF;
	p2 =	slt.u32 s8, $0xFFFFF086  }
0x1c: {  	p1 =	slt.u32 s9, $0xF7A;
	s5 =	simm.s32 @!p2 $0x0  }
0x1d: {  	s5 =	simm.s32 @p1 $0x1;
	p0 =	seq.s32 s7, s2  }
0x1e: {  	s7 =	smul.u32 @!p0 $0xF7A, s2;
	p2 =	seq.s32 @!p0 s5, $0x0  }
0x1f: {  	s9 =	smul.u32 $0xF7A, s1;
	s8 =	simm.s32 @!p0 $0x1BF5;
	p2 =	por !p2, p0  }
0x20: {  	[sflag:s8] =	ssyncset.s32 @!p0 $0xFFFFF086;
	s6 =	sadd.s32 @!p0 s3, s7;
	s7 =	simm.s32 @!p0 $0x108  }
0x21: {  	s3 =	sadd.s32 s3, s9;
	s6 =	sadd.s32 @!p0 $0x88, s6;
	s7 =	simm.s32 @p2 $0x1082  }
0x22: {  	[simem:s7], [sflag:s8] =	dma.local @!p0 [hbm:s6], $0xF7A  }
0x23: {  	s9 =	sor.u32 $0xD0000000, s2;
	s6 =	simm.s32 $0x108;
	_ =	swait.ge @!p0 [sflag:s8], $0x0  }
0x24: {  	s3 =	sadd.s32 $0x88, s3;
	s6 =	simm.s32 @!p1 $0x1082;
	[sflag:s4] =	ssyncset.s32 $0xFFFFF086  }
0x25: {  	[simem:s6], [sflag:s4] =	dma.local [hbm:s3], $0xF7A  }
0x26: {  	[smem:$0x3F88] =	sst s1;
	(tag) =	ssettag s2;
	_ =	strace s9  }
0x27: {  	s1 =	sld [smem:$0x3F98]  }
0x28: {  	s2 =	sld [smem:$0x3F99]  }
0x29: {  	s4 =	sld [smem:$0x3F9B]  }
0x2a: {  	p0 =	seq.s32 s5, $0x0;
	s5 =	sld [smem:$0x3F9C]  }
0x2b: {  	s6 =	sld [smem:$0x3F9D]  }
0x2c: {  	s7 =	sld [smem:$0x3F9E]  }
0x2d: {  	s3 =	simm.s32 $0x108;
	s8 =	sld [smem:$0x3F9F]  }
0x2e: {  	s3 =	simm.s32 @!p0 $0x1082;
	s9 =	sld [smem:$0x3FA0]  }
0x2f: {  	lr =	sadd.s32 s0, s3;
	s0 =	sld [smem:$0x3F97]  }
0x30: {  	s3 =	sld [smem:$0x3F9A]  }
0x31: {  	[smem:$0x3FA3] =	sst s10  }
0x32: {  	s10 =	sld [smem:$0x3FA1];
	_ =	sdelay $0x3  }
0x33: {  	p0 =	seq.s32 s10, $0x1;
	s10 =	sld [smem:$0x3FA3];
	_ =	sdelay $0x3  }
0x34: {  	[smem:$0x3FA3] =	sst s10  }
0x35: {  	s10 =	sld [smem:$0x3FA2];
	_ =	sdelay $0x3  }
0x36: {  	p1 =	seq.s32 s10, $0x1;
	s10 =	sld [smem:$0x3FA3];
	_ =	sdelay $0x3  }
0x37: {  	[smem:$0x3FA3] =	sst s10  }
0x38: {  	s10 =	sld [smem:$0x3FA4]  }
0x39: {  	_ = 	snop;
	(pc) =	sbr.ind lr, $3  }
0x3a: {  	_ = 	snop  }
0x3b: {  	_ = 	snop  }
0x3c: {  	p2 =	seq.s32 s10, $0x1;
	s10 =	sld [smem:$0x3FA3]  }
0x3d: {  	_ =	shalt  }
0x3e: {  	_ =	shalt  }
0x3f: {  	_ =	shalt  }
0x40: {  	_ =	shalt  }
0x41: {  	_ =	shalt  }
0x42: {  	_ =	shalt  }
0x43: {  	_ =	shalt  }
0x44: {  	_ =	shalt  }
0x45: {  	_ =	shalt  }
0x46: {  	_ =	shalt  }
0x47: {  	_ =	shalt  }
0x48: {  	_ =	shalt  }
0x49: {  	_ =	shalt  }
0x4a: {  	_ =	shalt  }
0x4b: {  	_ =	shalt  }
0x4c: {  	_ =	shalt  }
0x4d: {  	_ =	shalt  }
0x4e: {  	_ =	shalt  }
0x4f: {  	_ =	shalt  }
0x50: {  	_ =	shalt  }
0x51: {  	_ =	shalt  }
0x52: {  	_ =	shalt  }
0x53: {  	_ =	shalt  }
0x54: {  	_ =	shalt  }
0x55: {  	_ =	shalt  }
0x56: {  	_ =	shalt  }
0x57: {  	_ =	shalt  }
0x58: {  	_ =	shalt  }
0x59: {  	_ =	shalt  }
0x5a: {  	_ =	shalt  }
0x5b: {  	_ =	shalt  }
0x5c: {  	_ =	shalt  }
0x5d: {  	_ =	shalt  }
0x5e: {  	_ =	shalt  }
0x5f: {  	_ =	shalt  }
0x60: {  	_ =	shalt  }
0x61: {  	_ =	shalt  }
0x62: {  	_ =	shalt  }
0x63: {  	_ =	shalt  }
0x64: {  	_ =	shalt  }
0x65: {  	_ =	shalt  }
0x66: {  	_ =	shalt  }
0x67: {  	_ =	shalt  }
0x68: {  	_ =	shalt  }
0x69: {  	_ =	shalt  }
0x6a: {  	_ =	shalt  }
0x6b: {  	_ =	shalt  }
0x6c: {  	_ =	shalt  }
0x6d: {  	_ =	shalt  }
0x6e: {  	_ =	shalt  }
0x6f: {  	_ =	shalt  }
0x70: {  	_ =	shalt  }
0x71: {  	_ =	shalt  }
0x72: {  	_ =	shalt  }
0x73: {  	_ =	shalt  }
0x74: {  	_ =	shalt  }
0x75: {  	_ =	shalt  }
0x76: {  	_ =	shalt  }
0x77: {  	_ =	shalt  }
0x78: {  	_ =	shalt  }
0x79: {  	_ =	shalt  }
0x7a: {  	_ =	shalt  }
0x7b: {  	_ =	shalt  }
0x7c: {  	_ =	shalt  }
0x7d: {  	_ =	shalt  }
0x7e: {  	_ =	shalt  }
0x7f: {  	_ =	shalt  }
0x80: {  	_ =	shalt  }
0x81: {  	_ =	shalt  }
0x82: {  	_ =	shalt  }
0x83: {  	_ =	shalt  }
0x84: {  	_ =	shalt  }
0x85: {  	_ =	shalt  }
0x86: {  	_ =	shalt  }
0x87: {  	_ =	shalt  }
.Lfunc_end0:
.L_simem_size_0:
called_computation.1_lowered:
.L_overlay_start_0:
0x88: {  	s2 =	sld [smem:$0x3FD9]  }
0x89: {  	s3 =	sld [smem:$0x3FFE];
	_ =	sdelay $0x1  }
0x8a: {  	s1 =	srdreg.scid  }
0x8b: {  	s0 =	sand.u32 $0x1, s1  }
0x8c: {  	s16 =	sshll.u32 s0, $0xA;
	s2 =	sadd.s32 s3, s2  }
0x8d: {  	s2 =	sadd.s32 s2, s16  }
0x8e: {  	[smem:$0x3FAF] =	sst s2  }
0x8f: {  	_ = 	snop  }
0x90: {  	(tm) =	ssettm $0x1  }
0x91: {  	s17 =	sld [smem:$0x3FFB];
	_ =	sdelay $0x3  }
0x92: {  	_ =	strace s17  }
0x93: {  	s2 =	sld [smem:$0x3FFC];
	_ =	sdelay $0x3  }
0x94: {  	_ =	strace s2  }
0x95: {  	s2 =	sld [smem:$0x3FFD];
	_ =	sdelay $0x3  }
0x96: {  	_ =	strace s2  }
0x97: {  	_ =	strace $0x8FFFFFFF  }
0x98: {  	s18 =	sld [smem:$0x3FDB];
	_ =	sdelay $0x1  }
0x99: {  	s19 =	simm.s32 $_scs_section_size  }
0x9a: {  	s4 =	simm.s32 $_size__tile_overlayer_lowered;
	s5 =	simm.s32 $_tile_overlayer_lowered  }
0x9b: {  	s22 =	simm.s32 $0x1BFF;
	s21 =	sshll.u32 s5, $0x1;
	s2 =	sadd.s32 s19, s18  }
0x9c: {  	s6 =	simm.s32 $0x0;
	s20 =	sshll.u32 s4, $0x1;
	s4 =	sadd.s32 s21, s2  }
0x9d: {  	[timem:s6], [sflag:s22] =	dma.local [hbm:s4], s20  }
0x9e: {  	_ =	swait.ge [sflag:s22], s20  }
0x9f: {  	s3 =	ssub.s32 $0x0, s20;
	[sflag:s22] =	ssyncset.done $0x0  }
0xa0: {  	[sflag:s22] =	ssyncadd.s32 s3;
	_ =	sdelay $0x1  }
0xa1: {  	s23 =	simm.s32 $0x1B8B  }
0xa2: {  	_ =	swait.ge [sflag:s23], $0x1  }
0xa3: {  	[sflag:s23] =	ssyncset.done $0x0  }
0xa4: {  	s25 =	simm.s32 $0x1B8E;
	s24 =	sld [smem:$0x3FFE];
	[sflag:s23] =	ssyncadd.s32 $0xFFFFFFFF  }
0xa5: {  	s26 =	simm.s32 $execute0_lowered;
	[smem:$0x3FD2] =	sst s25  }
0xa6: {  	s4 =	sshll.u32 s26, $0x1;
	_ =	strace $0x80000049;
	[dreg:$0x1] =	wrdreg $0xFFFFFFFF  }
0xa7: {  	s28 =	simm.s32 $_size_execute0_lowered;
	s2 =	sadd.s32 s2, s4;
	[dreg:$0x0] =	wrdreg $0x0  }
0xa8: {  	s4 =	sshll.u32 s28, $0x1;
	[dreg:$0x2] =	wrdreg s2  }
0xa9: {  	[dreg:$0x3] =	wrdreg s4  }
0xaa: {  	[dreg:$0x4] =	wrdreg $0xC0  }
0xab: {  	_ =	task [dreg:s6], $0x5FFFF  }
0xac: {  	[dreg:$0x1] =	wrdreg $0xFFFFFFFF  }
0xad: {  	[dreg:$0x0] =	wrdreg $0x60  }
0xae: {  	[dreg:$0x2] =	wrdreg s24  }
0xaf: {  	[dreg:$0x3] =	wrdreg $0x9  }
0xb0: {  	_ =	task.clear_ibuf [dreg:s6], $0x4FFFF;
	_ =	strace $0x90000049  }
0xb1: {  	s29 =	simm.s32 $0x9;
	_ =	strace $0x8000004B  }
0xb2: {  	_ =	swait.ge [sflag:s29], $0x1  }
0xb3: {  	[sflag:s29] =	ssyncadd.s32 $0xFFFFFFFF  }
0xb4: {  	_ =	strace $0x9000004B  }
0xb5: {  	_ =	sfence  }
0xb6: {  	s30 =	sld [smem:$0x0];
	_ =	sdelay $0x2  }
0xb7: {  	s31 =	sshll.u32 s1, $0xD;
	s1 =	sshrl.u32 s1, $0x2  }
0xb8: {  	s3 =	sand.u32 $0x4000, s31;
	s1 =	sadd.s32 s1, s30  }
0xb9: {  	s0 =	sor.u32 s3, s0;
	s1 =	sshll.u32 s1, $0x11  }
0xba: {  	s0 =	sor.u32 s1, s0  }
0xbb: {  	s0 =	sadd.s32 $0x8F2B, s0  }
0xbc: {  	[sflag:s0] =	ssyncadd.remote.s32 $0x1  }
0xbd: {  	_ =	sfence.sel $0xFFFF  }
0xbe: {  	[dreg:$0x0] =	wrdreg $0xFFFFFFFF;
	(pc) =	sbr.abs _section_cstart, $3  }
0xbf: {  	[dreg:$0x1] =	wrdreg $0xFFFFFFFF  }
0xc0: {  	_ =	task.clear_ibuf [dreg:s6], $0x2FFFF;
	_ =	strace $0x9FFFFFFF  }
0xc1: {  	(tm) =	ssettm $0x7FFFFFFF  }
tec
execute0_lowered:
.L_overlay_start_1:
0x0: {  	(tag) =	ssettag $0x1  }
0x1: {  	s0 =	srdreg.scid  }
0x2: {  	s5 =	stileid.u32;
	s4 =	rddreg [dreg:$0x0];
	s13 =	simm.s32 $0x80  }
0x3: {  	s14 =	simm.s32 $0x15400;
	s15 =	simm.s32 $0x1;
	s16 =	simm.s32 $0x1400  }
0x4: {  	s17 =	simm.s32 $0x2;
	s18 =	simm.s32 $0x5400;
	s19 =	simm.s32 $0x3  }
0x5: {  	s30 =	simm.s32 $0xD400;
	s0 =	sand.u32 $0x1, s0;
	s1 =	sshll.u32 s5, $0x1  }
0x6: {  	s31 =	simm.s32 $0x11400;
	s2 =	sor.u32 s0, s1;
	s1 =	simm.s32 $0x0  }
0x7: {  	s0 =	ssub.s32 $0x2, s0;
	s3 =	smul.u32 $0x27, s2;
	[smem:$0x7FF] =	sst s1  }
0x8: {  	s2 =	smin.u32 s2, $0x2;
	s7 =	sshrl.u32 s0, $0x1;
	_ =	strace $0x8000004A  }
0x9: {  	s0 =	ssub.s32 s0, s7;
	[dreg:$0x2] =	wrdreg s30;
	s2 =	sadd.s32 s2, s3  }
0xa: {  	[dreg:$0x3] =	wrdreg s31;
	s3 =	sadd.s32 $0x8C00, s4;
	s6 =	sshll.u32 s2, $0x4  }
0xb: {  	s0 =	smax.u32 s0, $0x1;
	s8 =	sshll.u32 s2, $0xB;
	s6 =	sadd.s32 s6, s4  }
0xc: {  	[dreg:$0xa] =	wrdreg s0;
	s4 =	sadd.s32 $0x2FE00, s4;
	s22 =	sadd.s32 $0x1400, s6  }
0xd: {  	s23 =	sadd.s32 s4, s8;
	s6 =	sadd.s32 $0x1670, s6;
	[dreg:$0x4] =	wrdreg s22  }
0xe: {  	s20 =	simm.s32 $0x9400;
	[dreg:$0x5] =	wrdreg s6;
	s24 =	sadd.s32 $0x12000, s23  }
0xf: {  	s21 =	simm.s32 $0x4;
	s25 =	sadd.s32 $0x12800, s23;
	[dreg:$0x6] =	wrdreg s24  }
0x10: {  	s28 =	simm.s32 $0x0;
	s26 =	sadd.s32 $0x13000, s23;
	[dreg:$0x7] =	wrdreg s25  }
0x11: {  	p0 =	sne.s32 s5, $0x0;
	s29 =	sadd.s32 $0x13800, s23;
	[dreg:$0x8] =	wrdreg s26  }
0x12: {  	s22 =	simm.s32 $0x5;
	s23 =	simm.s32 $0x6;
	[dreg:$0x9] =	wrdreg s29  }
.LBB2_1:
0x13: {  	s0 =	rddreg [dreg:$0x4];
	s24 =	simm.s32 $0xD  }
0x14: {  	[tilespmem:s1], [sflag:$0xD] =	stream.linear.gather [hbm4b:s0+s1], $0x1380, $0x38;
	[tilespmem:$0x19400] =	vst v63  }
0x15: {  	_ =	swait.ge [sflag:s24], $0x1380  }
0x16: {  	s5 =	simm.s32 @!p0 $0x0;
	[sflag:s24] =	ssyncset.done $0x0  }
0x17: {  	s6 =	simm.s32 @!p0 $0x1380;
	s0 =	rddreg [dreg:$0x5];
	[sflag:s24] =	ssyncadd.s32 $0xFFFFEC80  }
0x18: {  	[tilespmem:s6], [sflag:$0xD] =	stream.linear.gather @!p0 [hbm4b:s0+s5], $0x80, $0x38;
	[tilespmem:$0x19400] =	vst v63  }
0x19: {  	s5 =	simm.s32 @!p0 $0xD  }
0x1a: {  	_ =	swait.ge @!p0 [sflag:s5], $0x80  }
0x1b: {  	p1 =	por $0x0, $0x0;
	[sflag:s5] =	ssyncset.done @!p0 $0x0  }
0x1c: {  	[sflag:s5] =	ssyncadd.s32 @!p0 $0xFFFFFF80;
	s5 =	simm.s32 @p1 $0x7  }
0x1d: {  	_ =	swait.ge @p1 [sflag:s5], $0x4000  }
0x1e: {  	s7 =	simm.s32 @p1 $0x1400;
	[sflag:s5] =	ssyncset.done @p1 $0x0  }
0x1f: {  	s6 =	simm.s32 @p1 $0x80;
	[sflag:s5] =	ssyncadd.s32 @p1 $0xFFFFC000;
	s5 =	simm.s32 @p1 $0x8  }
0x20: {  	[tilespmem:s7], [sflag:$0x1] =	stream.indirect.gather @p1 [hbm4b:s3+s6], $0x80, s1, s6, $0xb8;
	[tilespmem:$0x19400] =	vst v63  }
0x21: {  	_ =	swait.ge @p1 [sflag:s5], $0x4000  }
0x22: {  	s8 =	simm.s32 @p1 $0x5400;
	[sflag:s5] =	ssyncset.done @p1 $0x0  }
0x23: {  	s7 =	simm.s32 @p1 $0x80;
	[sflag:s5] =	ssyncadd.s32 @p1 $0xFFFFC000;
	s5 =	simm.s32 @p1 $0x9  }
0x24: {  	[tilespmem:s8], [sflag:$0x2] =	stream.indirect.gather @p1 [hbm4b:s3+s6], $0x80, s7, s6, $0xb8;
	[tilespmem:$0x19400] =	vst v63  }
0x25: {  	_ =	swait.ge @p1 [sflag:s5], $0x4000  }
0x26: {  	s7 =	simm.s32 @p1 $0x100;
	[sflag:s5] =	ssyncset.done @p1 $0x0  }
0x27: {  	s8 =	simm.s32 @p1 $0x9400;
	[sflag:s5] =	ssyncadd.s32 @p1 $0xFFFFC000;
	s5 =	simm.s32 @p1 $0xA  }
0x28: {  	[tilespmem:s8], [sflag:$0x3] =	stream.indirect.gather @p1 [hbm4b:s3+s6], $0x80, s7, s6, $0xb8;
	[tilespmem:$0x19400] =	vst v63  }
0x29: {  	_ =	swait.ge @p1 [sflag:s5], $0x4000  }
0x2a: {  	s7 =	simm.s32 @p1 $0x180;
	[sflag:s5] =	ssyncset.done @p1 $0x0  }
0x2b: {  	s8 =	simm.s32 @p1 $0xD400;
	[sflag:s5] =	ssyncadd.s32 @p1 $0xFFFFC000;
	s5 =	simm.s32 @p1 $0xB  }
0x2c: {  	[tilespmem:s8], [sflag:$0x4] =	stream.indirect.gather @p1 [hbm4b:s3+s6], $0x80, s7, s6, $0xb8;
	[tilespmem:$0x19400] =	vst v63  }
0x2d: {  	_ =	swait.ge @p1 [sflag:s5], $0x4000  }
0x2e: {  	s7 =	simm.s32 @p1 $0x200;
	[sflag:s5] =	ssyncset.done @p1 $0x0  }
0x2f: {  	s8 =	simm.s32 @p1 $0x11400;
	[sflag:s5] =	ssyncadd.s32 @p1 $0xFFFFC000;
	s5 =	simm.s32 @p1 $0xC  }
0x30: {  	[tilespmem:s8], [sflag:$0x5] =	stream.indirect.gather @p1 [hbm4b:s3+s6], $0x80, s7, s6, $0xb8;
	[tilespmem:$0x19400] =	vst v63  }
0x31: {  	_ =	swait.ge @p1 [sflag:s5], $0x4000  }
0x32: {  	s6 =	simm.s32 @!p1 $0x80;
	[sflag:s5] =	ssyncset.done @p1 $0x0  }
0x33: {  	s7 =	simm.s32 @!p1 $0x0;
	[sflag:s5] =	ssyncadd.s32 @p1 $0xFFFFC000;
	s5 =	simm.s32 @!p1 $0x1400  }
0x34: {  	[tilespmem:s5], [sflag:$0x1] =	stream.indirect.gather @!p1 [hbm4b:s3+s6], $0x80, s7, s6, $0xb8;
	[tilespmem:$0x19400] =	vst v63  }
0x35: {  	s5 =	simm.s32 @!p1 $0x5400  }
0x36: {  	[tilespmem:s5], [sflag:$0x2] =	stream.indirect.gather @!p1 [hbm4b:s3+s6], $0x80, s6, s6, $0xb8;
	[tilespmem:$0x19400] =	vst v63  }
0x37: {  	s7 =	simm.s32 @!p1 $0x9400;
	s5 =	simm.s32 @!p1 $0x100  }
0x38: {  	[tilespmem:s7], [sflag:$0x3] =	stream.indirect.gather @!p1 [hbm4b:s3+s6], $0x80, s5, s6, $0xb8;
	[tilespmem:$0x19400] =	vst v63  }
0x39: {  	s5 =	simm.s32 @!p1 $0x180;
	s7 =	simm.s32 @!p1 $0xD400  }
0x3a: {  	[tilespmem:s7], [sflag:$0x4] =	stream.indirect.gather @!p1 [hbm4b:s3+s6], $0x80, s5, s6, $0xb8;
	[tilespmem:$0x19400] =	vst v63  }
0x3b: {  	s5 =	simm.s32 $0x5  }
0x3c: {  	s8 =	simm.s32 @!p1 $0x200;
	s7 =	simm.s32 @!p1 $0x11400;
	s5 =	simm.s32 @!p1 $0x5  }
0x3d: {  	[tilespmem:s7], [sflag:$0x5] =	stream.indirect.gather @!p1 [hbm4b:s3+s6], $0x80, s8, s6, $0xb8;
	[tilespmem:$0x19400] =	vst v63  }
0x3e: {  	s11 =	simm.s32 $0xB;
	s6 =	simm.s32 @p1 $0x0;
	s25 =	sshll.u32 s5, $0x7  }
0x3f: {  	s8 =	simm.s32 @p1 $0x4;
	s5 =	sadd.s32 s2, s5;
	s6 =	simm.s32 @!p1 $0x0  }
0x40: {  	s7 =	sand.u32 $0x3FFFFF80, s25;
	s8 =	simm.s32 @!p1 $0x4;
	s6 =	sadd.s32 s2, s6  }
0x41: {  	[tilespmem:s14], [sflag:$0x6] =	stream.indirect.gather [hbm4b:s3+s13], $0x80, s7, s13, $0xb8;
	[tilespmem:$0x19400] =	vst v63  }
0x42: {  	s7 =	simm.s32 @p1 $0x1;
	_ =	swait.ge [sflag:s15], $0x4000;
	s6 =	sshll.u32 s6, $0xB  }
0x43: {  	s7 =	simm.s32 @!p1 $0x1;
	[sflag:s15] =	ssyncset.done $0x0;
	s6 =	sand.u32 $0x1FFFF800, s6  }
0x44: {  	s7 =	sadd.s32 s2, s7;
	[sflag:s15] =	ssyncadd.s32 $0xFFFFC000;
	s6 =	sadd.s32 s4, s6  }
0x45: {  	[hbm4b:s6+s1] =	stream.linear.scatter [tilespmem:s16], [sflag:$0x7], $0x4000, $0x38;
	[tilespmem:$0x19400] =	vst v63  }
0x46: {  	s7 =	sshll.u32 s7, $0xB;
	s6 =	simm.s32 @p1 $0x2;
	_ =	swait.ge [sflag:s17], $0x4000  }
0x47: {  	s7 =	sand.u32 $0x1FFFF800, s7;
	s6 =	simm.s32 @!p1 $0x2;
	[sflag:s17] =	ssyncset.done $0x0  }
0x48: {  	s7 =	sadd.s32 s4, s7;
	s6 =	sadd.s32 s2, s6;
	[sflag:s17] =	ssyncadd.s32 $0xFFFFC000  }
0x49: {  	[hbm4b:s7+s1] =	stream.linear.scatter [tilespmem:s18], [sflag:$0x8], $0x4000, $0x38;
	[tilespmem:$0x19400] =	vst v63  }
0x4a: {  	s6 =	sshll.u32 s6, $0xB;
	s7 =	simm.s32 @p1 $0x3;
	_ =	swait.ge [sflag:s19], $0x4000  }
0x4b: {  	s6 =	sand.u32 $0x1FFFF800, s6;
	s7 =	simm.s32 @!p1 $0x3;
	[sflag:s19] =	ssyncset.done $0x0  }
0x4c: {  	s6 =	sadd.s32 s4, s6;
	s26 =	sadd.s32 s2, s7;
	[sflag:s19] =	ssyncadd.s32 $0xFFFFC000  }
0x4d: {  	[hbm4b:s6+s1] =	stream.linear.scatter [tilespmem:s20], [sflag:$0x9], $0x4000, $0x38;
	[tilespmem:$0x19400] =	vst v63  }
0x4e: {  	s5 =	sshll.u32 s5, $0xB;
	s6 =	sshll.u32 s26, $0xB;
	_ =	swait.ge [sflag:s21], $0x4000  }
0x4f: {  	s30 =	sadd.s32 s2, s8;
	s6 =	sand.u32 $0x1FFFF800, s6;
	[sflag:s21] =	ssyncset.done $0x0  }
0x50: {  	s29 =	rddreg [dreg:$0x2];
	s6 =	sadd.s32 s4, s6;
	[sflag:s21] =	ssyncadd.s32 $0xFFFFC000  }
0x51: {  	[hbm4b:s6+s1] =	stream.linear.scatter [tilespmem:s29], [sflag:$0xA], $0x4000, $0x38;
	[tilespmem:$0x19400] =	vst v63  }
0x52: {  	s5 =	sand.u32 $0x1FFFF800, s5;
	s6 =	sshll.u32 s30, $0xB;
	_ =	swait.ge [sflag:s22], $0x4000  }
0x53: {  	s9 =	sadd.s32 s4, s5;
	s6 =	sand.u32 $0x1FFFF800, s6;
	[sflag:s22] =	ssyncset.done $0x0  }
0x54: {  	s31 =	rddreg [dreg:$0x3];
	s6 =	sadd.s32 s4, s6;
	[sflag:s22] =	ssyncadd.s32 $0xFFFFC000  }
0x55: {  	[hbm4b:s6+s1] =	stream.linear.scatter [tilespmem:s31], [sflag:$0xB], $0x4000, $0x38;
	[tilespmem:$0x19400] =	vst v63  }
0x56: {  	s5 =	simm.s32 $0x300;
	p1 =	por $0x1, $0x1;
	s6 =	simm.s32 $0x11  }
.LBB2_2:
0x57: {  	_ =	swait.ge [sflag:s23], $0x4000  }
0x58: {  	s10 =	simm.s32 @p1 $0x7;
	[sflag:s23] =	ssyncset.done $0x0  }
0x59: {  	s12 =	sadd.s32 @p1 $0xFFFFFFFC, s11;
	s0 =	sadd.s32 @p1 $0xFFFFFFFD, s11;
	[sflag:s23] =	ssyncadd.s32 $0xFFFFC000  }
0x5a: {  	[hbm4b:s9+s1] =	stream.linear.scatter [tilespmem:s14], [sflag:$0xC], $0x4000, $0x38;
	[tilespmem:$0x19400] =	vst v63  }
0x5b: {  	s31 =	simm.s32 @p1 $0x80;
	s25 =	sadd.s32 @p1 $0x80, s5;
	_ =	swait.ge @p1 [sflag:s10], $0x4000  }
0x5c: {  	s24 =	simm.s32 @p1 $0x5400;
	s12 =	simm.s32 @!p1 $0x1;
	[sflag:s10] =	ssyncset.done @p1 $0x0  }
0x5d: {  	s9 =	simm.s32 @p1 $0x1400;
	[sflag:s10] =	ssyncadd.s32 @p1 $0xFFFFC000;
	s10 =	simm.s32 @p1 $0x8  }
0x5e: {  	[tilespmem:s9], [sflag:$0x1] =	stream.indirect.gather @p1 [hbm4b:s3+s31], $0x80, s5, s31, $0xb8;
	[tilespmem:$0x19400] =	vst v63  }
0x5f: {  	s0 =	simm.s32 @!p1 $0x2;
	s12 =	sadd.s32 s2, s12;
	_ =	swait.ge @p1 [sflag:s10], $0x4000  }
0x60: {  	s0 =	sadd.s32 s2, s0;
	s12 =	sshll.u32 s12, $0xB;
	[sflag:s10] =	ssyncset.done @p1 $0x0  }
0x61: {  	s9 =	sand.u32 $0x1FFFF800, s12;
	s12 =	simm.s32 @p1 $0x9;
	[sflag:s10] =	ssyncadd.s32 @p1 $0xFFFFC000  }
0x62: {  	[tilespmem:s24], [sflag:$0x2] =	stream.indirect.gather @p1 [hbm4b:s3+s31], $0x80, s25, s31, $0xb8;
	[tilespmem:$0x19400] =	vst v63  }
0x63: {  	s0 =	sshll.u32 s0, $0xB;
	_ =	swait.ge @p1 [sflag:s12], $0x4000  }
0x64: {  	s10 =	sand.u32 $0x1FFFF800, s0;
	s0 =	simm.s32 @p1 $0xA;
	[sflag:s12] =	ssyncset.done @p1 $0x0  }
0x65: {  	s24 =	sadd.s32 @p1 $0x100, s5;
	s25 =	simm.s32 @p1 $0x9400;
	[sflag:s12] =	ssyncadd.s32 @p1 $0xFFFFC000  }
0x66: {  	[tilespmem:s25], [sflag:$0x3] =	stream.indirect.gather @p1 [hbm4b:s3+s31], $0x80, s24, s31, $0xb8;
	[tilespmem:$0x19400] =	vst v63  }
0x67: {  	_ =	swait.ge @p1 [sflag:s0], $0x4000  }
0x68: {  	s26 =	sadd.s32 @p1 $0xFFFFFFFE, s11;
	s12 =	sadd.s32 @p1 $0x180, s5;
	[sflag:s0] =	ssyncset.done @p1 $0x0  }
0x69: {  	s24 =	simm.s32 @p1 $0xD400;
	[sflag:s0] =	ssyncadd.s32 @p1 $0xFFFFC000;
	s0 =	simm.s32 @p1 $0xB  }
0x6a: {  	[tilespmem:s24], [sflag:$0x4] =	stream.indirect.gather @p1 [hbm4b:s3+s31], $0x80, s12, s31, $0xb8;
	[tilespmem:$0x19400] =	vst v63  }
0x6b: {  	s30 =	smov.u32 s11;
	s26 =	simm.s32 @!p1 $0x3;
	_ =	swait.ge @p1 [sflag:s0], $0x4000  }
0x6c: {  	s29 =	simm.s32 @p1 $0x11400;
	s26 =	sadd.s32 s2, s26;
	[sflag:s0] =	ssyncset.done @p1 $0x0  }
0x6d: {  	s24 =	sadd.s32 @p1 $0x200, s5;
	[sflag:s0] =	ssyncadd.s32 @p1 $0xFFFFC000;
	s0 =	simm.s32 @p1 $0xC  }
0x6e: {  	[tilespmem:s29], [sflag:$0x5] =	stream.indirect.gather @p1 [hbm4b:s3+s31], $0x80, s24, s31, $0xb8;
	[tilespmem:$0x19400] =	vst v63  }
0x6f: {  	s30 =	simm.s32 @!p1 $0x5;
	s26 =	sshll.u32 s26, $0xB;
	_ =	swait.ge @p1 [sflag:s0], $0x4000  }
0x70: {  	s12 =	sand.u32 $0x1FFFF800, s26;
	s26 =	simm.s32 @!p1 $0x0;
	[sflag:s0] =	ssyncset.done @p1 $0x0  }
0x71: {  	s24 =	simm.s32 @!p1 $0x80;
	[sflag:s0] =	ssyncadd.s32 @p1 $0xFFFFC000;
	s0 =	simm.s32 @!p1 $0x1400  }
0x72: {  	[tilespmem:s0], [sflag:$0x1] =	stream.indirect.gather @!p1 [hbm4b:s3+s24], $0x80, s26, s24, $0xb8;
	[tilespmem:$0x19400] =	vst v63  }
0x73: {  	s8 =	sshll.u32 s30, $0x7;
	s0 =	simm.s32 @!p1 $0x5400  }
0x74: {  	[tilespmem:s0], [sflag:$0x2] =	stream.indirect.gather @!p1 [hbm4b:s3+s24], $0x80, s24, s24, $0xb8;
	[tilespmem:$0x19400] =	vst v63  }
0x75: {  	s25 =	sadd.s32 @p1 $0xFFFFFFFF, s11;
	s26 =	simm.s32 @!p1 $0x9400;
	s0 =	simm.s32 @!p1 $0x100  }
0x76: {  	[tilespmem:s26], [sflag:$0x3] =	stream.indirect.gather @!p1 [hbm4b:s3+s24], $0x80, s0, s24, $0xb8;
	[tilespmem:$0x19400] =	vst v63  }
0x77: {  	s0 =	sadd.s32 @p1 $0xFFFFFFFB, s11;
	s11 =	simm.s32 @!p1 $0x180;
	s26 =	simm.s32 @!p1 $0xD400  }
0x78: {  	[tilespmem:s26], [sflag:$0x4] =	stream.indirect.gather @!p1 [hbm4b:s3+s24], $0x80, s11, s24, $0xb8;
	[tilespmem:$0x19400] =	vst v63  }
0x79: {  	s29 =	simm.s32 @!p1 $0x11400;
	s0 =	simm.s32 @!p1 $0x0;
	s11 =	simm.s32 @!p1 $0x200  }
0x7a: {  	[tilespmem:s29], [sflag:$0x5] =	stream.indirect.gather @!p1 [hbm4b:s3+s24], $0x80, s11, s24, $0xb8;
	[tilespmem:$0x19400] =	vst v63  }
0x7b: {  	s8 =	sand.u32 $0x3FFFFF80, s8;
	s0 =	sadd.s32 s2, s0  }
0x7c: {  	[tilespmem:s14], [sflag:$0x6] =	stream.indirect.gather [hbm4b:s3+s13], $0x80, s8, s13, $0xb8;
	[tilespmem:$0x19400] =	vst v63  }
0x7d: {  	s0 =	sshll.u32 s0, $0xB;
	_ =	swait.ge [sflag:s15], $0x4000  }
0x7e: {  	s0 =	sand.u32 $0x1FFFF800, s0;
	[sflag:s15] =	ssyncset.done $0x0  }
0x7f: {  	s0 =	sadd.s32 s4, s0;
	[sflag:s15] =	ssyncadd.s32 $0xFFFFC000  }
0x80: {  	[hbm4b:s0+s1] =	stream.linear.scatter [tilespmem:s16], [sflag:$0x7], $0x4000, $0x38;
	[tilespmem:$0x19400] =	vst v63  }
0x81: {  	_ =	swait.ge [sflag:s17], $0x4000  }
0x82: {  	[sflag:s17] =	ssyncset.done $0x0  }
0x83: {  	s9 =	sadd.s32 s4, s9;
	[sflag:s17] =	ssyncadd.s32 $0xFFFFC000  }
0x84: {  	[hbm4b:s9+s1] =	stream.linear.scatter [tilespmem:s18], [sflag:$0x8], $0x4000, $0x38;
	[tilespmem:$0x19400] =	vst v63  }
0x85: {  	s7 =	smov.u32 s6;
	_ =	swait.ge [sflag:s19], $0x4000  }
0x86: {  	s6 =	sadd.s32 $0x6, s6;
	s25 =	simm.s32 @!p1 $0x4;
	[sflag:s19] =	ssyncset.done $0x0  }
0x87: {  	s10 =	sadd.s32 s4, s10;
	s25 =	sadd.s32 s2, s25;
	[sflag:s19] =	ssyncadd.s32 $0xFFFFC000  }
0x88: {  	[hbm4b:s10+s1] =	stream.linear.scatter [tilespmem:s20], [sflag:$0x9], $0x4000, $0x38;
	[tilespmem:$0x19400] =	vst v63  }
0x89: {  	p2 =	sne.s32 s6, $0x29;
	s25 =	sshll.u32 s25, $0xB;
	_ =	swait.ge [sflag:s21], $0x4000  }
0x8a: {  	s5 =	sadd.s32 $0x300, s5;
	s31 =	sadd.s32 s2, s30;
	[sflag:s21] =	ssyncset.done $0x0  }
0x8b: {  	s26 =	sadd.s32 s4, s12;
	s24 =	rddreg [dreg:$0x2];
	[sflag:s21] =	ssyncadd.s32 $0xFFFFC000  }
0x8c: {  	[hbm4b:s26+s1] =	stream.linear.scatter [tilespmem:s24], [sflag:$0xA], $0x4000, $0x38;
	[tilespmem:$0x19400] =	vst v63  }
.Ltmp0:
0x8d: {  	s30 =	sand.u32 $0x1FFFF800, s25;
	s31 =	sshll.u32 s31, $0xB;
	(pc) =	sbr.rel @p2 .LBB2_2-.Ltmp0, $4  }
0x8e: {  	s25 =	sand.u32 $0x1FFFF800, s31;
	s11 =	smov.u32 s7;
	_ =	swait.ge [sflag:s22], $0x4000  }
0x8f: {  	s31 =	sadd.s32 s4, s30;
	p1 =	sne.s32 s11, $0x5;
	[sflag:s22] =	ssyncset.done $0x0  }
0x90: {  	s9 =	sadd.s32 s4, s25;
	s29 =	rddreg [dreg:$0x3];
	[sflag:s22] =	ssyncadd.s32 $0xFFFFC000  }
0x91: {  	[hbm4b:s31+s1] =	stream.linear.scatter [tilespmem:s29], [sflag:$0xB], $0x4000, $0x38;
	[tilespmem:$0x19400] =	vst v63  }
0x92: {  	_ =	swait.ge [sflag:s23], $0x4000  }
0x93: {  	[sflag:s23] =	ssyncset.done $0x0  }
0x94: {  	s0 =	simm.s32 @p1 $0x7;
	[sflag:s23] =	ssyncadd.s32 $0xFFFFC000  }
0x95: {  	[hbm4b:s9+s1] =	stream.linear.scatter [tilespmem:s14], [sflag:$0xC], $0x4000, $0x38;
	[tilespmem:$0x19400] =	vst v63  }
0x96: {  	_ =	swait.ge @p1 [sflag:s0], $0x4000  }
0x97: {  	s6 =	simm.s32 @p1 $0x80;
	[sflag:s0] =	ssyncset.done @p1 $0x0  }
0x98: {  	s7 =	simm.s32 @p1 $0x1400;
	[sflag:s0] =	ssyncadd.s32 @p1 $0xFFFFC000;
	s0 =	simm.s32 @p1 $0x8  }
0x99: {  	[tilespmem:s7], [sflag:$0x1] =	stream.indirect.gather @p1 [hbm4b:s3+s6], $0x80, s5, s6, $0xb8;
	[tilespmem:$0x19400] =	vst v63  }
0x9a: {  	_ =	swait.ge @p1 [sflag:s0], $0x4000  }
0x9b: {  	[sflag:s0] =	ssyncset.done @p1 $0x0  }
0x9c: {  	s7 =	sadd.s32 @p1 $0x80, s5;
	[sflag:s0] =	ssyncadd.s32 @p1 $0xFFFFC000;
	s0 =	simm.s32 @p1 $0x5400  }
0x9d: {  	[tilespmem:s0], [sflag:$0x2] =	stream.indirect.gather @p1 [hbm4b:s3+s6], $0x80, s7, s6, $0xb8;
	[tilespmem:$0x19400] =	vst v63  }
0x9e: {  	s0 =	simm.s32 @p1 $0x9  }
0x9f: {  	_ =	swait.ge @p1 [sflag:s0], $0x4000  }
0xa0: {  	[sflag:s0] =	ssyncset.done @p1 $0x0  }
0xa1: {  	s7 =	sadd.s32 @p1 $0x100, s5;
	[sflag:s0] =	ssyncadd.s32 @p1 $0xFFFFC000;
	s0 =	simm.s32 @p1 $0x9400  }
0xa2: {  	[tilespmem:s0], [sflag:$0x3] =	stream.indirect.gather @p1 [hbm4b:s3+s6], $0x80, s7, s6, $0xb8;
	[tilespmem:$0x19400] =	vst v63  }
0xa3: {  	s0 =	simm.s32 @p1 $0xA  }
0xa4: {  	_ =	swait.ge @p1 [sflag:s0], $0x4000  }
0xa5: {  	[sflag:s0] =	ssyncset.done @p1 $0x0  }
0xa6: {  	s7 =	sadd.s32 @p1 $0x180, s5;
	[sflag:s0] =	ssyncadd.s32 @p1 $0xFFFFC000;
	s0 =	simm.s32 @p1 $0xD400  }
0xa7: {  	[tilespmem:s0], [sflag:$0x4] =	stream.indirect.gather @p1 [hbm4b:s3+s6], $0x80, s7, s6, $0xb8;
	[tilespmem:$0x19400] =	vst v63  }
0xa8: {  	s0 =	simm.s32 @p1 $0xB  }
0xa9: {  	_ =	swait.ge @p1 [sflag:s0], $0x4000  }
0xaa: {  	[sflag:s0] =	ssyncset.done @p1 $0x0  }
0xab: {  	s5 =	sadd.s32 @p1 $0x200, s5;
	[sflag:s0] =	ssyncadd.s32 @p1 $0xFFFFC000;
	s0 =	simm.s32 @p1 $0x11400  }
0xac: {  	[tilespmem:s0], [sflag:$0x5] =	stream.indirect.gather @p1 [hbm4b:s3+s6], $0x80, s5, s6, $0xb8;
	[tilespmem:$0x19400] =	vst v63  }
0xad: {  	s0 =	simm.s32 @p1 $0xC  }
0xae: {  	_ =	swait.ge @p1 [sflag:s0], $0x4000  }
0xaf: {  	s5 =	simm.s32 @!p1 $0x80;
	[sflag:s0] =	ssyncset.done @p1 $0x0  }
0xb0: {  	s6 =	simm.s32 @!p1 $0x0;
	[sflag:s0] =	ssyncadd.s32 @p1 $0xFFFFC000;
	s0 =	simm.s32 @!p1 $0x1400  }
0xb1: {  	[tilespmem:s0], [sflag:$0x1] =	stream.indirect.gather @!p1 [hbm4b:s3+s5], $0x80, s6, s5, $0xb8;
	[tilespmem:$0x19400] =	vst v63  }
0xb2: {  	s0 =	simm.s32 @!p1 $0x5400  }
0xb3: {  	[tilespmem:s0], [sflag:$0x2] =	stream.indirect.gather @!p1 [hbm4b:s3+s5], $0x80, s5, s5, $0xb8;
	[tilespmem:$0x19400] =	vst v63  }
0xb4: {  	s6 =	simm.s32 @!p1 $0x9400;
	s0 =	simm.s32 @!p1 $0x100  }
0xb5: {  	[tilespmem:s6], [sflag:$0x3] =	stream.indirect.gather @!p1 [hbm4b:s3+s5], $0x80, s0, s5, $0xb8;
	[tilespmem:$0x19400] =	vst v63  }
0xb6: {  	s0 =	simm.s32 @!p1 $0x180;
	s6 =	simm.s32 @!p1 $0xD400  }
0xb7: {  	[tilespmem:s6], [sflag:$0x4] =	stream.indirect.gather @!p1 [hbm4b:s3+s5], $0x80, s0, s5, $0xb8;
	[tilespmem:$0x19400] =	vst v63  }
0xb8: {  	s0 =	simm.s32 @!p1 $0x11400;
	s6 =	simm.s32 @!p1 $0x200  }
0xb9: {  	[tilespmem:s0], [sflag:$0x5] =	stream.indirect.gather @!p1 [hbm4b:s3+s5], $0x80, s6, s5, $0xb8;
	[tilespmem:$0x19400] =	vst v63  }
0xba: {  	s0 =	smov.u32 s11  }
0xbb: {  	s5 =	sadd.s32 @p1 $0xFFFFFFFB, s11;
	s0 =	simm.s32 @!p1 $0x5  }
0xbc: {  	s5 =	simm.s32 @!p1 $0x0;
	s26 =	sshll.u32 s0, $0x7  }
0xbd: {  	s5 =	sadd.s32 s2, s5;
	s6 =	sand.u32 $0x3FFFFF80, s26  }
0xbe: {  	[tilespmem:s14], [sflag:$0x6] =	stream.indirect.gather [hbm4b:s3+s13], $0x80, s6, s13, $0xb8;
	[tilespmem:$0x19400] =	vst v63  }
0xbf: {  	s5 =	sshll.u32 s5, $0xB;
	s6 =	sadd.s32 @p1 $0xFFFFFFFC, s11;
	_ =	swait.ge [sflag:s15], $0x4000  }
0xc0: {  	s5 =	sand.u32 $0x1FFFF800, s5;
	s6 =	simm.s32 @!p1 $0x1;
	[sflag:s15] =	ssyncset.done $0x0  }
0xc1: {  	s5 =	sadd.s32 s4, s5;
	s6 =	sadd.s32 s2, s6;
	[sflag:s15] =	ssyncadd.s32 $0xFFFFC000  }
0xc2: {  	[hbm4b:s5+s1] =	stream.linear.scatter [tilespmem:s16], [sflag:$0x7], $0x4000, $0x38;
	[tilespmem:$0x19400] =	vst v63  }
0xc3: {  	s6 =	sshll.u32 s6, $0xB;
	s5 =	sadd.s32 @p1 $0xFFFFFFFD, s11;
	_ =	swait.ge [sflag:s17], $0x4000  }
0xc4: {  	s6 =	sand.u32 $0x1FFFF800, s6;
	s5 =	simm.s32 @!p1 $0x2;
	[sflag:s17] =	ssyncset.done $0x0  }
0xc5: {  	s6 =	sadd.s32 s4, s6;
	s5 =	sadd.s32 s2, s5;
	[sflag:s17] =	ssyncadd.s32 $0xFFFFC000  }
0xc6: {  	[hbm4b:s6+s1] =	stream.linear.scatter [tilespmem:s18], [sflag:$0x8], $0x4000, $0x38;
	[tilespmem:$0x19400] =	vst v63  }
0xc7: {  	s5 =	sshll.u32 s5, $0xB;
	s6 =	sadd.s32 @p1 $0xFFFFFFFE, s11;
	_ =	swait.ge [sflag:s19], $0x4000  }
0xc8: {  	s5 =	sand.u32 $0x1FFFF800, s5;
	s6 =	simm.s32 @!p1 $0x3;
	[sflag:s19] =	ssyncset.done $0x0  }
0xc9: {  	s5 =	sadd.s32 s4, s5;
	s29 =	sadd.s32 s2, s6;
	[sflag:s19] =	ssyncadd.s32 $0xFFFFC000  }
0xca: {  	[hbm4b:s5+s1] =	stream.linear.scatter [tilespmem:s20], [sflag:$0x9], $0x4000, $0x38;
	[tilespmem:$0x19400] =	vst v63  }
0xcb: {  	s5 =	sshll.u32 s29, $0xB;
	_ =	swait.ge [sflag:s21], $0x4000  }
0xcc: {  	s5 =	sand.u32 $0x1FFFF800, s5;
	[sflag:s21] =	ssyncset.done $0x0  }
0xcd: {  	s30 =	rddreg [dreg:$0x2];
	s5 =	sadd.s32 s4, s5;
	[sflag:s21] =	ssyncadd.s32 $0xFFFFC000  }
0xce: {  	[hbm4b:s5+s1] =	stream.linear.scatter [tilespmem:s30], [sflag:$0xA], $0x4000, $0x38;
	[tilespmem:$0x19400] =	vst v63  }
0xcf: {  	s5 =	sadd.s32 @p1 $0xFFFFFFFF, s11  }
0xd0: {  	s5 =	simm.s32 @!p1 $0x4  }
0xd1: {  	s5 =	sadd.s32 s2, s5  }
0xd2: {  	_ =	swait.ge [sflag:s22], $0x4000;
	s5 =	sshll.u32 s5, $0xB  }
0xd3: {  	s0 =	sadd.s32 s2, s0;
	[sflag:s22] =	ssyncset.done $0x0;
	s5 =	sand.u32 $0x1FFFF800, s5  }
0xd4: {  	s31 =	rddreg [dreg:$0x3];
	[sflag:s22] =	ssyncadd.s32 $0xFFFFC000;
	s5 =	sadd.s32 s4, s5  }
0xd5: {  	[hbm4b:s5+s1] =	stream.linear.scatter [tilespmem:s31], [sflag:$0xB], $0x4000, $0x38;
	[tilespmem:$0x19400] =	vst v63  }
0xd6: {  	s0 =	sshll.u32 s0, $0xB;
	_ =	swait.ge [sflag:s23], $0x4000  }
0xd7: {  	s0 =	sand.u32 $0x1FFFF800, s0;
	[sflag:s23] =	ssyncset.done $0x0  }
0xd8: {  	s0 =	sadd.s32 s4, s0;
	s6 =	simm.s32 $0x7;
	[sflag:s23] =	ssyncadd.s32 $0xFFFFC000  }
0xd9: {  	[hbm4b:s0+s1] =	stream.linear.scatter [tilespmem:s14], [sflag:$0xC], $0x4000, $0x38;
	[tilespmem:$0x19400] =	vst v63  }
0xda: {  	_ =	swait.ge [sflag:s6], $0x4000  }
0xdb: {  	[sflag:s6] =	ssyncset.done $0x0  }
0xdc: {  	s7 =	simm.s32 $0x1200;
	[sflag:s6] =	ssyncadd.s32 $0xFFFFC000  }
0xdd: {  	[tilespmem:s16], [sflag:$0x1] =	stream.indirect.gather [hbm4b:s3+s13], $0x80, s7, s13, $0xb8;
	[tilespmem:$0x19400] =	vst v63  }
0xde: {  	_ =	swait.ge [sflag:s15], $0x4000  }
0xdf: {  	[sflag:s15] =	ssyncset.done $0x0  }
0xe0: {  	s8 =	rddreg [dreg:$0x6];
	[sflag:s15] =	ssyncadd.s32 $0xFFFFC000  }
0xe1: {  	[hbm4b:s8+s1] =	stream.linear.scatter [tilespmem:s16], [sflag:$0x7], $0x4000, $0x38;
	[tilespmem:$0x19400] =	vst v63  }
0xe2: {  	_ =	swait.ge [sflag:s6], $0x4000  }
0xe3: {  	[sflag:s6] =	ssyncset.done $0x0  }
0xe4: {  	s9 =	simm.s32 $0x8;
	[sflag:s6] =	ssyncadd.s32 $0xFFFFC000  }
0xe5: {  	_ =	swait.ge [sflag:s9], $0x4000  }
0xe6: {  	[sflag:s9] =	ssyncset.done $0x0  }
0xe7: {  	s10 =	simm.s32 $0x1280;
	[sflag:s9] =	ssyncadd.s32 $0xFFFFC000  }
0xe8: {  	[tilespmem:s18], [sflag:$0x2] =	stream.indirect.gather [hbm4b:s3+s13], $0x80, s10, s13, $0xb8;
	[tilespmem:$0x19400] =	vst v63  }
0xe9: {  	_ =	swait.ge [sflag:s17], $0x4000  }
0xea: {  	[sflag:s17] =	ssyncset.done $0x0  }
0xeb: {  	s11 =	rddreg [dreg:$0x7];
	[sflag:s17] =	ssyncadd.s32 $0xFFFFC000  }
0xec: {  	[hbm4b:s11+s1] =	stream.linear.scatter [tilespmem:s18], [sflag:$0x8], $0x4000, $0x38;
	[tilespmem:$0x19400] =	vst v63  }
0xed: {  	_ =	swait.ge [sflag:s9], $0x4000  }
0xee: {  	[sflag:s9] =	ssyncset.done $0x0  }
0xef: {  	s12 =	simm.s32 $0x9;
	[sflag:s9] =	ssyncadd.s32 $0xFFFFC000  }
0xf0: {  	_ =	swait.ge [sflag:s12], $0x4000  }
0xf1: {  	[sflag:s12] =	ssyncset.done $0x0  }
0xf2: {  	s24 =	simm.s32 $0x1300;
	[sflag:s12] =	ssyncadd.s32 $0xFFFFC000  }
0xf3: {  	[tilespmem:s20], [sflag:$0x3] =	stream.indirect.gather [hbm4b:s3+s13], $0x80, s24, s13, $0xb8;
	[tilespmem:$0x19400] =	vst v63  }
0xf4: {  	_ =	swait.ge [sflag:s19], $0x4000  }
0xf5: {  	[sflag:s19] =	ssyncset.done $0x0  }
0xf6: {  	s25 =	rddreg [dreg:$0x8];
	[sflag:s19] =	ssyncadd.s32 $0xFFFFC000  }
0xf7: {  	[hbm4b:s25+s1] =	stream.linear.scatter [tilespmem:s20], [sflag:$0x9], $0x4000, $0x38;
	[tilespmem:$0x19400] =	vst v63  }
0xf8: {  	_ =	swait.ge [sflag:s12], $0x4000  }
0xf9: {  	[sflag:s12] =	ssyncset.done $0x0  }
0xfa: {  	s26 =	simm.s32 $0xA;
	[sflag:s12] =	ssyncadd.s32 $0xFFFFC000  }
0xfb: {  	_ =	swait.ge [sflag:s26], $0x4000  }
0xfc: {  	s5 =	simm.s32 @!p0 $0x1380;
	[sflag:s26] =	ssyncset.done $0x0  }
0xfd: {  	s0 =	simm.s32 @!p0 $0x80;
	s6 =	simm.s32 @!p0 $0xD400;
	[sflag:s26] =	ssyncadd.s32 $0xFFFFC000  }
0xfe: {  	[tilespmem:s6], [sflag:$0x4] =	stream.indirect.gather @!p0 [hbm4b:s3+s0], $0x80, s5, s0, $0xb8;
	[tilespmem:$0x19400] =	vst v63  }
0xff: {  	s0 =	simm.s32 @!p0 $0x4  }
0x100: {  	_ =	swait.ge @!p0 [sflag:s0], $0x4000  }
0x101: {  	[sflag:s0] =	ssyncset.done @!p0 $0x0  }
0x102: {  	s5 =	rddreg [dreg:$0x9];
	[sflag:s0] =	ssyncadd.s32 @!p0 $0xFFFFC000;
	s0 =	simm.s32 @!p0 $0x0  }
0x103: {  	[hbm4b:s5+s0] =	stream.linear.scatter @!p0 [tilespmem:s6], [sflag:$0xA], $0x4000, $0x38;
	[tilespmem:$0x19400] =	vst v63  }
0x104: {  	s0 =	simm.s32 @!p0 $0xA  }
0x105: {  	_ =	swait.ge @!p0 [sflag:s0], $0x4000  }
0x106: {  	[sflag:s0] =	ssyncset.done @!p0 $0x0  }
0x107: {  	s29 =	simm.s32 $0xB;
	[sflag:s0] =	ssyncadd.s32 @!p0 $0xFFFFC000  }
0x108: {  	_ =	swait.ge [sflag:s29], $0x4000  }
0x109: {  	[sflag:s29] =	ssyncset.done $0x0  }
0x10a: {  	s30 =	simm.s32 $0xC;
	[sflag:s29] =	ssyncadd.s32 $0xFFFFC000  }
0x10b: {  	_ =	swait.ge [sflag:s30], $0x4000  }
0x10c: {  	s28 =	sadd.s32 $0x1, s28;
	s31 =	rddreg [dreg:$0xa]  }
0x10d: {  	p1 =	sne.s32 s28, s31  }
.Ltmp1:
0x10e: {  	_ = 	snop;
	(pc) =	sbr.rel @p1 .LBB2_1-.Ltmp1, $3  }
0x10f: {  	_ =	sdelay $0x1  }
0x110: {  	[sflag:s30] =	ssyncset.done $0x0  }
0x111: {  	[sflag:s30] =	ssyncadd.s32 $0xFFFFC000  }
0x112: {  	_ =	sfence.sel $0x180000  }
0x113: {  	[bflag:$0x0] =	sbarrier.arrive $0xFFFF  }
0x114: {  	_ =	strace $0x9000004A  }
0x115: {  	[bflag:$0x2] =	sbarrier.arrive $0xFFFF  }
0x116: {  	s0 =	rddreg [dreg:$0x1]  }
0x117: {  	s0 =	sadd.s32 @!p0 $0x100000, s0  }
0x118: {  	[sflag:s0] =	ssyncadd.tile.s32 @!p0 $0x1;
	_ =	shalt  }
.Lfunc_end2:
_tile_overlayer_lowered:
.L_overlay_start_2:
0x119: {  	(tag) =	ssettag $0x2  }
0x11a: {  	s0 =	rddreg [dreg:$0x0];
	s2 =	stileid.u32  }
0x11b: {  	s1 =	rddreg [dreg:$0x1];
	p0 =	sne.s32 s2, $0x0  }
0x11c: {  	s3 =	rddreg [dreg:$0x2];
	[bflag:$0x3] =	sbarrier.arrive $0xFFFF;
	s2 =	simm.s32 @!p0 $0x1C0D  }
0x11d: {  	[timem:s3], [sflag:s2] =	dma.local @!p0 [hbm:s0], s1  }
0x11e: {  	s0 =	simm.s32 @!p0 $0xD  }
0x11f: {  	_ =	swait.ge @!p0 [sflag:s0], s1  }
0x120: {  	s1 =	ssub.s32 @!p0 $0x0, s1;
	[sflag:s0] =	ssyncset.done @!p0 $0x0  }
0x121: {  	[sflag:s0] =	ssyncadd.s32 @!p0 s1  }
0x122: {  	[bflag:$0x3] =	sbarrier.arrive $0xFFFF  }
0x123: {  	_ =	shalt  }

// kernel: kernel.7.cloned.1.call-start
scs
__scs_entry_jumppad:
0x0: {  	(pc) =	sbr.rel $0x88, $3  }
0x1: {  	(tag) =	ssettag $0x0;
	lr =	simm.s32 $0x1  }
0x2: {  	[smem:$0x3F88] =	sst lr;
	_ =	strace $0xD0000000  }
0x3: {  	_ = 	snop  }
0x4: {  	_ = 	snop  }
0x5: {  	_ = 	snop  }
0x6: {  	_ = 	snop  }
0x7: {  	_ = 	snop  }
__scs_overlays_trampoline_lowered:
0x8: {  	[smem:$0x3F97] =	sst s0  }
0x9: {  	[smem:$0x3F98] =	sst s1  }
0xa: {  	[smem:$0x3F99] =	sst s2  }
0xb: {  	[smem:$0x3F9A] =	sst s3  }
0xc: {  	[smem:$0x3F9B] =	sst s4  }
0xd: {  	[smem:$0x3F9C] =	sst s5  }
0xe: {  	[smem:$0x3F9D] =	sst s6  }
0xf: {  	[smem:$0x3F9E] =	sst s7  }
0x10: {  	[smem:$0x3F9F] =	sst s8  }
0x11: {  	[smem:$0x3FA0] =	sst s9;
	s0 =	simm.s32 @!p0 $0x0  }
0x12: {  	s1 =	sld [smem:$0x3F86];
	s0 =	simm.s32 @p0 $0x1  }
0x13: {  	[smem:$0x3FA1] =	sst s0;
	s0 =	simm.s32 @!p1 $0x0  }
0x14: {  	s2 =	sld [smem:$0x3F85];
	s0 =	simm.s32 @p1 $0x1  }
0x15: {  	[smem:$0x3FA2] =	sst s0;
	s0 =	simm.s32 @!p2 $0x0  }
0x16: {  	s3 =	sld [smem:$0x3FDB];
	s0 =	simm.s32 @p2 $0x1  }
0x17: {  	s4 =	simm.s32 $0x1BF5;
	[smem:$0x3FA4] =	sst s0  }
0x18: {  	s0 =	sld [smem:$0x3F87];
	_ =	swait.ge [sflag:s4], $0x0  }
0x19: {  	s7 =	sld [smem:$0x3F88]  }
0x1a: {  	s8 =	sadd.s32 $0xFFFFE003, lr  }
0x1b: {  	s9 =	sadd.s32 $0xFFFFFEF7, lr;
	s5 =	simm.s32 $0xFFFFFFFF;
	p2 =	slt.u32 s8, $0xFFFFF086  }
0x1c: {  	p1 =	slt.u32 s9, $0xF7A;
	s5 =	simm.s32 @!p2 $0x0  }
0x1d: {  	s5 =	simm.s32 @p1 $0x1;
	p0 =	seq.s32 s7, s2  }
0x1e: {  	s7 =	smul.u32 @!p0 $0xF7A, s2;
	p2 =	seq.s32 @!p0 s5, $0x0  }
0x1f: {  	s9 =	smul.u32 $0xF7A, s1;
	s8 =	simm.s32 @!p0 $0x1BF5;
	p2 =	por !p2, p0  }
0x20: {  	[sflag:s8] =	ssyncset.s32 @!p0 $0xFFFFF086;
	s6 =	sadd.s32 @!p0 s3, s7;
	s7 =	simm.s32 @!p0 $0x108  }
0x21: {  	s3 =	sadd.s32 s3, s9;
	s6 =	sadd.s32 @!p0 $0x88, s6;
	s7 =	simm.s32 @p2 $0x1082  }
0x22: {  	[simem:s7], [sflag:s8] =	dma.local @!p0 [hbm:s6], $0xF7A  }
0x23: {  	s9 =	sor.u32 $0xD0000000, s2;
	s6 =	simm.s32 $0x108;
	_ =	swait.ge @!p0 [sflag:s8], $0x0  }
0x24: {  	s3 =	sadd.s32 $0x88, s3;
	s6 =	simm.s32 @!p1 $0x1082;
	[sflag:s4] =	ssyncset.s32 $0xFFFFF086  }
0x25: {  	[simem:s6], [sflag:s4] =	dma.local [hbm:s3], $0xF7A  }
0x26: {  	[smem:$0x3F88] =	sst s1;
	(tag) =	ssettag s2;
	_ =	strace s9  }
0x27: {  	s1 =	sld [smem:$0x3F98]  }
0x28: {  	s2 =	sld [smem:$0x3F99]  }
0x29: {  	s4 =	sld [smem:$0x3F9B]  }
0x2a: {  	p0 =	seq.s32 s5, $0x0;
	s5 =	sld [smem:$0x3F9C]  }
0x2b: {  	s6 =	sld [smem:$0x3F9D]  }
0x2c: {  	s7 =	sld [smem:$0x3F9E]  }
0x2d: {  	s3 =	simm.s32 $0x108;
	s8 =	sld [smem:$0x3F9F]  }
0x2e: {  	s3 =	simm.s32 @!p0 $0x1082;
	s9 =	sld [smem:$0x3FA0]  }
0x2f: {  	lr =	sadd.s32 s0, s3;
	s0 =	sld [smem:$0x3F97]  }
0x30: {  	s3 =	sld [smem:$0x3F9A]  }
0x31: {  	[smem:$0x3FA3] =	sst s10  }
0x32: {  	s10 =	sld [smem:$0x3FA1];
	_ =	sdelay $0x3  }
0x33: {  	p0 =	seq.s32 s10, $0x1;
	s10 =	sld [smem:$0x3FA3];
	_ =	sdelay $0x3  }
0x34: {  	[smem:$0x3FA3] =	sst s10  }
0x35: {  	s10 =	sld [smem:$0x3FA2];
	_ =	sdelay $0x3  }
0x36: {  	p1 =	seq.s32 s10, $0x1;
	s10 =	sld [smem:$0x3FA3];
	_ =	sdelay $0x3  }
0x37: {  	[smem:$0x3FA3] =	sst s10  }
0x38: {  	s10 =	sld [smem:$0x3FA4]  }
0x39: {  	_ = 	snop;
	(pc) =	sbr.ind lr, $3  }
0x3a: {  	_ = 	snop  }
0x3b: {  	_ = 	snop  }
0x3c: {  	p2 =	seq.s32 s10, $0x1;
	s10 =	sld [smem:$0x3FA3]  }
0x3d: {  	_ =	shalt  }
0x3e: {  	_ =	shalt  }
0x3f: {  	_ =	shalt  }
0x40: {  	_ =	shalt  }
0x41: {  	_ =	shalt  }
0x42: {  	_ =	shalt  }
0x43: {  	_ =	shalt  }
0x44: {  	_ =	shalt  }
0x45: {  	_ =	shalt  }
0x46: {  	_ =	shalt  }
0x47: {  	_ =	shalt  }
0x48: {  	_ =	shalt  }
0x49: {  	_ =	shalt  }
0x4a: {  	_ =	shalt  }
0x4b: {  	_ =	shalt  }
0x4c: {  	_ =	shalt  }
0x4d: {  	_ =	shalt  }
0x4e: {  	_ =	shalt  }
0x4f: {  	_ =	shalt  }
0x50: {  	_ =	shalt  }
0x51: {  	_ =	shalt  }
0x52: {  	_ =	shalt  }
0x53: {  	_ =	shalt  }
0x54: {  	_ =	shalt  }
0x55: {  	_ =	shalt  }
0x56: {  	_ =	shalt  }
0x57: {  	_ =	shalt  }
0x58: {  	_ =	shalt  }
0x59: {  	_ =	shalt  }
0x5a: {  	_ =	shalt  }
0x5b: {  	_ =	shalt  }
0x5c: {  	_ =	shalt  }
0x5d: {  	_ =	shalt  }
0x5e: {  	_ =	shalt  }
0x5f: {  	_ =	shalt  }
0x60: {  	_ =	shalt  }
0x61: {  	_ =	shalt  }
0x62: {  	_ =	shalt  }
0x63: {  	_ =	shalt  }
0x64: {  	_ =	shalt  }
0x65: {  	_ =	shalt  }
0x66: {  	_ =	shalt  }
0x67: {  	_ =	shalt  }
0x68: {  	_ =	shalt  }
0x69: {  	_ =	shalt  }
0x6a: {  	_ =	shalt  }
0x6b: {  	_ =	shalt  }
0x6c: {  	_ =	shalt  }
0x6d: {  	_ =	shalt  }
0x6e: {  	_ =	shalt  }
0x6f: {  	_ =	shalt  }
0x70: {  	_ =	shalt  }
0x71: {  	_ =	shalt  }
0x72: {  	_ =	shalt  }
0x73: {  	_ =	shalt  }
0x74: {  	_ =	shalt  }
0x75: {  	_ =	shalt  }
0x76: {  	_ =	shalt  }
0x77: {  	_ =	shalt  }
0x78: {  	_ =	shalt  }
0x79: {  	_ =	shalt  }
0x7a: {  	_ =	shalt  }
0x7b: {  	_ =	shalt  }
0x7c: {  	_ =	shalt  }
0x7d: {  	_ =	shalt  }
0x7e: {  	_ =	shalt  }
0x7f: {  	_ =	shalt  }
0x80: {  	_ =	shalt  }
0x81: {  	_ =	shalt  }
0x82: {  	_ =	shalt  }
0x83: {  	_ =	shalt  }
0x84: {  	_ =	shalt  }
0x85: {  	_ =	shalt  }
0x86: {  	_ =	shalt  }
0x87: {  	_ =	shalt  }
.Lfunc_end0:
.L_simem_size_0:
called_computation_lowered:
.L_overlay_start_0:
0x88: {  	s2 =	sld [smem:$0x3FD9]  }
0x89: {  	s3 =	sld [smem:$0x3FFE];
	_ =	sdelay $0x1  }
0x8a: {  	s1 =	srdreg.scid  }
0x8b: {  	s0 =	sand.u32 $0x1, s1  }
0x8c: {  	s14 =	sshll.u32 s0, $0xA;
	s2 =	sadd.s32 s3, s2  }
0x8d: {  	s2 =	sadd.s32 s2, s14  }
0x8e: {  	[smem:$0x3FAF] =	sst s2  }
0x8f: {  	_ = 	snop  }
0x90: {  	s2 =	sld [smem:$0x3FD0];
	_ =	sdelay $0x2  }
0x91: {  	s15 =	simm.s32 $0xA;
	s4 =	simm.s32 $0x10  }
0x92: {  	[smem:s4], [sflag:s15] =	dma.local [hbm:s2], $0x1  }
0x93: {  	_ =	swait.eq [sflag:s15], $0x1  }
0x94: {  	[sflag:s15] =	ssyncset.done $0x0  }
0x95: {  	s16 =	sld [smem:$0x10];
	[sflag:s15] =	ssyncadd.s32 $0xFFFFFFFF  }
0x96: {  	s17 =	sld [smem:$0x11];
	(tm) =	ssettm $0x1  }
0x97: {  	s18 =	sld [smem:$0x3FFB];
	_ =	sdelay $0x3  }
0x98: {  	_ =	strace s18  }
0x99: {  	s4 =	sld [smem:$0x3FFC];
	_ =	sdelay $0x3  }
0x9a: {  	_ =	strace s4  }
0x9b: {  	s4 =	sld [smem:$0x3FFD];
	_ =	sdelay $0x3  }
0x9c: {  	_ =	strace s4  }
0x9d: {  	_ =	strace $0x8FFFFFFF  }
0x9e: {  	s19 =	sld [smem:$0x3FDB];
	_ =	sdelay $0x1  }
0x9f: {  	s5 =	simm.s32 $_scs_section_size  }
0xa0: {  	s6 =	simm.s32 $_size__tile_overlayer_lowered;
	s7 =	simm.s32 $_tile_overlayer_lowered  }
0xa1: {  	s22 =	simm.s32 $0x1BFF;
	s21 =	sshll.u32 s7, $0x1;
	s4 =	sadd.s32 s5, s19  }
0xa2: {  	s8 =	simm.s32 $0x0;
	s20 =	sshll.u32 s6, $0x1;
	s6 =	sadd.s32 s21, s4  }
0xa3: {  	[timem:s8], [sflag:s22] =	dma.local [hbm:s6], s20  }
0xa4: {  	_ =	swait.ge [sflag:s22], s20  }
0xa5: {  	s5 =	ssub.s32 $0x0, s20;
	[sflag:s22] =	ssyncset.done $0x0  }
0xa6: {  	[sflag:s22] =	ssyncadd.s32 s5;
	_ =	sdelay $0x1  }
0xa7: {  	s23 =	simm.s32 $0x1B8B  }
0xa8: {  	_ =	swait.ge [sflag:s23], $0x1  }
0xa9: {  	[sflag:s23] =	ssyncset.done $0x0  }
0xaa: {  	s25 =	simm.s32 $0x1B8E;
	s24 =	sld [smem:$0x3FFE];
	[sflag:s23] =	ssyncadd.s32 $0xFFFFFFFF  }
0xab: {  	s26 =	simm.s32 $execute0_lowered;
	[smem:$0x3FD2] =	sst s25  }
0xac: {  	s6 =	sshll.u32 s26, $0x1;
	_ =	strace $0x80000046;
	[dreg:$0x1] =	wrdreg $0xFFFFFFFF  }
0xad: {  	s28 =	simm.s32 $_size_execute0_lowered;
	s4 =	sadd.s32 s4, s6;
	[dreg:$0x0] =	wrdreg $0x0  }
0xae: {  	s6 =	sshll.u32 s28, $0x1;
	[dreg:$0x2] =	wrdreg s4  }
0xaf: {  	[dreg:$0x3] =	wrdreg s6  }
0xb0: {  	[dreg:$0x4] =	wrdreg $0xC0  }
0xb1: {  	_ =	task [dreg:s8], $0x5FFFF  }
0xb2: {  	[dreg:$0x1] =	wrdreg $0xFFFFFFFF  }
0xb3: {  	[dreg:$0x0] =	wrdreg $0x60  }
0xb4: {  	[dreg:$0x2] =	wrdreg s16  }
0xb5: {  	[dreg:$0x3] =	wrdreg s24  }
0xb6: {  	[dreg:$0x4] =	wrdreg s17  }
0xb7: {  	[dreg:$0x5] =	wrdreg $0x9  }
0xb8: {  	_ =	task.clear_ibuf [dreg:s8], $0x6FFFF;
	_ =	strace $0x90000046  }
0xb9: {  	s29 =	simm.s32 $0x9;
	_ =	strace $0x80000048  }
0xba: {  	_ =	swait.ge [sflag:s29], $0x1  }
0xbb: {  	[sflag:s29] =	ssyncadd.s32 $0xFFFFFFFF  }
0xbc: {  	_ =	strace $0x90000048  }
0xbd: {  	_ =	sfence  }
0xbe: {  	s30 =	sld [smem:$0x0];
	_ =	sdelay $0x2  }
0xbf: {  	s31 =	sshll.u32 s1, $0xD;
	s1 =	sshrl.u32 s1, $0x2  }
0xc0: {  	s3 =	sand.u32 $0x4000, s31;
	s1 =	sadd.s32 s1, s30  }
0xc1: {  	s0 =	sor.u32 s3, s0;
	s1 =	sshll.u32 s1, $0x11  }
0xc2: {  	s0 =	sor.u32 s1, s0  }
0xc3: {  	s0 =	sadd.s32 $0x8F2B, s0  }
0xc4: {  	[sflag:s0] =	ssyncadd.remote.s32 $0x1  }
0xc5: {  	_ =	sfence.sel $0xFFFF  }
0xc6: {  	[dreg:$0x0] =	wrdreg $0xFFFFFFFF;
	(pc) =	sbr.abs _section_cstart, $3  }
0xc7: {  	[dreg:$0x1] =	wrdreg $0xFFFFFFFF  }
0xc8: {  	_ =	task.clear_ibuf [dreg:s8], $0x2FFFF;
	_ =	strace $0x9FFFFFFF  }
0xc9: {  	(tm) =	ssettm $0x7FFFFFFF  }
tec
execute0_lowered:
.L_overlay_start_1:
0x0: {  	(tag) =	ssettag $0x1  }
0x1: {  	s1 =	srdreg.scid;
	s0 =	rddreg [dreg:$0x0]  }
0x2: {  	s5 =	stileid.u32;
	s6 =	rddreg [dreg:$0x1]  }
0x3: {  	s3 =	simm.s32 $0x0;
	s13 =	simm.s32 $0x80;
	s14 =	simm.s32 $0x15400  }
0x4: {  	s15 =	simm.s32 $0x1;
	s16 =	simm.s32 $0x1400;
	s17 =	simm.s32 $0x2  }
0x5: {  	s18 =	simm.s32 $0x5400;
	s1 =	sand.u32 $0x1, s1;
	s2 =	sshll.u32 s5, $0x1  }
0x6: {  	s19 =	simm.s32 $0x3;
	s30 =	simm.s32 $0xD400;
	s4 =	sor.u32 s1, s2  }
0x7: {  	s31 =	simm.s32 $0x11400;
	[smem:$0x7FF] =	sst s3;
	s7 =	smul.u32 $0x27, s4  }
0x8: {  	s2 =	rddreg [dreg:$0x2];
	s1 =	ssub.s32 $0x2, s1;
	s4 =	smin.u32 s4, $0x2  }
0x9: {  	_ =	strace $0x80000047;
	s21 =	sshrl.u32 s1, $0x1;
	s4 =	sadd.s32 s4, s7  }
0xa: {  	[dreg:$0x4] =	wrdreg s30;
	s1 =	ssub.s32 s1, s21;
	s7 =	sshll.u32 s4, $0x4  }
0xb: {  	[dreg:$0x5] =	wrdreg s31;
	s1 =	smax.u32 s1, $0x1;
	s6 =	sadd.s32 s7, s6  }
0xc: {  	s8 =	sshll.u32 s4, $0xB;
	[dreg:$0xc] =	wrdreg s1;
	s22 =	sadd.s32 $0x1400, s6  }
0xd: {  	s23 =	sadd.s32 s2, s8;
	s6 =	sadd.s32 $0x1670, s6;
	[dreg:$0x6] =	wrdreg s22  }
0xe: {  	s20 =	simm.s32 $0x9400;
	s24 =	sadd.s32 $0x12000, s23;
	[dreg:$0x7] =	wrdreg s6  }
0xf: {  	s28 =	simm.s32 $0x0;
	s25 =	sadd.s32 $0x12800, s23;
	[dreg:$0x8] =	wrdreg s24  }
0x10: {  	p0 =	sne.s32 s5, $0x0;
	s26 =	sadd.s32 $0x13000, s23;
	[dreg:$0x9] =	wrdreg s25  }
0x11: {  	s21 =	simm.s32 $0x4;
	s29 =	sadd.s32 $0x13800, s23;
	[dreg:$0xa] =	wrdreg s26  }
0x12: {  	s23 =	simm.s32 $0x6;
	[dreg:$0xb] =	wrdreg s29;
	s22 =	simm.s32 $0x5  }
.LBB2_1:
0x13: {  	s1 =	rddreg [dreg:$0x6];
	s24 =	simm.s32 $0xD  }
0x14: {  	[tilespmem:s3], [sflag:$0xD] =	stream.linear.gather [hbm4b:s1+s3], $0x1380, $0x38;
	[tilespmem:$0x19400] =	vst v63  }
0x15: {  	_ =	swait.ge [sflag:s24], $0x1380  }
0x16: {  	s5 =	simm.s32 @!p0 $0x0;
	[sflag:s24] =	ssyncset.done $0x0  }
0x17: {  	s6 =	simm.s32 @!p0 $0x1380;
	s1 =	rddreg [dreg:$0x7];
	[sflag:s24] =	ssyncadd.s32 $0xFFFFEC80  }
0x18: {  	[tilespmem:s6], [sflag:$0xD] =	stream.linear.gather @!p0 [hbm4b:s1+s5], $0x80, $0x38;
	[tilespmem:$0x19400] =	vst v63  }
0x19: {  	s5 =	simm.s32 @!p0 $0xD  }
0x1a: {  	_ =	swait.ge @!p0 [sflag:s5], $0x80  }
0x1b: {  	p1 =	por $0x0, $0x0;
	[sflag:s5] =	ssyncset.done @!p0 $0x0  }
0x1c: {  	[sflag:s5] =	ssyncadd.s32 @!p0 $0xFFFFFF80;
	s5 =	simm.s32 @p1 $0x7  }
0x1d: {  	_ =	swait.ge @p1 [sflag:s5], $0x4000  }
0x1e: {  	s7 =	simm.s32 @p1 $0x1400;
	[sflag:s5] =	ssyncset.done @p1 $0x0  }
0x1f: {  	s6 =	simm.s32 @p1 $0x80;
	[sflag:s5] =	ssyncadd.s32 @p1 $0xFFFFC000;
	s5 =	simm.s32 @p1 $0x8  }
0x20: {  	[tilespmem:s7], [sflag:$0x1] =	stream.indirect.gather @p1 [hbm4b:s0+s6], $0x80, s3, s6, $0xb8;
	[tilespmem:$0x19400] =	vst v63  }
0x21: {  	_ =	swait.ge @p1 [sflag:s5], $0x4000  }
0x22: {  	s8 =	simm.s32 @p1 $0x5400;
	[sflag:s5] =	ssyncset.done @p1 $0x0  }
0x23: {  	s7 =	simm.s32 @p1 $0x80;
	[sflag:s5] =	ssyncadd.s32 @p1 $0xFFFFC000;
	s5 =	simm.s32 @p1 $0x9  }
0x24: {  	[tilespmem:s8], [sflag:$0x2] =	stream.indirect.gather @p1 [hbm4b:s0+s6], $0x80, s7, s6, $0xb8;
	[tilespmem:$0x19400] =	vst v63  }
0x25: {  	_ =	swait.ge @p1 [sflag:s5], $0x4000  }
0x26: {  	s7 =	simm.s32 @p1 $0x100;
	[sflag:s5] =	ssyncset.done @p1 $0x0  }
0x27: {  	s8 =	simm.s32 @p1 $0x9400;
	[sflag:s5] =	ssyncadd.s32 @p1 $0xFFFFC000;
	s5 =	simm.s32 @p1 $0xA  }
0x28: {  	[tilespmem:s8], [sflag:$0x3] =	stream.indirect.gather @p1 [hbm4b:s0+s6], $0x80, s7, s6, $0xb8;
	[tilespmem:$0x19400] =	vst v63  }
0x29: {  	_ =	swait.ge @p1 [sflag:s5], $0x4000  }
0x2a: {  	s7 =	simm.s32 @p1 $0x180;
	[sflag:s5] =	ssyncset.done @p1 $0x0  }
0x2b: {  	s8 =	simm.s32 @p1 $0xD400;
	[sflag:s5] =	ssyncadd.s32 @p1 $0xFFFFC000;
	s5 =	simm.s32 @p1 $0xB  }
0x2c: {  	[tilespmem:s8], [sflag:$0x4] =	stream.indirect.gather @p1 [hbm4b:s0+s6], $0x80, s7, s6, $0xb8;
	[tilespmem:$0x19400] =	vst v63  }
0x2d: {  	_ =	swait.ge @p1 [sflag:s5], $0x4000  }
0x2e: {  	s7 =	simm.s32 @p1 $0x200;
	[sflag:s5] =	ssyncset.done @p1 $0x0  }
0x2f: {  	s8 =	simm.s32 @p1 $0x11400;
	[sflag:s5] =	ssyncadd.s32 @p1 $0xFFFFC000;
	s5 =	simm.s32 @p1 $0xC  }
0x30: {  	[tilespmem:s8], [sflag:$0x5] =	stream.indirect.gather @p1 [hbm4b:s0+s6], $0x80, s7, s6, $0xb8;
	[tilespmem:$0x19400] =	vst v63  }
0x31: {  	_ =	swait.ge @p1 [sflag:s5], $0x4000  }
0x32: {  	s6 =	simm.s32 @!p1 $0x80;
	[sflag:s5] =	ssyncset.done @p1 $0x0  }
0x33: {  	s7 =	simm.s32 @!p1 $0x0;
	[sflag:s5] =	ssyncadd.s32 @p1 $0xFFFFC000;
	s5 =	simm.s32 @!p1 $0x1400  }
0x34: {  	[tilespmem:s5], [sflag:$0x1] =	stream.indirect.gather @!p1 [hbm4b:s0+s6], $0x80, s7, s6, $0xb8;
	[tilespmem:$0x19400] =	vst v63  }
0x35: {  	s5 =	simm.s32 @!p1 $0x5400  }
0x36: {  	[tilespmem:s5], [sflag:$0x2] =	stream.indirect.gather @!p1 [hbm4b:s0+s6], $0x80, s6, s6, $0xb8;
	[tilespmem:$0x19400] =	vst v63  }
0x37: {  	s7 =	simm.s32 @!p1 $0x9400;
	s5 =	simm.s32 @!p1 $0x100  }
0x38: {  	[tilespmem:s7], [sflag:$0x3] =	stream.indirect.gather @!p1 [hbm4b:s0+s6], $0x80, s5, s6, $0xb8;
	[tilespmem:$0x19400] =	vst v63  }
0x39: {  	s5 =	simm.s32 @!p1 $0x180;
	s7 =	simm.s32 @!p1 $0xD400  }
0x3a: {  	[tilespmem:s7], [sflag:$0x4] =	stream.indirect.gather @!p1 [hbm4b:s0+s6], $0x80, s5, s6, $0xb8;
	[tilespmem:$0x19400] =	vst v63  }
0x3b: {  	s5 =	simm.s32 $0x5  }
0x3c: {  	s8 =	simm.s32 @!p1 $0x200;
	s7 =	simm.s32 @!p1 $0x11400;
	s5 =	simm.s32 @!p1 $0x5  }
0x3d: {  	[tilespmem:s7], [sflag:$0x5] =	stream.indirect.gather @!p1 [hbm4b:s0+s6], $0x80, s8, s6, $0xb8;
	[tilespmem:$0x19400] =	vst v63  }
0x3e: {  	s11 =	simm.s32 $0xB;
	s6 =	simm.s32 @p1 $0x0;
	s25 =	sshll.u32 s5, $0x7  }
0x3f: {  	s8 =	simm.s32 @p1 $0x4;
	s5 =	sadd.s32 s4, s5;
	s6 =	simm.s32 @!p1 $0x0  }
0x40: {  	s7 =	sand.u32 $0x3FFFFF80, s25;
	s8 =	simm.s32 @!p1 $0x4;
	s6 =	sadd.s32 s4, s6  }
0x41: {  	[tilespmem:s14], [sflag:$0x6] =	stream.indirect.gather [hbm4b:s0+s13], $0x80, s7, s13, $0xb8;
	[tilespmem:$0x19400] =	vst v63  }
0x42: {  	s7 =	simm.s32 @p1 $0x1;
	_ =	swait.ge [sflag:s15], $0x4000;
	s6 =	sshll.u32 s6, $0xB  }
0x43: {  	s7 =	simm.s32 @!p1 $0x1;
	[sflag:s15] =	ssyncset.done $0x0;
	s6 =	sand.u32 $0x1FFFF800, s6  }
0x44: {  	s7 =	sadd.s32 s4, s7;
	[sflag:s15] =	ssyncadd.s32 $0xFFFFC000;
	s6 =	sadd.s32 s2, s6  }
0x45: {  	[hbm4b:s6+s3] =	stream.linear.scatter [tilespmem:s16], [sflag:$0x7], $0x4000, $0x38;
	[tilespmem:$0x19400] =	vst v63  }
0x46: {  	s7 =	sshll.u32 s7, $0xB;
	s6 =	simm.s32 @p1 $0x2;
	_ =	swait.ge [sflag:s17], $0x4000  }
0x47: {  	s7 =	sand.u32 $0x1FFFF800, s7;
	s6 =	simm.s32 @!p1 $0x2;
	[sflag:s17] =	ssyncset.done $0x0  }
0x48: {  	s7 =	sadd.s32 s2, s7;
	s6 =	sadd.s32 s4, s6;
	[sflag:s17] =	ssyncadd.s32 $0xFFFFC000  }
0x49: {  	[hbm4b:s7+s3] =	stream.linear.scatter [tilespmem:s18], [sflag:$0x8], $0x4000, $0x38;
	[tilespmem:$0x19400] =	vst v63  }
0x4a: {  	s6 =	sshll.u32 s6, $0xB;
	s7 =	simm.s32 @p1 $0x3;
	_ =	swait.ge [sflag:s19], $0x4000  }
0x4b: {  	s6 =	sand.u32 $0x1FFFF800, s6;
	s7 =	simm.s32 @!p1 $0x3;
	[sflag:s19] =	ssyncset.done $0x0  }
0x4c: {  	s6 =	sadd.s32 s2, s6;
	s26 =	sadd.s32 s4, s7;
	[sflag:s19] =	ssyncadd.s32 $0xFFFFC000  }
0x4d: {  	[hbm4b:s6+s3] =	stream.linear.scatter [tilespmem:s20], [sflag:$0x9], $0x4000, $0x38;
	[tilespmem:$0x19400] =	vst v63  }
0x4e: {  	s5 =	sshll.u32 s5, $0xB;
	s6 =	sshll.u32 s26, $0xB;
	_ =	swait.ge [sflag:s21], $0x4000  }
0x4f: {  	s30 =	sadd.s32 s4, s8;
	s6 =	sand.u32 $0x1FFFF800, s6;
	[sflag:s21] =	ssyncset.done $0x0  }
0x50: {  	s29 =	rddreg [dreg:$0x4];
	s6 =	sadd.s32 s2, s6;
	[sflag:s21] =	ssyncadd.s32 $0xFFFFC000  }
0x51: {  	[hbm4b:s6+s3] =	stream.linear.scatter [tilespmem:s29], [sflag:$0xA], $0x4000, $0x38;
	[tilespmem:$0x19400] =	vst v63  }
0x52: {  	s5 =	sand.u32 $0x1FFFF800, s5;
	s6 =	sshll.u32 s30, $0xB;
	_ =	swait.ge [sflag:s22], $0x4000  }
0x53: {  	s9 =	sadd.s32 s2, s5;
	s6 =	sand.u32 $0x1FFFF800, s6;
	[sflag:s22] =	ssyncset.done $0x0  }
0x54: {  	s31 =	rddreg [dreg:$0x5];
	s6 =	sadd.s32 s2, s6;
	[sflag:s22] =	ssyncadd.s32 $0xFFFFC000  }
0x55: {  	[hbm4b:s6+s3] =	stream.linear.scatter [tilespmem:s31], [sflag:$0xB], $0x4000, $0x38;
	[tilespmem:$0x19400] =	vst v63  }
0x56: {  	s5 =	simm.s32 $0x300;
	p1 =	por $0x1, $0x1;
	s6 =	simm.s32 $0x11  }
.LBB2_2:
0x57: {  	_ =	swait.ge [sflag:s23], $0x4000  }
0x58: {  	s10 =	simm.s32 @p1 $0x7;
	[sflag:s23] =	ssyncset.done $0x0  }
0x59: {  	s12 =	sadd.s32 @p1 $0xFFFFFFFC, s11;
	s1 =	sadd.s32 @p1 $0xFFFFFFFD, s11;
	[sflag:s23] =	ssyncadd.s32 $0xFFFFC000  }
0x5a: {  	[hbm4b:s9+s3] =	stream.linear.scatter [tilespmem:s14], [sflag:$0xC], $0x4000, $0x38;
	[tilespmem:$0x19400] =	vst v63  }
0x5b: {  	s31 =	simm.s32 @p1 $0x80;
	s25 =	sadd.s32 @p1 $0x80, s5;
	_ =	swait.ge @p1 [sflag:s10], $0x4000  }
0x5c: {  	s24 =	simm.s32 @p1 $0x5400;
	s12 =	simm.s32 @!p1 $0x1;
	[sflag:s10] =	ssyncset.done @p1 $0x0  }
0x5d: {  	s9 =	simm.s32 @p1 $0x1400;
	[sflag:s10] =	ssyncadd.s32 @p1 $0xFFFFC000;
	s10 =	simm.s32 @p1 $0x8  }
0x5e: {  	[tilespmem:s9], [sflag:$0x1] =	stream.indirect.gather @p1 [hbm4b:s0+s31], $0x80, s5, s31, $0xb8;
	[tilespmem:$0x19400] =	vst v63  }
0x5f: {  	s1 =	simm.s32 @!p1 $0x2;
	s12 =	sadd.s32 s4, s12;
	_ =	swait.ge @p1 [sflag:s10], $0x4000  }
0x60: {  	s1 =	sadd.s32 s4, s1;
	s12 =	sshll.u32 s12, $0xB;
	[sflag:s10] =	ssyncset.done @p1 $0x0  }
0x61: {  	s9 =	sand.u32 $0x1FFFF800, s12;
	s12 =	simm.s32 @p1 $0x9;
	[sflag:s10] =	ssyncadd.s32 @p1 $0xFFFFC000  }
0x62: {  	[tilespmem:s24], [sflag:$0x2] =	stream.indirect.gather @p1 [hbm4b:s0+s31], $0x80, s25, s31, $0xb8;
	[tilespmem:$0x19400] =	vst v63  }
0x63: {  	s1 =	sshll.u32 s1, $0xB;
	_ =	swait.ge @p1 [sflag:s12], $0x4000  }
0x64: {  	s10 =	sand.u32 $0x1FFFF800, s1;
	s1 =	simm.s32 @p1 $0xA;
	[sflag:s12] =	ssyncset.done @p1 $0x0  }
0x65: {  	s24 =	sadd.s32 @p1 $0x100, s5;
	s25 =	simm.s32 @p1 $0x9400;
	[sflag:s12] =	ssyncadd.s32 @p1 $0xFFFFC000  }
0x66: {  	[tilespmem:s25], [sflag:$0x3] =	stream.indirect.gather @p1 [hbm4b:s0+s31], $0x80, s24, s31, $0xb8;
	[tilespmem:$0x19400] =	vst v63  }
0x67: {  	_ =	swait.ge @p1 [sflag:s1], $0x4000  }
0x68: {  	s26 =	sadd.s32 @p1 $0xFFFFFFFE, s11;
	s12 =	sadd.s32 @p1 $0x180, s5;
	[sflag:s1] =	ssyncset.done @p1 $0x0  }
0x69: {  	s24 =	simm.s32 @p1 $0xD400;
	[sflag:s1] =	ssyncadd.s32 @p1 $0xFFFFC000;
	s1 =	simm.s32 @p1 $0xB  }
0x6a: {  	[tilespmem:s24], [sflag:$0x4] =	stream.indirect.gather @p1 [hbm4b:s0+s31], $0x80, s12, s31, $0xb8;
	[tilespmem:$0x19400] =	vst v63  }
0x6b: {  	s30 =	smov.u32 s11;
	s26 =	simm.s32 @!p1 $0x3;
	_ =	swait.ge @p1 [sflag:s1], $0x4000  }
0x6c: {  	s29 =	simm.s32 @p1 $0x11400;
	s26 =	sadd.s32 s4, s26;
	[sflag:s1] =	ssyncset.done @p1 $0x0  }
0x6d: {  	s24 =	sadd.s32 @p1 $0x200, s5;
	[sflag:s1] =	ssyncadd.s32 @p1 $0xFFFFC000;
	s1 =	simm.s32 @p1 $0xC  }
0x6e: {  	[tilespmem:s29], [sflag:$0x5] =	stream.indirect.gather @p1 [hbm4b:s0+s31], $0x80, s24, s31, $0xb8;
	[tilespmem:$0x19400] =	vst v63  }
0x6f: {  	s30 =	simm.s32 @!p1 $0x5;
	s26 =	sshll.u32 s26, $0xB;
	_ =	swait.ge @p1 [sflag:s1], $0x4000  }
0x70: {  	s12 =	sand.u32 $0x1FFFF800, s26;
	s26 =	simm.s32 @!p1 $0x0;
	[sflag:s1] =	ssyncset.done @p1 $0x0  }
0x71: {  	s24 =	simm.s32 @!p1 $0x80;
	[sflag:s1] =	ssyncadd.s32 @p1 $0xFFFFC000;
	s1 =	simm.s32 @!p1 $0x1400  }
0x72: {  	[tilespmem:s1], [sflag:$0x1] =	stream.indirect.gather @!p1 [hbm4b:s0+s24], $0x80, s26, s24, $0xb8;
	[tilespmem:$0x19400] =	vst v63  }
0x73: {  	s8 =	sshll.u32 s30, $0x7;
	s1 =	simm.s32 @!p1 $0x5400  }
0x74: {  	[tilespmem:s1], [sflag:$0x2] =	stream.indirect.gather @!p1 [hbm4b:s0+s24], $0x80, s24, s24, $0xb8;
	[tilespmem:$0x19400] =	vst v63  }
0x75: {  	s25 =	sadd.s32 @p1 $0xFFFFFFFF, s11;
	s26 =	simm.s32 @!p1 $0x9400;
	s1 =	simm.s32 @!p1 $0x100  }
0x76: {  	[tilespmem:s26], [sflag:$0x3] =	stream.indirect.gather @!p1 [hbm4b:s0+s24], $0x80, s1, s24, $0xb8;
	[tilespmem:$0x19400] =	vst v63  }
0x77: {  	s1 =	sadd.s32 @p1 $0xFFFFFFFB, s11;
	s11 =	simm.s32 @!p1 $0x180;
	s26 =	simm.s32 @!p1 $0xD400  }
0x78: {  	[tilespmem:s26], [sflag:$0x4] =	stream.indirect.gather @!p1 [hbm4b:s0+s24], $0x80, s11, s24, $0xb8;
	[tilespmem:$0x19400] =	vst v63  }
0x79: {  	s29 =	simm.s32 @!p1 $0x11400;
	s1 =	simm.s32 @!p1 $0x0;
	s11 =	simm.s32 @!p1 $0x200  }
0x7a: {  	[tilespmem:s29], [sflag:$0x5] =	stream.indirect.gather @!p1 [hbm4b:s0+s24], $0x80, s11, s24, $0xb8;
	[tilespmem:$0x19400] =	vst v63  }
0x7b: {  	s8 =	sand.u32 $0x3FFFFF80, s8;
	s1 =	sadd.s32 s4, s1  }
0x7c: {  	[tilespmem:s14], [sflag:$0x6] =	stream.indirect.gather [hbm4b:s0+s13], $0x80, s8, s13, $0xb8;
	[tilespmem:$0x19400] =	vst v63  }
0x7d: {  	s1 =	sshll.u32 s1, $0xB;
	_ =	swait.ge [sflag:s15], $0x4000  }
0x7e: {  	s1 =	sand.u32 $0x1FFFF800, s1;
	[sflag:s15] =	ssyncset.done $0x0  }
0x7f: {  	s1 =	sadd.s32 s2, s1;
	[sflag:s15] =	ssyncadd.s32 $0xFFFFC000  }
0x80: {  	[hbm4b:s1+s3] =	stream.linear.scatter [tilespmem:s16], [sflag:$0x7], $0x4000, $0x38;
	[tilespmem:$0x19400] =	vst v63  }
0x81: {  	_ =	swait.ge [sflag:s17], $0x4000  }
0x82: {  	[sflag:s17] =	ssyncset.done $0x0  }
0x83: {  	s9 =	sadd.s32 s2, s9;
	[sflag:s17] =	ssyncadd.s32 $0xFFFFC000  }
0x84: {  	[hbm4b:s9+s3] =	stream.linear.scatter [tilespmem:s18], [sflag:$0x8], $0x4000, $0x38;
	[tilespmem:$0x19400] =	vst v63  }
0x85: {  	s7 =	smov.u32 s6;
	_ =	swait.ge [sflag:s19], $0x4000  }
0x86: {  	s6 =	sadd.s32 $0x6, s6;
	s25 =	simm.s32 @!p1 $0x4;
	[sflag:s19] =	ssyncset.done $0x0  }
0x87: {  	s10 =	sadd.s32 s2, s10;
	s25 =	sadd.s32 s4, s25;
	[sflag:s19] =	ssyncadd.s32 $0xFFFFC000  }
0x88: {  	[hbm4b:s10+s3] =	stream.linear.scatter [tilespmem:s20], [sflag:$0x9], $0x4000, $0x38;
	[tilespmem:$0x19400] =	vst v63  }
0x89: {  	p2 =	sne.s32 s6, $0x29;
	s25 =	sshll.u32 s25, $0xB;
	_ =	swait.ge [sflag:s21], $0x4000  }
0x8a: {  	s5 =	sadd.s32 $0x300, s5;
	s31 =	sadd.s32 s4, s30;
	[sflag:s21] =	ssyncset.done $0x0  }
0x8b: {  	s26 =	sadd.s32 s2, s12;
	s24 =	rddreg [dreg:$0x4];
	[sflag:s21] =	ssyncadd.s32 $0xFFFFC000  }
0x8c: {  	[hbm4b:s26+s3] =	stream.linear.scatter [tilespmem:s24], [sflag:$0xA], $0x4000, $0x38;
	[tilespmem:$0x19400] =	vst v63  }
.Ltmp0:
0x8d: {  	s30 =	sand.u32 $0x1FFFF800, s25;
	s31 =	sshll.u32 s31, $0xB;
	(pc) =	sbr.rel @p2 .LBB2_2-.Ltmp0, $4  }
0x8e: {  	s25 =	sand.u32 $0x1FFFF800, s31;
	s11 =	smov.u32 s7;
	_ =	swait.ge [sflag:s22], $0x4000  }
0x8f: {  	s31 =	sadd.s32 s2, s30;
	p1 =	sne.s32 s11, $0x5;
	[sflag:s22] =	ssyncset.done $0x0  }
0x90: {  	s9 =	sadd.s32 s2, s25;
	s29 =	rddreg [dreg:$0x5];
	[sflag:s22] =	ssyncadd.s32 $0xFFFFC000  }
0x91: {  	[hbm4b:s31+s3] =	stream.linear.scatter [tilespmem:s29], [sflag:$0xB], $0x4000, $0x38;
	[tilespmem:$0x19400] =	vst v63  }
0x92: {  	_ =	swait.ge [sflag:s23], $0x4000  }
0x93: {  	[sflag:s23] =	ssyncset.done $0x0  }
0x94: {  	s1 =	simm.s32 @p1 $0x7;
	[sflag:s23] =	ssyncadd.s32 $0xFFFFC000  }
0x95: {  	[hbm4b:s9+s3] =	stream.linear.scatter [tilespmem:s14], [sflag:$0xC], $0x4000, $0x38;
	[tilespmem:$0x19400] =	vst v63  }
0x96: {  	_ =	swait.ge @p1 [sflag:s1], $0x4000  }
0x97: {  	s6 =	simm.s32 @p1 $0x80;
	[sflag:s1] =	ssyncset.done @p1 $0x0  }
0x98: {  	s7 =	simm.s32 @p1 $0x1400;
	[sflag:s1] =	ssyncadd.s32 @p1 $0xFFFFC000;
	s1 =	simm.s32 @p1 $0x8  }
0x99: {  	[tilespmem:s7], [sflag:$0x1] =	stream.indirect.gather @p1 [hbm4b:s0+s6], $0x80, s5, s6, $0xb8;
	[tilespmem:$0x19400] =	vst v63  }
0x9a: {  	_ =	swait.ge @p1 [sflag:s1], $0x4000  }
0x9b: {  	[sflag:s1] =	ssyncset.done @p1 $0x0  }
0x9c: {  	s7 =	sadd.s32 @p1 $0x80, s5;
	[sflag:s1] =	ssyncadd.s32 @p1 $0xFFFFC000;
	s1 =	simm.s32 @p1 $0x5400  }
0x9d: {  	[tilespmem:s1], [sflag:$0x2] =	stream.indirect.gather @p1 [hbm4b:s0+s6], $0x80, s7, s6, $0xb8;
	[tilespmem:$0x19400] =	vst v63  }
0x9e: {  	s1 =	simm.s32 @p1 $0x9  }
0x9f: {  	_ =	swait.ge @p1 [sflag:s1], $0x4000  }
0xa0: {  	[sflag:s1] =	ssyncset.done @p1 $0x0  }
0xa1: {  	s7 =	sadd.s32 @p1 $0x100, s5;
	[sflag:s1] =	ssyncadd.s32 @p1 $0xFFFFC000;
	s1 =	simm.s32 @p1 $0x9400  }
0xa2: {  	[tilespmem:s1], [sflag:$0x3] =	stream.indirect.gather @p1 [hbm4b:s0+s6], $0x80, s7, s6, $0xb8;
	[tilespmem:$0x19400] =	vst v63  }
0xa3: {  	s1 =	simm.s32 @p1 $0xA  }
0xa4: {  	_ =	swait.ge @p1 [sflag:s1], $0x4000  }
0xa5: {  	[sflag:s1] =	ssyncset.done @p1 $0x0  }
0xa6: {  	s7 =	sadd.s32 @p1 $0x180, s5;
	[sflag:s1] =	ssyncadd.s32 @p1 $0xFFFFC000;
	s1 =	simm.s32 @p1 $0xD400  }
0xa7: {  	[tilespmem:s1], [sflag:$0x4] =	stream.indirect.gather @p1 [hbm4b:s0+s6], $0x80, s7, s6, $0xb8;
	[tilespmem:$0x19400] =	vst v63  }
0xa8: {  	s1 =	simm.s32 @p1 $0xB  }
0xa9: {  	_ =	swait.ge @p1 [sflag:s1], $0x4000  }
0xaa: {  	[sflag:s1] =	ssyncset.done @p1 $0x0  }
0xab: {  	s5 =	sadd.s32 @p1 $0x200, s5;
	[sflag:s1] =	ssyncadd.s32 @p1 $0xFFFFC000;
	s1 =	simm.s32 @p1 $0x11400  }
0xac: {  	[tilespmem:s1], [sflag:$0x5] =	stream.indirect.gather @p1 [hbm4b:s0+s6], $0x80, s5, s6, $0xb8;
	[tilespmem:$0x19400] =	vst v63  }
0xad: {  	s1 =	simm.s32 @p1 $0xC  }
0xae: {  	_ =	swait.ge @p1 [sflag:s1], $0x4000  }
0xaf: {  	s5 =	simm.s32 @!p1 $0x80;
	[sflag:s1] =	ssyncset.done @p1 $0x0  }
0xb0: {  	s6 =	simm.s32 @!p1 $0x0;
	[sflag:s1] =	ssyncadd.s32 @p1 $0xFFFFC000;
	s1 =	simm.s32 @!p1 $0x1400  }
0xb1: {  	[tilespmem:s1], [sflag:$0x1] =	stream.indirect.gather @!p1 [hbm4b:s0+s5], $0x80, s6, s5, $0xb8;
	[tilespmem:$0x19400] =	vst v63  }
0xb2: {  	s1 =	simm.s32 @!p1 $0x5400  }
0xb3: {  	[tilespmem:s1], [sflag:$0x2] =	stream.indirect.gather @!p1 [hbm4b:s0+s5], $0x80, s5, s5, $0xb8;
	[tilespmem:$0x19400] =	vst v63  }
0xb4: {  	s6 =	simm.s32 @!p1 $0x9400;
	s1 =	simm.s32 @!p1 $0x100  }
0xb5: {  	[tilespmem:s6], [sflag:$0x3] =	stream.indirect.gather @!p1 [hbm4b:s0+s5], $0x80, s1, s5, $0xb8;
	[tilespmem:$0x19400] =	vst v63  }
0xb6: {  	s1 =	simm.s32 @!p1 $0x180;
	s6 =	simm.s32 @!p1 $0xD400  }
0xb7: {  	[tilespmem:s6], [sflag:$0x4] =	stream.indirect.gather @!p1 [hbm4b:s0+s5], $0x80, s1, s5, $0xb8;
	[tilespmem:$0x19400] =	vst v63  }
0xb8: {  	s1 =	simm.s32 @!p1 $0x11400;
	s6 =	simm.s32 @!p1 $0x200  }
0xb9: {  	[tilespmem:s1], [sflag:$0x5] =	stream.indirect.gather @!p1 [hbm4b:s0+s5], $0x80, s6, s5, $0xb8;
	[tilespmem:$0x19400] =	vst v63  }
0xba: {  	s1 =	smov.u32 s11  }
0xbb: {  	s5 =	sadd.s32 @p1 $0xFFFFFFFB, s11;
	s1 =	simm.s32 @!p1 $0x5  }
0xbc: {  	s5 =	simm.s32 @!p1 $0x0;
	s26 =	sshll.u32 s1, $0x7  }
0xbd: {  	s5 =	sadd.s32 s4, s5;
	s6 =	sand.u32 $0x3FFFFF80, s26  }
0xbe: {  	[tilespmem:s14], [sflag:$0x6] =	stream.indirect.gather [hbm4b:s0+s13], $0x80, s6, s13, $0xb8;
	[tilespmem:$0x19400] =	vst v63  }
0xbf: {  	s5 =	sshll.u32 s5, $0xB;
	s6 =	sadd.s32 @p1 $0xFFFFFFFC, s11;
	_ =	swait.ge [sflag:s15], $0x4000  }
0xc0: {  	s5 =	sand.u32 $0x1FFFF800, s5;
	s6 =	simm.s32 @!p1 $0x1;
	[sflag:s15] =	ssyncset.done $0x0  }
0xc1: {  	s5 =	sadd.s32 s2, s5;
	s6 =	sadd.s32 s4, s6;
	[sflag:s15] =	ssyncadd.s32 $0xFFFFC000  }
0xc2: {  	[hbm4b:s5+s3] =	stream.linear.scatter [tilespmem:s16], [sflag:$0x7], $0x4000, $0x38;
	[tilespmem:$0x19400] =	vst v63  }
0xc3: {  	s6 =	sshll.u32 s6, $0xB;
	s5 =	sadd.s32 @p1 $0xFFFFFFFD, s11;
	_ =	swait.ge [sflag:s17], $0x4000  }
0xc4: {  	s6 =	sand.u32 $0x1FFFF800, s6;
	s5 =	simm.s32 @!p1 $0x2;
	[sflag:s17] =	ssyncset.done $0x0  }
0xc5: {  	s6 =	sadd.s32 s2, s6;
	s5 =	sadd.s32 s4, s5;
	[sflag:s17] =	ssyncadd.s32 $0xFFFFC000  }
0xc6: {  	[hbm4b:s6+s3] =	stream.linear.scatter [tilespmem:s18], [sflag:$0x8], $0x4000, $0x38;
	[tilespmem:$0x19400] =	vst v63  }
0xc7: {  	s5 =	sshll.u32 s5, $0xB;
	s6 =	sadd.s32 @p1 $0xFFFFFFFE, s11;
	_ =	swait.ge [sflag:s19], $0x4000  }
0xc8: {  	s5 =	sand.u32 $0x1FFFF800, s5;
	s6 =	simm.s32 @!p1 $0x3;
	[sflag:s19] =	ssyncset.done $0x0  }
0xc9: {  	s5 =	sadd.s32 s2, s5;
	s29 =	sadd.s32 s4, s6;
	[sflag:s19] =	ssyncadd.s32 $0xFFFFC000  }
0xca: {  	[hbm4b:s5+s3] =	stream.linear.scatter [tilespmem:s20], [sflag:$0x9], $0x4000, $0x38;
	[tilespmem:$0x19400] =	vst v63  }
0xcb: {  	s5 =	sshll.u32 s29, $0xB;
	_ =	swait.ge [sflag:s21], $0x4000  }
0xcc: {  	s5 =	sand.u32 $0x1FFFF800, s5;
	[sflag:s21] =	ssyncset.done $0x0  }
0xcd: {  	s30 =	rddreg [dreg:$0x4];
	s5 =	sadd.s32 s2, s5;
	[sflag:s21] =	ssyncadd.s32 $0xFFFFC000  }
0xce: {  	[hbm4b:s5+s3] =	stream.linear.scatter [tilespmem:s30], [sflag:$0xA], $0x4000, $0x38;
	[tilespmem:$0x19400] =	vst v63  }
0xcf: {  	s5 =	sadd.s32 @p1 $0xFFFFFFFF, s11  }
0xd0: {  	s5 =	simm.s32 @!p1 $0x4  }
0xd1: {  	s5 =	sadd.s32 s4, s5  }
0xd2: {  	_ =	swait.ge [sflag:s22], $0x4000;
	s5 =	sshll.u32 s5, $0xB  }
0xd3: {  	s1 =	sadd.s32 s4, s1;
	[sflag:s22] =	ssyncset.done $0x0;
	s5 =	sand.u32 $0x1FFFF800, s5  }
0xd4: {  	s31 =	rddreg [dreg:$0x5];
	[sflag:s22] =	ssyncadd.s32 $0xFFFFC000;
	s5 =	sadd.s32 s2, s5  }
0xd5: {  	[hbm4b:s5+s3] =	stream.linear.scatter [tilespmem:s31], [sflag:$0xB], $0x4000, $0x38;
	[tilespmem:$0x19400] =	vst v63  }
0xd6: {  	s1 =	sshll.u32 s1, $0xB;
	_ =	swait.ge [sflag:s23], $0x4000  }
0xd7: {  	s1 =	sand.u32 $0x1FFFF800, s1;
	[sflag:s23] =	ssyncset.done $0x0  }
0xd8: {  	s1 =	sadd.s32 s2, s1;
	s6 =	simm.s32 $0x7;
	[sflag:s23] =	ssyncadd.s32 $0xFFFFC000  }
0xd9: {  	[hbm4b:s1+s3] =	stream.linear.scatter [tilespmem:s14], [sflag:$0xC], $0x4000, $0x38;
	[tilespmem:$0x19400] =	vst v63  }
0xda: {  	_ =	swait.ge [sflag:s6], $0x4000  }
0xdb: {  	[sflag:s6] =	ssyncset.done $0x0  }
0xdc: {  	s7 =	simm.s32 $0x1200;
	[sflag:s6] =	ssyncadd.s32 $0xFFFFC000  }
0xdd: {  	[tilespmem:s16], [sflag:$0x1] =	stream.indirect.gather [hbm4b:s0+s13], $0x80, s7, s13, $0xb8;
	[tilespmem:$0x19400] =	vst v63  }
0xde: {  	_ =	swait.ge [sflag:s15], $0x4000  }
0xdf: {  	[sflag:s15] =	ssyncset.done $0x0  }
0xe0: {  	s8 =	rddreg [dreg:$0x8];
	[sflag:s15] =	ssyncadd.s32 $0xFFFFC000  }
0xe1: {  	[hbm4b:s8+s3] =	stream.linear.scatter [tilespmem:s16], [sflag:$0x7], $0x4000, $0x38;
	[tilespmem:$0x19400] =	vst v63  }
0xe2: {  	_ =	swait.ge [sflag:s6], $0x4000  }
0xe3: {  	[sflag:s6] =	ssyncset.done $0x0  }
0xe4: {  	s9 =	simm.s32 $0x8;
	[sflag:s6] =	ssyncadd.s32 $0xFFFFC000  }
0xe5: {  	_ =	swait.ge [sflag:s9], $0x4000  }
0xe6: {  	[sflag:s9] =	ssyncset.done $0x0  }
0xe7: {  	s10 =	simm.s32 $0x1280;
	[sflag:s9] =	ssyncadd.s32 $0xFFFFC000  }
0xe8: {  	[tilespmem:s18], [sflag:$0x2] =	stream.indirect.gather [hbm4b:s0+s13], $0x80, s10, s13, $0xb8;
	[tilespmem:$0x19400] =	vst v63  }
0xe9: {  	_ =	swait.ge [sflag:s17], $0x4000  }
0xea: {  	[sflag:s17] =	ssyncset.done $0x0  }
0xeb: {  	s11 =	rddreg [dreg:$0x9];
	[sflag:s17] =	ssyncadd.s32 $0xFFFFC000  }
0xec: {  	[hbm4b:s11+s3] =	stream.linear.scatter [tilespmem:s18], [sflag:$0x8], $0x4000, $0x38;
	[tilespmem:$0x19400] =	vst v63  }
0xed: {  	_ =	swait.ge [sflag:s9], $0x4000  }
0xee: {  	[sflag:s9] =	ssyncset.done $0x0  }
0xef: {  	s12 =	simm.s32 $0x9;
	[sflag:s9] =	ssyncadd.s32 $0xFFFFC000  }
0xf0: {  	_ =	swait.ge [sflag:s12], $0x4000  }
0xf1: {  	[sflag:s12] =	ssyncset.done $0x0  }
0xf2: {  	s24 =	simm.s32 $0x1300;
	[sflag:s12] =	ssyncadd.s32 $0xFFFFC000  }
0xf3: {  	[tilespmem:s20], [sflag:$0x3] =	stream.indirect.gather [hbm4b:s0+s13], $0x80, s24, s13, $0xb8;
	[tilespmem:$0x19400] =	vst v63  }
0xf4: {  	_ =	swait.ge [sflag:s19], $0x4000  }
0xf5: {  	[sflag:s19] =	ssyncset.done $0x0  }
0xf6: {  	s25 =	rddreg [dreg:$0xa];
	[sflag:s19] =	ssyncadd.s32 $0xFFFFC000  }
0xf7: {  	[hbm4b:s25+s3] =	stream.linear.scatter [tilespmem:s20], [sflag:$0x9], $0x4000, $0x38;
	[tilespmem:$0x19400] =	vst v63  }
0xf8: {  	_ =	swait.ge [sflag:s12], $0x4000  }
0xf9: {  	[sflag:s12] =	ssyncset.done $0x0  }
0xfa: {  	s26 =	simm.s32 $0xA;
	[sflag:s12] =	ssyncadd.s32 $0xFFFFC000  }
0xfb: {  	_ =	swait.ge [sflag:s26], $0x4000  }
0xfc: {  	s5 =	simm.s32 @!p0 $0x1380;
	[sflag:s26] =	ssyncset.done $0x0  }
0xfd: {  	s1 =	simm.s32 @!p0 $0x80;
	s6 =	simm.s32 @!p0 $0xD400;
	[sflag:s26] =	ssyncadd.s32 $0xFFFFC000  }
0xfe: {  	[tilespmem:s6], [sflag:$0x4] =	stream.indirect.gather @!p0 [hbm4b:s0+s1], $0x80, s5, s1, $0xb8;
	[tilespmem:$0x19400] =	vst v63  }
0xff: {  	s1 =	simm.s32 @!p0 $0x4  }
0x100: {  	_ =	swait.ge @!p0 [sflag:s1], $0x4000  }
0x101: {  	[sflag:s1] =	ssyncset.done @!p0 $0x0  }
0x102: {  	s5 =	rddreg [dreg:$0xb];
	[sflag:s1] =	ssyncadd.s32 @!p0 $0xFFFFC000;
	s1 =	simm.s32 @!p0 $0x0  }
0x103: {  	[hbm4b:s5+s1] =	stream.linear.scatter @!p0 [tilespmem:s6], [sflag:$0xA], $0x4000, $0x38;
	[tilespmem:$0x19400] =	vst v63  }
0x104: {  	s1 =	simm.s32 @!p0 $0xA  }
0x105: {  	_ =	swait.ge @!p0 [sflag:s1], $0x4000  }
0x106: {  	[sflag:s1] =	ssyncset.done @!p0 $0x0  }
0x107: {  	s29 =	simm.s32 $0xB;
	[sflag:s1] =	ssyncadd.s32 @!p0 $0xFFFFC000  }
0x108: {  	_ =	swait.ge [sflag:s29], $0x4000  }
0x109: {  	[sflag:s29] =	ssyncset.done $0x0  }
0x10a: {  	s30 =	simm.s32 $0xC;
	[sflag:s29] =	ssyncadd.s32 $0xFFFFC000  }
0x10b: {  	_ =	swait.ge [sflag:s30], $0x4000  }
0x10c: {  	s28 =	sadd.s32 $0x1, s28;
	s31 =	rddreg [dreg:$0xc]  }
0x10d: {  	p1 =	sne.s32 s28, s31  }
.Ltmp1:
0x10e: {  	_ = 	snop;
	(pc) =	sbr.rel @p1 .LBB2_1-.Ltmp1, $3  }
0x10f: {  	_ =	sdelay $0x1  }
0x110: {  	[sflag:s30] =	ssyncset.done $0x0  }
0x111: {  	[sflag:s30] =	ssyncadd.s32 $0xFFFFC000  }
0x112: {  	_ =	sfence.sel $0x180000  }
0x113: {  	[bflag:$0x0] =	sbarrier.arrive $0xFFFF  }
0x114: {  	_ =	strace $0x90000047  }
0x115: {  	[bflag:$0x2] =	sbarrier.arrive $0xFFFF  }
0x116: {  	s0 =	rddreg [dreg:$0x3]  }
0x117: {  	s0 =	sadd.s32 @!p0 $0x100000, s0  }
0x118: {  	[sflag:s0] =	ssyncadd.tile.s32 @!p0 $0x1;
	_ =	shalt  }
.Lfunc_end2:
_tile_overlayer_lowered:
.L_overlay_start_2:
0x119: {  	(tag) =	ssettag $0x2  }
0x11a: {  	s0 =	rddreg [dreg:$0x0];
	s2 =	stileid.u32  }
0x11b: {  	s1 =	rddreg [dreg:$0x1];
	p0 =	sne.s32 s2, $0x0  }
0x11c: {  	s3 =	rddreg [dreg:$0x2];
	[bflag:$0x3] =	sbarrier.arrive $0xFFFF;
	s2 =	simm.s32 @!p0 $0x1C0D  }
0x11d: {  	[timem:s3], [sflag:s2] =	dma.local @!p0 [hbm:s0], s1  }
0x11e: {  	s0 =	simm.s32 @!p0 $0xD  }
0x11f: {  	_ =	swait.ge @!p0 [sflag:s0], s1  }
0x120: {  	s1 =	ssub.s32 @!p0 $0x0, s1;
	[sflag:s0] =	ssyncset.done @!p0 $0x0  }
0x121: {  	[sflag:s0] =	ssyncadd.s32 @!p0 s1  }
0x122: {  	[bflag:$0x3] =	sbarrier.arrive $0xFFFF  }
0x123: {  	_ =	shalt  }

</sc_bundles>
